<compile_context>
chip_gen: v7x
topology: tpu7x:2x2x1
jax: 0.10.2.dev20260603
libtpu: 0.0.44.dev20260713+nightly
codegen_flags: <defaults>
</compile_context>

<pallas_src>
import functools

import jax
import jax.numpy as jnp
from jax import lax
from jax.experimental import pallas as pl
from jax.experimental.pallas import tpu as pltpu
from jax.experimental.pallas import tpu_sc as plsc

STATE = 8

_NC = 2
_NS = 16
_NW = _NC * _NS

_CHUNK = 125
_UNROLL = 5
_SB = 3136


def _sc_transpose(xt, n):
    per_w = n // _NW

    @functools.partial(
        pl.kernel,
        out_type=jax.ShapeDtypeStruct((n, STATE), jnp.float32),
        mesh=plsc.VectorSubcoreMesh(core_axis_name="c", subcore_axis_name="s"),
        compiler_params=pltpu.CompilerParams(
            use_tc_tiling_on_sc=False, needs_layout_passes=False),
        scratch_types=[
            pltpu.VMEM((STATE, _SB), jnp.float32),
            pltpu.VMEM((_SB, STATE), jnp.float32),
        ],
    )
    def tr_kernel(xt_hbm, xlin_hbm, xt_v, xw_v):
        c = lax.axis_index("c")
        s = lax.axis_index("s")
        wid = s * _NC + c
        start = jnp.minimum(wid * per_w - (5 * wid) % 8, n - _SB)
        base = pl.multiple_of(start, 8)
        iota = lax.iota(jnp.int32, 16)
        rowi = iota & 7
        colb = iota >> 3

        for f in range(STATE):
            pltpu.sync_copy(xt_hbm.at[pl.ds(f * n + base, _SB)], xt_v.at[f])

        def tbody(m, carry):
            col = colb + 2 * m
            v = plsc.load_gather(xt_v, [rowi, col])
            plsc.store_scatter(xw_v, [col, rowi], v)
            return carry

        lax.fori_loop(0, _SB * STATE // 16, tbody, 0, unroll=8)
        pltpu.sync_copy(xw_v, xlin_hbm.at[pl.ds(base, _SB)])

    return tr_kernel(xt)


def _sc_transpose_out(ow, n):
    per_w = n // _NW

    @functools.partial(
        pl.kernel,
        out_type=jax.ShapeDtypeStruct((STATE * n,), jnp.float32),
        mesh=plsc.VectorSubcoreMesh(core_axis_name="c", subcore_axis_name="s"),
        compiler_params=pltpu.CompilerParams(
            use_tc_tiling_on_sc=False, needs_layout_passes=False),
        scratch_types=[
            pltpu.VMEM((_SB, STATE), jnp.float32),
            pltpu.VMEM((STATE, _SB), jnp.float32),
        ],
    )
    def tr_kernel(ow_hbm, of_hbm, xw_v, xt_v):
        c = lax.axis_index("c")
        s = lax.axis_index("s")
        wid = s * _NC + c
        start = jnp.minimum(wid * per_w - (5 * wid) % 8, n - _SB)
        base = pl.multiple_of(start, 8)
        iota = lax.iota(jnp.int32, 16)
        rowi = iota & 7
        colb = iota >> 3

        pltpu.sync_copy(ow_hbm.at[pl.ds(base, _SB)], xw_v)

        def tbody(m, carry):
            col = colb + 2 * m
            v = plsc.load_gather(xw_v, [col, rowi])
            plsc.store_scatter(xt_v, [rowi, col], v)
            return carry

        lax.fori_loop(0, _SB * STATE // 16, tbody, 0, unroll=8)
        for f in range(STATE):
            pltpu.sync_copy(xt_v.at[f], of_hbm.at[pl.ds(f * n + base, _SB)])

    return tr_kernel(ow)


def _sc_segment_sum(x, ei_r, zeros, k_chunks):
    n = x.shape[0]
    zr = n // _NS
    u_n = _UNROLL
    outer = k_chunks // u_n

    @functools.partial(
        pl.kernel,
        out_type=jax.ShapeDtypeStruct((2 * n, STATE), jnp.float32),
        mesh=plsc.VectorSubcoreMesh(core_axis_name="c", subcore_axis_name="s"),
        compiler_params=pltpu.CompilerParams(use_tc_tiling_on_sc=False),
        scratch_types=[
            pltpu.VMEM((k_chunks, _CHUNK), jnp.int32),
            pltpu.VMEM((k_chunks, _CHUNK), jnp.int32),
            pltpu.VMEM((u_n, _CHUNK, STATE), jnp.float32),
            pltpu.VMEM_SHARED((n, STATE), jnp.float32),
            pltpu.SemaphoreType.DMA,
            pltpu.SemaphoreType.DMA,
        ],
    )
    def sc_kernel(x_hbm, ei_hbm, zeros_hbm, p_hbm,
                  src_v, dst_v, rows_v, agg_sh, gsem, ssem):
        c = lax.axis_index("c")
        s = lax.axis_index("s")
        wid = s * _NC + c

        pltpu.sync_copy(zeros_hbm.at[pl.ds(s * zr, zr)],
                        agg_sh.at[pl.ds(s * zr, zr)])
        plsc.subcore_barrier()

        pltpu.sync_copy(ei_hbm.at[0, wid], src_v)
        pltpu.sync_copy(ei_hbm.at[1, wid], dst_v)

        def scatter_descr(u, j):
            return pltpu.make_async_copy(
                rows_v.at[u], agg_sh.at[dst_v.at[j]], ssem)

        def body(jo, carry):
            base = jo * u_n

            @pl.when(jo > 0)
            def _():
                for u in range(u_n):
                    scatter_descr(u, base + u).wait()

            gets = [
                pltpu.async_copy(x_hbm.at[src_v.at[base + u]],
                                 rows_v.at[u], gsem)
                for u in range(u_n)
            ]
            for u in range(u_n):
                gets[u].wait()
                scatter_descr(u, base + u).start(add=True)
            return carry

        lax.fori_loop(0, outer, body, 0)
        for u in range(u_n):
            scatter_descr(u, u).wait()
        plsc.subcore_barrier()

        pltpu.sync_copy(agg_sh.at[pl.ds(s * zr, zr)],
                        p_hbm.at[pl.ds(c * n + s * zr, zr)])

    return sc_kernel(x, ei_r, zeros)


def _mlp_block(x_ref, p0_ref, p1_ref, w1a_ref, w1b_ref, b1_ref, w2_ref,
               b2_ref, o_ref):
    agg = (p0_ref[0] + p1_ref[0]) * (1.0 / 6.0)
    pre = (jnp.dot(x_ref[...], w1a_ref[...], preferred_element_type=jnp.float32)
           + jnp.dot(agg, w1b_ref[...], preferred_element_type=jnp.float32)
           + b1_ref[...])
    h = jnp.tanh(pre)
    o_ref[...] = jnp.tanh(
        jnp.dot(h, w2_ref[...], preferred_element_type=jnp.float32)
        + b2_ref[...])


def _block_diag(w, copies):
    a, b = w.shape
    eye = jnp.eye(copies, dtype=w.dtype)
    return (eye[:, None, :, None] * w[None, :, None, :]).reshape(
        copies * a, copies * b)


def _mlp_wide(xw, pw, w1, b1, w2, b2):
    nw = xw.shape[0]
    hid = w1.shape[1]
    cells = 128 // STATE
    bw = nw
    grid = (nw // bw,)
    p3 = pw.reshape(2, nw, 128)

    w1a = _block_diag(w1[:STATE], cells)
    w1b = _block_diag(w1[STATE:], cells)
    w2d = _block_diag(w2, cells)
    b1t = jnp.tile(b1, cells).reshape(1, cells * hid)
    b2t = jnp.tile(b2, cells).reshape(1, cells * STATE)

    const = lambda shape: pl.BlockSpec(shape, lambda i: (0, 0))
    return pl.pallas_call(
        _mlp_block,
        grid=grid,
        in_specs=[
            pl.BlockSpec((bw, 128), lambda i: (i, 0)),
            pl.BlockSpec((1, bw, 128), lambda i: (0, i, 0)),
            pl.BlockSpec((1, bw, 128), lambda i: (1, i, 0)),
            const((128, cells * hid)), const((128, cells * hid)),
            const((1, cells * hid)),
            const((cells * hid, 128)), const((1, 128)),
        ],
        out_specs=pl.BlockSpec((bw, 128), lambda i: (i, 0)),
        out_shape=jax.ShapeDtypeStruct((nw, 128), jnp.float32),
    )(xw, p3, p3, w1a, w1b, b1t, w2d, b2t)


def kernel(x, edge_index, W1, b1, W2, b2):
    n = x.shape[0]
    e = edge_index.shape[1]
    assert e % (_NW * _CHUNK * _UNROLL) == 0
    assert n % (128 // STATE) == 0 and n % _NS == 0
    assert n % _NW == 0 and _SB >= n // _NW + 8
    k_chunks = e // (_NW * _CHUNK)

    ei_r = edge_index.reshape(2, _NW, k_chunks, _CHUNK)
    zeros = jnp.zeros((n, STATE), jnp.float32)

    x_lin = _sc_transpose(x.T.reshape(-1), n)
    partials = _sc_segment_sum(x_lin, ei_r, zeros, k_chunks)
    nw = n * STATE // 128
    xw = x_lin.reshape(nw, 128)
    pw = partials.reshape(2 * nw, 128)
    out_w = _mlp_wide(xw, pw, W1, b1, W2, b2)
    out_f = _sc_transpose_out(out_w.reshape(n, STATE), n)
    return out_f.reshape(STATE, n).T

# --- scband reference (transcript-rebuilt; emitter-appended) ---
"""Pipeline reference for scband-lattice3-d-38293928411137 (READ-ONLY COPY).

The authoritative reference and input builder live on the scoring server;
editing this copy changes nothing except your own understanding.
"""

import jax, jax.numpy as jnp
import numpy as np

N = 100000   # 50*50*40 lattice cells
E = 600000   # 6 neighbors per cell (periodic boundary)
STATE = 8    # cell state_size
HID = 16     # cell hidden_size


def setup_inputs(seed: int = 0) -> dict:
    key = jax.random.key(seed)
    k1, k2, k3, k4 = jax.random.split(key, 4)
    x = jax.random.normal(k1, (N, STATE), dtype=jnp.float32) * 0.1
    edge_index = jax.random.randint(k2, (2, E), 0, N, dtype=jnp.int32)
    W1 = jax.random.normal(k3, (2 * STATE, HID), dtype=jnp.float32) / jnp.sqrt(2.0 * STATE)
    b1 = jnp.zeros((HID,), dtype=jnp.float32)
    W2 = jax.random.normal(k4, (HID, STATE), dtype=jnp.float32) / jnp.sqrt(float(HID))
    b2 = jnp.zeros((STATE,), dtype=jnp.float32)
    return {"x": x, "edge_index": edge_index, "W1": W1, "b1": b1, "W2": W2, "b2": b2}


def reference(x, edge_index, W1, b1, W2, b2):
    # One synchronous lattice update step (NCA-style message passing):
    # 1) gather source-cell states along edges
    # 2) scatter-add (segment_sum) into destination cells, average over 6 neighbors
    # 3) cell prototype MLP: tanh(Linear(16->16)) -> tanh(Linear(16->8))
    src = edge_index[0]
    dst = edge_index[1]
    msgs = jnp.take(x, src, axis=0)                      # gather [E, STATE]
    agg = jax.ops.segment_sum(msgs, dst, num_segments=N) / 6.0  # scatter-add [N, STATE]
    inp = jnp.concatenate([x, agg], axis=-1)             # [N, 2*STATE]
    h = jnp.tanh(inp @ W1 + b1)                          # [N, HID]
    new_state = jnp.tanh(h @ W2 + b2)                    # [N, STATE]
    return new_state

if __name__ == "__main__":
    import jax
    _d = setup_inputs()
    print(jax.jit(kernel)(*tuple(_d.values())))

</pallas_src>

<mosaic_0001>
#map = affine_map<(d0, d1) -> (0)>
#map1 = affine_map<(d0, d1) -> (0, 0)>
module attributes {stable_mosaic.version = 14 : i64} {
  func.func @tr_kernel(%arg0: i32, %arg1: i32, %arg2: memref<800000xf32, #tpu.memory_space<hbm>>, %arg3: memref<100000x8xf32, #tpu.memory_space<hbm>>, %arg4: memref<8x3136xf32, #tpu.memory_space<vmem>>, %arg5: memref<3136x8xf32, #tpu.memory_space<vmem>>) attributes {dimension_semantics = [#tpu.dimension_semantics<core_parallel>, #tpu.dimension_semantics<subcore_parallel>], iteration_bounds = array<i64: 2, 16>, scalar_prefetch = 0 : i64, scratch_operands = 2 : i64, tpu.core_type = #tpu.core_type<sc_vector_subcore>, window_params = [{transform_indices = #map}, {transform_indices = #map1}]} {
    %mul3A = arith.constant 2 : i32
    %mul3A_0 = arith.muli %arg1, %mul3A : i32
    %add3A = arith.addi %mul3A_0, %arg0 : i32
    %mul3A_1 = arith.constant 3125 : i32
    %mul3A_2 = arith.muli %add3A, %mul3A_1 : i32
    %mul3A_3 = arith.constant 5 : i32
    %mul3A_4 = arith.muli %mul3A_3, %add3A : i32
    %jit3A = arith.constant 8 : i32
    %eq3A = arith.constant 0 : i32
    %eq3A_5 = arith.cmpi eq, %jit3A, %eq3A : i32
    %jit3A_6 = arith.constant 1 : i32
    %select_n3A = arith.select %eq3A_5, %jit3A_6, %jit3A : i32
    %rem3A = arith.remsi %mul3A_4, %select_n3A : i32
    %ne3A = arith.constant 0 : i32
    %ne3A_7 = arith.cmpi ne, %rem3A, %ne3A : i32
    %lt3A = arith.constant 0 : i32
    %lt3A_8 = arith.cmpi slt, %rem3A, %lt3A : i32
    %lt3A_9 = arith.constant 0 : i32
    %lt3A_10 = arith.cmpi slt, %select_n3A, %lt3A_9 : i32
    %ne3A_11 = arith.xori %lt3A_8, %lt3A_10 : i1
    %and3A = arith.andi %ne3A_11, %ne3A_7 : i1
    %add3A_12 = arith.addi %rem3A, %select_n3A : i32
    %select_n3A_13 = arith.select %and3A, %add3A_12, %rem3A : i32
    %sub3A = arith.subi %mul3A_2, %select_n3A_13 : i32
    %min3A = arith.constant 96864 : i32
    %min3A_14 = arith.minsi %sub3A, %min3A : i32
    %multiple_of3A = tpu.assume_multiple %min3A_14, 8 : i32
    %iota3A = tpu.iota {dimensions = array<i32: 0>} : vector<16xi32>
    %and3A_15 = arith.constant 7 : i32
    %and3A_16 = vector.broadcast %and3A_15 : i32 to vector<16xi32>
    %and3A_17 = arith.andi %iota3A, %and3A_16 : vector<16xi32>
    %shift_right_arithmetic3A = arith.constant 3 : i32
    %shift_right_arithmetic3A_18 = vector.broadcast %shift_right_arithmetic3A : i32 to vector<16xi32>
    %shift_right_arithmetic3A_19 = arith.shrsi %iota3A, %shift_right_arithmetic3A_18 : vector<16xi32>
    %add3A_20 = arith.constant 0 : i32
    %add3A_21 = arith.addi %add3A_20, %multiple_of3A : i32
    %run_scoped3A = arith.constant 0 : i32
    "tpu.region"() ({
      %run_scoped3A_48 = tpu.sem_alloc : memref<!tpu.dma_semaphore, #tpu.memory_space<semaphore_mem>>
      %dma_start3A = arith.constant 0 : i32
      %dma_start3A_49 = tpu.memref_slice %arg4[%run_scoped3A, %dma_start3A] : memref<8x3136xf32, #tpu.memory_space<vmem>> -> memref<1x3136xf32, #tpu.memory_space<vmem>>
      %dma_start3A_50 = tpu.memref_squeeze %dma_start3A_49 : memref<1x3136xf32, #tpu.memory_space<vmem>> -> memref<3136xf32, #tpu.memory_space<vmem>>
      %dma_start3A_51 = tpu.memref_slice %arg2[%add3A_21] : memref<800000xf32, #tpu.memory_space<hbm>> -> memref<3136xf32, #tpu.memory_space<hbm>>
      %dma_start3A_52 = arith.constant 0 : i32
      %dma_start3A_53 = tpu.memref_slice %arg4[%run_scoped3A, %dma_start3A_52] : memref<8x3136xf32, #tpu.memory_space<vmem>> -> memref<1x3136xf32, #tpu.memory_space<vmem>>
      %dma_start3A_54 = tpu.memref_squeeze %dma_start3A_53 : memref<1x3136xf32, #tpu.memory_space<vmem>> -> memref<3136xf32, #tpu.memory_space<vmem>>
      %dma_start3A_55 = tpu.memref_slice %arg2[%add3A_21] : memref<800000xf32, #tpu.memory_space<hbm>> -> memref<3136xf32, #tpu.memory_space<hbm>>
      tpu.enqueue_dma source(%dma_start3A_55 : memref<3136xf32, #tpu.memory_space<hbm>>) target(%dma_start3A_54 : memref<3136xf32, #tpu.memory_space<vmem>>) target_semaphore(%run_scoped3A_48 : memref<!tpu.dma_semaphore, #tpu.memory_space<semaphore_mem>>)
      %dma_wait3A = arith.constant 0 : i32
      %dma_wait3A_56 = tpu.memref_slice %arg4[%run_scoped3A, %dma_wait3A] : memref<8x3136xf32, #tpu.memory_space<vmem>> -> memref<1x3136xf32, #tpu.memory_space<vmem>>
      %dma_wait3A_57 = tpu.memref_squeeze %dma_wait3A_56 : memref<1x3136xf32, #tpu.memory_space<vmem>> -> memref<3136xf32, #tpu.memory_space<vmem>>
      %dma_wait3A_58 = tpu.memref_slice %arg2[%add3A_21] : memref<800000xf32, #tpu.memory_space<hbm>> -> memref<3136xf32, #tpu.memory_space<hbm>>
      %dma_wait3A_59 = arith.constant 0 : i32
      %dma_wait3A_60 = tpu.memref_slice %arg4[%run_scoped3A, %dma_wait3A_59] : memref<8x3136xf32, #tpu.memory_space<vmem>> -> memref<1x3136xf32, #tpu.memory_space<vmem>>
      %dma_wait3A_61 = tpu.memref_squeeze %dma_wait3A_60 : memref<1x3136xf32, #tpu.memory_space<vmem>> -> memref<3136xf32, #tpu.memory_space<vmem>>
      %dma_wait3A_62 = tpu.memref_slice %arg2[%add3A_21] : memref<800000xf32, #tpu.memory_space<hbm>> -> memref<3136xf32, #tpu.memory_space<hbm>>
      tpu.wait_dma2 semaphore(%run_scoped3A_48 : memref<!tpu.dma_semaphore, #tpu.memory_space<semaphore_mem>>) src(%dma_wait3A_62 : memref<3136xf32, #tpu.memory_space<hbm>>) dst(%dma_wait3A_61 : memref<3136xf32, #tpu.memory_space<vmem>>)
      tpu.yield
    }) : () -> ()
    %add3A_22 = arith.constant 100000 : i32
    %add3A_23 = arith.addi %add3A_22, %multiple_of3A : i32
    %run_scoped3A_24 = arith.constant 1 : i32
    "tpu.region"() ({
      %run_scoped3A_48 = tpu.sem_alloc : memref<!tpu.dma_semaphore, #tpu.memory_space<semaphore_mem>>
      %dma_start3A = arith.constant 0 : i32
      %dma_start3A_49 = tpu.memref_slice %arg4[%run_scoped3A_24, %dma_start3A] : memref<8x3136xf32, #tpu.memory_space<vmem>> -> memref<1x3136xf32, #tpu.memory_space<vmem>>
      %dma_start3A_50 = tpu.memref_squeeze %dma_start3A_49 : memref<1x3136xf32, #tpu.memory_space<vmem>> -> memref<3136xf32, #tpu.memory_space<vmem>>
      %dma_start3A_51 = tpu.memref_slice %arg2[%add3A_23] : memref<800000xf32, #tpu.memory_space<hbm>> -> memref<3136xf32, #tpu.memory_space<hbm>>
      %dma_start3A_52 = arith.constant 0 : i32
      %dma_start3A_53 = tpu.memref_slice %arg4[%run_scoped3A_24, %dma_start3A_52] : memref<8x3136xf32, #tpu.memory_space<vmem>> -> memref<1x3136xf32, #tpu.memory_space<vmem>>
      %dma_start3A_54 = tpu.memref_squeeze %dma_start3A_53 : memref<1x3136xf32, #tpu.memory_space<vmem>> -> memref<3136xf32, #tpu.memory_space<vmem>>
      %dma_start3A_55 = tpu.memref_slice %arg2[%add3A_23] : memref<800000xf32, #tpu.memory_space<hbm>> -> memref<3136xf32, #tpu.memory_space<hbm>>
      tpu.enqueue_dma source(%dma_start3A_55 : memref<3136xf32, #tpu.memory_space<hbm>>) target(%dma_start3A_54 : memref<3136xf32, #tpu.memory_space<vmem>>) target_semaphore(%run_scoped3A_48 : memref<!tpu.dma_semaphore, #tpu.memory_space<semaphore_mem>>)
      %dma_wait3A = arith.constant 0 : i32
      %dma_wait3A_56 = tpu.memref_slice %arg4[%run_scoped3A_24, %dma_wait3A] : memref<8x3136xf32, #tpu.memory_space<vmem>> -> memref<1x3136xf32, #tpu.memory_space<vmem>>
      %dma_wait3A_57 = tpu.memref_squeeze %dma_wait3A_56 : memref<1x3136xf32, #tpu.memory_space<vmem>> -> memref<3136xf32, #tpu.memory_space<vmem>>
      %dma_wait3A_58 = tpu.memref_slice %arg2[%add3A_23] : memref<800000xf32, #tpu.memory_space<hbm>> -> memref<3136xf32, #tpu.memory_space<hbm>>
      %dma_wait3A_59 = arith.constant 0 : i32
      %dma_wait3A_60 = tpu.memref_slice %arg4[%run_scoped3A_24, %dma_wait3A_59] : memref<8x3136xf32, #tpu.memory_space<vmem>> -> memref<1x3136xf32, #tpu.memory_space<vmem>>
      %dma_wait3A_61 = tpu.memref_squeeze %dma_wait3A_60 : memref<1x3136xf32, #tpu.memory_space<vmem>> -> memref<3136xf32, #tpu.memory_space<vmem>>
      %dma_wait3A_62 = tpu.memref_slice %arg2[%add3A_23] : memref<800000xf32, #tpu.memory_space<hbm>> -> memref<3136xf32, #tpu.memory_space<hbm>>
      tpu.wait_dma2 semaphore(%run_scoped3A_48 : memref<!tpu.dma_semaphore, #tpu.memory_space<semaphore_mem>>) src(%dma_wait3A_62 : memref<3136xf32, #tpu.memory_space<hbm>>) dst(%dma_wait3A_61 : memref<3136xf32, #tpu.memory_space<vmem>>)
      tpu.yield
    }) : () -> ()
    %add3A_25 = arith.constant 200000 : i32
    %add3A_26 = arith.addi %add3A_25, %multiple_of3A : i32
    %run_scoped3A_27 = arith.constant 2 : i32
    "tpu.region"() ({
      %run_scoped3A_48 = tpu.sem_alloc : memref<!tpu.dma_semaphore, #tpu.memory_space<semaphore_mem>>
      %dma_start3A = arith.constant 0 : i32
      %dma_start3A_49 = tpu.memref_slice %arg4[%run_scoped3A_27, %dma_start3A] : memref<8x3136xf32, #tpu.memory_space<vmem>> -> memref<1x3136xf32, #tpu.memory_space<vmem>>
      %dma_start3A_50 = tpu.memref_squeeze %dma_start3A_49 : memref<1x3136xf32, #tpu.memory_space<vmem>> -> memref<3136xf32, #tpu.memory_space<vmem>>
      %dma_start3A_51 = tpu.memref_slice %arg2[%add3A_26] : memref<800000xf32, #tpu.memory_space<hbm>> -> memref<3136xf32, #tpu.memory_space<hbm>>
      %dma_start3A_52 = arith.constant 0 : i32
      %dma_start3A_53 = tpu.memref_slice %arg4[%run_scoped3A_27, %dma_start3A_52] : memref<8x3136xf32, #tpu.memory_space<vmem>> -> memref<1x3136xf32, #tpu.memory_space<vmem>>
      %dma_start3A_54 = tpu.memref_squeeze %dma_start3A_53 : memref<1x3136xf32, #tpu.memory_space<vmem>> -> memref<3136xf32, #tpu.memory_space<vmem>>
      %dma_start3A_55 = tpu.memref_slice %arg2[%add3A_26] : memref<800000xf32, #tpu.memory_space<hbm>> -> memref<3136xf32, #tpu.memory_space<hbm>>
      tpu.enqueue_dma source(%dma_start3A_55 : memref<3136xf32, #tpu.memory_space<hbm>>) target(%dma_start3A_54 : memref<3136xf32, #tpu.memory_space<vmem>>) target_semaphore(%run_scoped3A_48 : memref<!tpu.dma_semaphore, #tpu.memory_space<semaphore_mem>>)
      %dma_wait3A = arith.constant 0 : i32
      %dma_wait3A_56 = tpu.memref_slice %arg4[%run_scoped3A_27, %dma_wait3A] : memref<8x3136xf32, #tpu.memory_space<vmem>> -> memref<1x3136xf32, #tpu.memory_space<vmem>>
      %dma_wait3A_57 = tpu.memref_squeeze %dma_wait3A_56 : memref<1x3136xf32, #tpu.memory_space<vmem>> -> memref<3136xf32, #tpu.memory_space<vmem>>
      %dma_wait3A_58 = tpu.memref_slice %arg2[%add3A_26] : memref<800000xf32, #tpu.memory_space<hbm>> -> memref<3136xf32, #tpu.memory_space<hbm>>
      %dma_wait3A_59 = arith.constant 0 : i32
      %dma_wait3A_60 = tpu.memref_slice %arg4[%run_scoped3A_27, %dma_wait3A_59] : memref<8x3136xf32, #tpu.memory_space<vmem>> -> memref<1x3136xf32, #tpu.memory_space<vmem>>
      %dma_wait3A_61 = tpu.memref_squeeze %dma_wait3A_60 : memref<1x3136xf32, #tpu.memory_space<vmem>> -> memref<3136xf32, #tpu.memory_space<vmem>>
      %dma_wait3A_62 = tpu.memref_slice %arg2[%add3A_26] : memref<800000xf32, #tpu.memory_space<hbm>> -> memref<3136xf32, #tpu.memory_space<hbm>>
      tpu.wait_dma2 semaphore(%run_scoped3A_48 : memref<!tpu.dma_semaphore, #tpu.memory_space<semaphore_mem>>) src(%dma_wait3A_62 : memref<3136xf32, #tpu.memory_space<hbm>>) dst(%dma_wait3A_61 : memref<3136xf32, #tpu.memory_space<vmem>>)
      tpu.yield
    }) : () -> ()
    %add3A_28 = arith.constant 300000 : i32
    %add3A_29 = arith.addi %add3A_28, %multiple_of3A : i32
    %run_scoped3A_30 = arith.constant 3 : i32
    "tpu.region"() ({
      %run_scoped3A_48 = tpu.sem_alloc : memref<!tpu.dma_semaphore, #tpu.memory_space<semaphore_mem>>
      %dma_start3A = arith.constant 0 : i32
      %dma_start3A_49 = tpu.memref_slice %arg4[%run_scoped3A_30, %dma_start3A] : memref<8x3136xf32, #tpu.memory_space<vmem>> -> memref<1x3136xf32, #tpu.memory_space<vmem>>
      %dma_start3A_50 = tpu.memref_squeeze %dma_start3A_49 : memref<1x3136xf32, #tpu.memory_space<vmem>> -> memref<3136xf32, #tpu.memory_space<vmem>>
      %dma_start3A_51 = tpu.memref_slice %arg2[%add3A_29] : memref<800000xf32, #tpu.memory_space<hbm>> -> memref<3136xf32, #tpu.memory_space<hbm>>
      %dma_start3A_52 = arith.constant 0 : i32
      %dma_start3A_53 = tpu.memref_slice %arg4[%run_scoped3A_30, %dma_start3A_52] : memref<8x3136xf32, #tpu.memory_space<vmem>> -> memref<1x3136xf32, #tpu.memory_space<vmem>>
      %dma_start3A_54 = tpu.memref_squeeze %dma_start3A_53 : memref<1x3136xf32, #tpu.memory_space<vmem>> -> memref<3136xf32, #tpu.memory_space<vmem>>
      %dma_start3A_55 = tpu.memref_slice %arg2[%add3A_29] : memref<800000xf32, #tpu.memory_space<hbm>> -> memref<3136xf32, #tpu.memory_space<hbm>>
      tpu.enqueue_dma source(%dma_start3A_55 : memref<3136xf32, #tpu.memory_space<hbm>>) target(%dma_start3A_54 : memref<3136xf32, #tpu.memory_space<vmem>>) target_semaphore(%run_scoped3A_48 : memref<!tpu.dma_semaphore, #tpu.memory_space<semaphore_mem>>)
      %dma_wait3A = arith.constant 0 : i32
      %dma_wait3A_56 = tpu.memref_slice %arg4[%run_scoped3A_30, %dma_wait3A] : memref<8x3136xf32, #tpu.memory_space<vmem>> -> memref<1x3136xf32, #tpu.memory_space<vmem>>
      %dma_wait3A_57 = tpu.memref_squeeze %dma_wait3A_56 : memref<1x3136xf32, #tpu.memory_space<vmem>> -> memref<3136xf32, #tpu.memory_space<vmem>>
      %dma_wait3A_58 = tpu.memref_slice %arg2[%add3A_29] : memref<800000xf32, #tpu.memory_space<hbm>> -> memref<3136xf32, #tpu.memory_space<hbm>>
      %dma_wait3A_59 = arith.constant 0 : i32
      %dma_wait3A_60 = tpu.memref_slice %arg4[%run_scoped3A_30, %dma_wait3A_59] : memref<8x3136xf32, #tpu.memory_space<vmem>> -> memref<1x3136xf32, #tpu.memory_space<vmem>>
      %dma_wait3A_61 = tpu.memref_squeeze %dma_wait3A_60 : memref<1x3136xf32, #tpu.memory_space<vmem>> -> memref<3136xf32, #tpu.memory_space<vmem>>
      %dma_wait3A_62 = tpu.memref_slice %arg2[%add3A_29] : memref<800000xf32, #tpu.memory_space<hbm>> -> memref<3136xf32, #tpu.memory_space<hbm>>
      tpu.wait_dma2 semaphore(%run_scoped3A_48 : memref<!tpu.dma_semaphore, #tpu.memory_space<semaphore_mem>>) src(%dma_wait3A_62 : memref<3136xf32, #tpu.memory_space<hbm>>) dst(%dma_wait3A_61 : memref<3136xf32, #tpu.memory_space<vmem>>)
      tpu.yield
    }) : () -> ()
    %add3A_31 = arith.constant 400000 : i32
    %add3A_32 = arith.addi %add3A_31, %multiple_of3A : i32
    %run_scoped3A_33 = arith.constant 4 : i32
    "tpu.region"() ({
      %run_scoped3A_48 = tpu.sem_alloc : memref<!tpu.dma_semaphore, #tpu.memory_space<semaphore_mem>>
      %dma_start3A = arith.constant 0 : i32
      %dma_start3A_49 = tpu.memref_slice %arg4[%run_scoped3A_33, %dma_start3A] : memref<8x3136xf32, #tpu.memory_space<vmem>> -> memref<1x3136xf32, #tpu.memory_space<vmem>>
      %dma_start3A_50 = tpu.memref_squeeze %dma_start3A_49 : memref<1x3136xf32, #tpu.memory_space<vmem>> -> memref<3136xf32, #tpu.memory_space<vmem>>
      %dma_start3A_51 = tpu.memref_slice %arg2[%add3A_32] : memref<800000xf32, #tpu.memory_space<hbm>> -> memref<3136xf32, #tpu.memory_space<hbm>>
      %dma_start3A_52 = arith.constant 0 : i32
      %dma_start3A_53 = tpu.memref_slice %arg4[%run_scoped3A_33, %dma_start3A_52] : memref<8x3136xf32, #tpu.memory_space<vmem>> -> memref<1x3136xf32, #tpu.memory_space<vmem>>
      %dma_start3A_54 = tpu.memref_squeeze %dma_start3A_53 : memref<1x3136xf32, #tpu.memory_space<vmem>> -> memref<3136xf32, #tpu.memory_space<vmem>>
      %dma_start3A_55 = tpu.memref_slice %arg2[%add3A_32] : memref<800000xf32, #tpu.memory_space<hbm>> -> memref<3136xf32, #tpu.memory_space<hbm>>
      tpu.enqueue_dma source(%dma_start3A_55 : memref<3136xf32, #tpu.memory_space<hbm>>) target(%dma_start3A_54 : memref<3136xf32, #tpu.memory_space<vmem>>) target_semaphore(%run_scoped3A_48 : memref<!tpu.dma_semaphore, #tpu.memory_space<semaphore_mem>>)
      %dma_wait3A = arith.constant 0 : i32
      %dma_wait3A_56 = tpu.memref_slice %arg4[%run_scoped3A_33, %dma_wait3A] : memref<8x3136xf32, #tpu.memory_space<vmem>> -> memref<1x3136xf32, #tpu.memory_space<vmem>>
      %dma_wait3A_57 = tpu.memref_squeeze %dma_wait3A_56 : memref<1x3136xf32, #tpu.memory_space<vmem>> -> memref<3136xf32, #tpu.memory_space<vmem>>
      %dma_wait3A_58 = tpu.memref_slice %arg2[%add3A_32] : memref<800000xf32, #tpu.memory_space<hbm>> -> memref<3136xf32, #tpu.memory_space<hbm>>
      %dma_wait3A_59 = arith.constant 0 : i32
      %dma_wait3A_60 = tpu.memref_slice %arg4[%run_scoped3A_33, %dma_wait3A_59] : memref<8x3136xf32, #tpu.memory_space<vmem>> -> memref<1x3136xf32, #tpu.memory_space<vmem>>
      %dma_wait3A_61 = tpu.memref_squeeze %dma_wait3A_60 : memref<1x3136xf32, #tpu.memory_space<vmem>> -> memref<3136xf32, #tpu.memory_space<vmem>>
      %dma_wait3A_62 = tpu.memref_slice %arg2[%add3A_32] : memref<800000xf32, #tpu.memory_space<hbm>> -> memref<3136xf32, #tpu.memory_space<hbm>>
      tpu.wait_dma2 semaphore(%run_scoped3A_48 : memref<!tpu.dma_semaphore, #tpu.memory_space<semaphore_mem>>) src(%dma_wait3A_62 : memref<3136xf32, #tpu.memory_space<hbm>>) dst(%dma_wait3A_61 : memref<3136xf32, #tpu.memory_space<vmem>>)
      tpu.yield
    }) : () -> ()
    %add3A_34 = arith.constant 500000 : i32
    %add3A_35 = arith.addi %add3A_34, %multiple_of3A : i32
    %run_scoped3A_36 = arith.constant 5 : i32
    "tpu.region"() ({
      %run_scoped3A_48 = tpu.sem_alloc : memref<!tpu.dma_semaphore, #tpu.memory_space<semaphore_mem>>
      %dma_start3A = arith.constant 0 : i32
      %dma_start3A_49 = tpu.memref_slice %arg4[%run_scoped3A_36, %dma_start3A] : memref<8x3136xf32, #tpu.memory_space<vmem>> -> memref<1x3136xf32, #tpu.memory_space<vmem>>
      %dma_start3A_50 = tpu.memref_squeeze %dma_start3A_49 : memref<1x3136xf32, #tpu.memory_space<vmem>> -> memref<3136xf32, #tpu.memory_space<vmem>>
      %dma_start3A_51 = tpu.memref_slice %arg2[%add3A_35] : memref<800000xf32, #tpu.memory_space<hbm>> -> memref<3136xf32, #tpu.memory_space<hbm>>
      %dma_start3A_52 = arith.constant 0 : i32
      %dma_start3A_53 = tpu.memref_slice %arg4[%run_scoped3A_36, %dma_start3A_52] : memref<8x3136xf32, #tpu.memory_space<vmem>> -> memref<1x3136xf32, #tpu.memory_space<vmem>>
      %dma_start3A_54 = tpu.memref_squeeze %dma_start3A_53 : memref<1x3136xf32, #tpu.memory_space<vmem>> -> memref<3136xf32, #tpu.memory_space<vmem>>
      %dma_start3A_55 = tpu.memref_slice %arg2[%add3A_35] : memref<800000xf32, #tpu.memory_space<hbm>> -> memref<3136xf32, #tpu.memory_space<hbm>>
      tpu.enqueue_dma source(%dma_start3A_55 : memref<3136xf32, #tpu.memory_space<hbm>>) target(%dma_start3A_54 : memref<3136xf32, #tpu.memory_space<vmem>>) target_semaphore(%run_scoped3A_48 : memref<!tpu.dma_semaphore, #tpu.memory_space<semaphore_mem>>)
      %dma_wait3A = arith.constant 0 : i32
      %dma_wait3A_56 = tpu.memref_slice %arg4[%run_scoped3A_36, %dma_wait3A] : memref<8x3136xf32, #tpu.memory_space<vmem>> -> memref<1x3136xf32, #tpu.memory_space<vmem>>
      %dma_wait3A_57 = tpu.memref_squeeze %dma_wait3A_56 : memref<1x3136xf32, #tpu.memory_space<vmem>> -> memref<3136xf32, #tpu.memory_space<vmem>>
      %dma_wait3A_58 = tpu.memref_slice %arg2[%add3A_35] : memref<800000xf32, #tpu.memory_space<hbm>> -> memref<3136xf32, #tpu.memory_space<hbm>>
      %dma_wait3A_59 = arith.constant 0 : i32
      %dma_wait3A_60 = tpu.memref_slice %arg4[%run_scoped3A_36, %dma_wait3A_59] : memref<8x3136xf32, #tpu.memory_space<vmem>> -> memref<1x3136xf32, #tpu.memory_space<vmem>>
      %dma_wait3A_61 = tpu.memref_squeeze %dma_wait3A_60 : memref<1x3136xf32, #tpu.memory_space<vmem>> -> memref<3136xf32, #tpu.memory_space<vmem>>
      %dma_wait3A_62 = tpu.memref_slice %arg2[%add3A_35] : memref<800000xf32, #tpu.memory_space<hbm>> -> memref<3136xf32, #tpu.memory_space<hbm>>
      tpu.wait_dma2 semaphore(%run_scoped3A_48 : memref<!tpu.dma_semaphore, #tpu.memory_space<semaphore_mem>>) src(%dma_wait3A_62 : memref<3136xf32, #tpu.memory_space<hbm>>) dst(%dma_wait3A_61 : memref<3136xf32, #tpu.memory_space<vmem>>)
      tpu.yield
    }) : () -> ()
    %add3A_37 = arith.constant 600000 : i32
    %add3A_38 = arith.addi %add3A_37, %multiple_of3A : i32
    %run_scoped3A_39 = arith.constant 6 : i32
    "tpu.region"() ({
      %run_scoped3A_48 = tpu.sem_alloc : memref<!tpu.dma_semaphore, #tpu.memory_space<semaphore_mem>>
      %dma_start3A = arith.constant 0 : i32
      %dma_start3A_49 = tpu.memref_slice %arg4[%run_scoped3A_39, %dma_start3A] : memref<8x3136xf32, #tpu.memory_space<vmem>> -> memref<1x3136xf32, #tpu.memory_space<vmem>>
      %dma_start3A_50 = tpu.memref_squeeze %dma_start3A_49 : memref<1x3136xf32, #tpu.memory_space<vmem>> -> memref<3136xf32, #tpu.memory_space<vmem>>
      %dma_start3A_51 = tpu.memref_slice %arg2[%add3A_38] : memref<800000xf32, #tpu.memory_space<hbm>> -> memref<3136xf32, #tpu.memory_space<hbm>>
      %dma_start3A_52 = arith.constant 0 : i32
      %dma_start3A_53 = tpu.memref_slice %arg4[%run_scoped3A_39, %dma_start3A_52] : memref<8x3136xf32, #tpu.memory_space<vmem>> -> memref<1x3136xf32, #tpu.memory_space<vmem>>
      %dma_start3A_54 = tpu.memref_squeeze %dma_start3A_53 : memref<1x3136xf32, #tpu.memory_space<vmem>> -> memref<3136xf32, #tpu.memory_space<vmem>>
      %dma_start3A_55 = tpu.memref_slice %arg2[%add3A_38] : memref<800000xf32, #tpu.memory_space<hbm>> -> memref<3136xf32, #tpu.memory_space<hbm>>
      tpu.enqueue_dma source(%dma_start3A_55 : memref<3136xf32, #tpu.memory_space<hbm>>) target(%dma_start3A_54 : memref<3136xf32, #tpu.memory_space<vmem>>) target_semaphore(%run_scoped3A_48 : memref<!tpu.dma_semaphore, #tpu.memory_space<semaphore_mem>>)
      %dma_wait3A = arith.constant 0 : i32
      %dma_wait3A_56 = tpu.memref_slice %arg4[%run_scoped3A_39, %dma_wait3A] : memref<8x3136xf32, #tpu.memory_space<vmem>> -> memref<1x3136xf32, #tpu.memory_space<vmem>>
      %dma_wait3A_57 = tpu.memref_squeeze %dma_wait3A_56 : memref<1x3136xf32, #tpu.memory_space<vmem>> -> memref<3136xf32, #tpu.memory_space<vmem>>
      %dma_wait3A_58 = tpu.memref_slice %arg2[%add3A_38] : memref<800000xf32, #tpu.memory_space<hbm>> -> memref<3136xf32, #tpu.memory_space<hbm>>
      %dma_wait3A_59 = arith.constant 0 : i32
      %dma_wait3A_60 = tpu.memref_slice %arg4[%run_scoped3A_39, %dma_wait3A_59] : memref<8x3136xf32, #tpu.memory_space<vmem>> -> memref<1x3136xf32, #tpu.memory_space<vmem>>
      %dma_wait3A_61 = tpu.memref_squeeze %dma_wait3A_60 : memref<1x3136xf32, #tpu.memory_space<vmem>> -> memref<3136xf32, #tpu.memory_space<vmem>>
      %dma_wait3A_62 = tpu.memref_slice %arg2[%add3A_38] : memref<800000xf32, #tpu.memory_space<hbm>> -> memref<3136xf32, #tpu.memory_space<hbm>>
      tpu.wait_dma2 semaphore(%run_scoped3A_48 : memref<!tpu.dma_semaphore, #tpu.memory_space<semaphore_mem>>) src(%dma_wait3A_62 : memref<3136xf32, #tpu.memory_space<hbm>>) dst(%dma_wait3A_61 : memref<3136xf32, #tpu.memory_space<vmem>>)
      tpu.yield
    }) : () -> ()
    %add3A_40 = arith.constant 700000 : i32
    %add3A_41 = arith.addi %add3A_40, %multiple_of3A : i32
    %run_scoped3A_42 = arith.constant 7 : i32
    "tpu.region"() ({
      %run_scoped3A_48 = tpu.sem_alloc : memref<!tpu.dma_semaphore, #tpu.memory_space<semaphore_mem>>
      %dma_start3A = arith.constant 0 : i32
      %dma_start3A_49 = tpu.memref_slice %arg4[%run_scoped3A_42, %dma_start3A] : memref<8x3136xf32, #tpu.memory_space<vmem>> -> memref<1x3136xf32, #tpu.memory_space<vmem>>
      %dma_start3A_50 = tpu.memref_squeeze %dma_start3A_49 : memref<1x3136xf32, #tpu.memory_space<vmem>> -> memref<3136xf32, #tpu.memory_space<vmem>>
      %dma_start3A_51 = tpu.memref_slice %arg2[%add3A_41] : memref<800000xf32, #tpu.memory_space<hbm>> -> memref<3136xf32, #tpu.memory_space<hbm>>
      %dma_start3A_52 = arith.constant 0 : i32
      %dma_start3A_53 = tpu.memref_slice %arg4[%run_scoped3A_42, %dma_start3A_52] : memref<8x3136xf32, #tpu.memory_space<vmem>> -> memref<1x3136xf32, #tpu.memory_space<vmem>>
      %dma_start3A_54 = tpu.memref_squeeze %dma_start3A_53 : memref<1x3136xf32, #tpu.memory_space<vmem>> -> memref<3136xf32, #tpu.memory_space<vmem>>
      %dma_start3A_55 = tpu.memref_slice %arg2[%add3A_41] : memref<800000xf32, #tpu.memory_space<hbm>> -> memref<3136xf32, #tpu.memory_space<hbm>>
      tpu.enqueue_dma source(%dma_start3A_55 : memref<3136xf32, #tpu.memory_space<hbm>>) target(%dma_start3A_54 : memref<3136xf32, #tpu.memory_space<vmem>>) target_semaphore(%run_scoped3A_48 : memref<!tpu.dma_semaphore, #tpu.memory_space<semaphore_mem>>)
      %dma_wait3A = arith.constant 0 : i32
      %dma_wait3A_56 = tpu.memref_slice %arg4[%run_scoped3A_42, %dma_wait3A] : memref<8x3136xf32, #tpu.memory_space<vmem>> -> memref<1x3136xf32, #tpu.memory_space<vmem>>
      %dma_wait3A_57 = tpu.memref_squeeze %dma_wait3A_56 : memref<1x3136xf32, #tpu.memory_space<vmem>> -> memref<3136xf32, #tpu.memory_space<vmem>>
      %dma_wait3A_58 = tpu.memref_slice %arg2[%add3A_41] : memref<800000xf32, #tpu.memory_space<hbm>> -> memref<3136xf32, #tpu.memory_space<hbm>>
      %dma_wait3A_59 = arith.constant 0 : i32
      %dma_wait3A_60 = tpu.memref_slice %arg4[%run_scoped3A_42, %dma_wait3A_59] : memref<8x3136xf32, #tpu.memory_space<vmem>> -> memref<1x3136xf32, #tpu.memory_space<vmem>>
      %dma_wait3A_61 = tpu.memref_squeeze %dma_wait3A_60 : memref<1x3136xf32, #tpu.memory_space<vmem>> -> memref<3136xf32, #tpu.memory_space<vmem>>
      %dma_wait3A_62 = tpu.memref_slice %arg2[%add3A_41] : memref<800000xf32, #tpu.memory_space<hbm>> -> memref<3136xf32, #tpu.memory_space<hbm>>
      tpu.wait_dma2 semaphore(%run_scoped3A_48 : memref<!tpu.dma_semaphore, #tpu.memory_space<semaphore_mem>>) src(%dma_wait3A_62 : memref<3136xf32, #tpu.memory_space<hbm>>) dst(%dma_wait3A_61 : memref<3136xf32, #tpu.memory_space<vmem>>)
      tpu.yield
    }) : () -> ()
    %scan3A = arith.constant 0 : i32
    %scan3A_43 = arith.constant 0 : i32
    %scan3A_44 = arith.constant 1568 : i32
    %scan3A_45 = arith.addi %scan3A_43, %scan3A_44 : i32
    %scan3A_46 = arith.constant 8 : i32
    scf.for %scan3A_48 = %scan3A_43 to %scan3A_45 step %scan3A_46  : i32 {
      %mul3A_49 = arith.constant 2 : i32
      %mul3A_50 = arith.muli %mul3A_49, %scan3A_48 : i32
      %add3A_51 = vector.broadcast %mul3A_50 : i32 to vector<16xi32>
      %add3A_52 = arith.addi %shift_right_arithmetic3A_19, %add3A_51 : vector<16xi32>
      %gather3A = tpu.vector_load_idx %arg4[%and3A_17, %add3A_52] : memref<8x3136xf32, #tpu.memory_space<vmem>>[vector<16xi32>, vector<16xi32>], vector<16xf32>,
      tpu.vector_store_idx %arg5[%add3A_52, %and3A_17], %gather3A : memref<3136x8xf32, #tpu.memory_space<vmem>>[vector<16xi32>, vector<16xi32>], vector<16xf32>,
      %scan3A_53 = arith.constant 1 : i32
      %scan3A_54 = arith.addi %scan3A_48, %scan3A_53 : i32
      %mul3A_55 = arith.constant 2 : i32
      %mul3A_56 = arith.muli %mul3A_55, %scan3A_54 : i32
      %add3A_57 = vector.broadcast %mul3A_56 : i32 to vector<16xi32>
      %add3A_58 = arith.addi %shift_right_arithmetic3A_19, %add3A_57 : vector<16xi32>
      %gather3A_59 = tpu.vector_load_idx %arg4[%and3A_17, %add3A_58] : memref<8x3136xf32, #tpu.memory_space<vmem>>[vector<16xi32>, vector<16xi32>], vector<16xf32>,
      tpu.vector_store_idx %arg5[%add3A_58, %and3A_17], %gather3A_59 : memref<3136x8xf32, #tpu.memory_space<vmem>>[vector<16xi32>, vector<16xi32>], vector<16xf32>,
      %scan3A_60 = arith.constant 2 : i32
      %scan3A_61 = arith.addi %scan3A_48, %scan3A_60 : i32
      %mul3A_62 = arith.constant 2 : i32
      %mul3A_63 = arith.muli %mul3A_62, %scan3A_61 : i32
      %add3A_64 = vector.broadcast %mul3A_63 : i32 to vector<16xi32>
      %add3A_65 = arith.addi %shift_right_arithmetic3A_19, %add3A_64 : vector<16xi32>
      %gather3A_66 = tpu.vector_load_idx %arg4[%and3A_17, %add3A_65] : memref<8x3136xf32, #tpu.memory_space<vmem>>[vector<16xi32>, vector<16xi32>], vector<16xf32>,
      tpu.vector_store_idx %arg5[%add3A_65, %and3A_17], %gather3A_66 : memref<3136x8xf32, #tpu.memory_space<vmem>>[vector<16xi32>, vector<16xi32>], vector<16xf32>,
      %scan3A_67 = arith.constant 3 : i32
      %scan3A_68 = arith.addi %scan3A_48, %scan3A_67 : i32
      %mul3A_69 = arith.constant 2 : i32
      %mul3A_70 = arith.muli %mul3A_69, %scan3A_68 : i32
      %add3A_71 = vector.broadcast %mul3A_70 : i32 to vector<16xi32>
      %add3A_72 = arith.addi %shift_right_arithmetic3A_19, %add3A_71 : vector<16xi32>
      %gather3A_73 = tpu.vector_load_idx %arg4[%and3A_17, %add3A_72] : memref<8x3136xf32, #tpu.memory_space<vmem>>[vector<16xi32>, vector<16xi32>], vector<16xf32>,
      tpu.vector_store_idx %arg5[%add3A_72, %and3A_17], %gather3A_73 : memref<3136x8xf32, #tpu.memory_space<vmem>>[vector<16xi32>, vector<16xi32>], vector<16xf32>,
      %scan3A_74 = arith.constant 4 : i32
      %scan3A_75 = arith.addi %scan3A_48, %scan3A_74 : i32
      %mul3A_76 = arith.constant 2 : i32
      %mul3A_77 = arith.muli %mul3A_76, %scan3A_75 : i32
      %add3A_78 = vector.broadcast %mul3A_77 : i32 to vector<16xi32>
      %add3A_79 = arith.addi %shift_right_arithmetic3A_19, %add3A_78 : vector<16xi32>
      %gather3A_80 = tpu.vector_load_idx %arg4[%and3A_17, %add3A_79] : memref<8x3136xf32, #tpu.memory_space<vmem>>[vector<16xi32>, vector<16xi32>], vector<16xf32>,
      tpu.vector_store_idx %arg5[%add3A_79, %and3A_17], %gather3A_80 : memref<3136x8xf32, #tpu.memory_space<vmem>>[vector<16xi32>, vector<16xi32>], vector<16xf32>,
      %scan3A_81 = arith.constant 5 : i32
      %scan3A_82 = arith.addi %scan3A_48, %scan3A_81 : i32
      %mul3A_83 = arith.constant 2 : i32
      %mul3A_84 = arith.muli %mul3A_83, %scan3A_82 : i32
      %add3A_85 = vector.broadcast %mul3A_84 : i32 to vector<16xi32>
      %add3A_86 = arith.addi %shift_right_arithmetic3A_19, %add3A_85 : vector<16xi32>
      %gather3A_87 = tpu.vector_load_idx %arg4[%and3A_17, %add3A_86] : memref<8x3136xf32, #tpu.memory_space<vmem>>[vector<16xi32>, vector<16xi32>], vector<16xf32>,
      tpu.vector_store_idx %arg5[%add3A_86, %and3A_17], %gather3A_87 : memref<3136x8xf32, #tpu.memory_space<vmem>>[vector<16xi32>, vector<16xi32>], vector<16xf32>,
      %scan3A_88 = arith.constant 6 : i32
      %scan3A_89 = arith.addi %scan3A_48, %scan3A_88 : i32
      %mul3A_90 = arith.constant 2 : i32
      %mul3A_91 = arith.muli %mul3A_90, %scan3A_89 : i32
      %add3A_92 = vector.broadcast %mul3A_91 : i32 to vector<16xi32>
      %add3A_93 = arith.addi %shift_right_arithmetic3A_19, %add3A_92 : vector<16xi32>
      %gather3A_94 = tpu.vector_load_idx %arg4[%and3A_17, %add3A_93] : memref<8x3136xf32, #tpu.memory_space<vmem>>[vector<16xi32>, vector<16xi32>], vector<16xf32>,
      tpu.vector_store_idx %arg5[%add3A_93, %and3A_17], %gather3A_94 : memref<3136x8xf32, #tpu.memory_space<vmem>>[vector<16xi32>, vector<16xi32>], vector<16xf32>,
      %scan3A_95 = arith.constant 7 : i32
      %scan3A_96 = arith.addi %scan3A_48, %scan3A_95 : i32
      %mul3A_97 = arith.constant 2 : i32
      %mul3A_98 = arith.muli %mul3A_97, %scan3A_96 : i32
      %add3A_99 = vector.broadcast %mul3A_98 : i32 to vector<16xi32>
      %add3A_100 = arith.addi %shift_right_arithmetic3A_19, %add3A_99 : vector<16xi32>
      %gather3A_101 = tpu.vector_load_idx %arg4[%and3A_17, %add3A_100] : memref<8x3136xf32, #tpu.memory_space<vmem>>[vector<16xi32>, vector<16xi32>], vector<16xf32>,
      tpu.vector_store_idx %arg5[%add3A_100, %and3A_17], %gather3A_101 : memref<3136x8xf32, #tpu.memory_space<vmem>>[vector<16xi32>, vector<16xi32>], vector<16xf32>,
    }
    %scan3A_47 = arith.constant 1568 : i32
    "tpu.region"() ({
      %run_scoped3A_48 = tpu.sem_alloc : memref<!tpu.dma_semaphore, #tpu.memory_space<semaphore_mem>>
      %dma_start3A = arith.constant 0 : i32
      %dma_start3A_49 = tpu.memref_slice %arg3[%multiple_of3A, %dma_start3A] : memref<100000x8xf32, #tpu.memory_space<hbm>> -> memref<3136x8xf32, #tpu.memory_space<hbm>>
      %dma_start3A_50 = arith.constant 0 : i32
      %dma_start3A_51 = tpu.memref_slice %arg3[%multiple_of3A, %dma_start3A_50] : memref<100000x8xf32, #tpu.memory_space<hbm>> -> memref<3136x8xf32, #tpu.memory_space<hbm>>
      tpu.enqueue_dma source(%arg5 : memref<3136x8xf32, #tpu.memory_space<vmem>>) target(%dma_start3A_51 : memref<3136x8xf32, #tpu.memory_space<hbm>>) target_semaphore(%run_scoped3A_48 : memref<!tpu.dma_semaphore, #tpu.memory_space<semaphore_mem>>)
      %dma_wait3A = arith.constant 0 : i32
      %dma_wait3A_52 = tpu.memref_slice %arg3[%multiple_of3A, %dma_wait3A] : memref<100000x8xf32, #tpu.memory_space<hbm>> -> memref<3136x8xf32, #tpu.memory_space<hbm>>
      %dma_wait3A_53 = arith.constant 0 : i32
      %dma_wait3A_54 = tpu.memref_slice %arg3[%multiple_of3A, %dma_wait3A_53] : memref<100000x8xf32, #tpu.memory_space<hbm>> -> memref<3136x8xf32, #tpu.memory_space<hbm>>
      tpu.wait_dma2 semaphore(%run_scoped3A_48 : memref<!tpu.dma_semaphore, #tpu.memory_space<semaphore_mem>>) src(%arg5 : memref<3136x8xf32, #tpu.memory_space<vmem>>) dst(%dma_wait3A_54 : memref<3136x8xf32, #tpu.memory_space<hbm>>)
      tpu.yield
    }) : () -> ()
    return
  }
}

#map = affine_map<(d0, d1) -> (0, 0)>
#map1 = affine_map<(d0, d1) -> (0, 0, 0, 0)>
module attributes {stable_mosaic.version = 14 : i64} {
  func.func @sc_kernel(%arg0: i32, %arg1: i32, %arg2: memref<100000x8xf32, #tpu.memory_space<hbm>>, %arg3: memref<2x32x150x125xi32, #tpu.memory_space<hbm>>, %arg4: memref<100000x8xf32, #tpu.memory_space<hbm>>, %arg5: memref<200000x8xf32, #tpu.memory_space<hbm>>, %arg6: memref<150x125xi32, #tpu.memory_space<vmem>>, %arg7: memref<150x125xi32, #tpu.memory_space<vmem>>, %arg8: memref<5x125x8xf32, #tpu.memory_space<vmem>>, %arg9: memref<100000x8xf32, #tpu.memory_space<vmem_shared>>, %arg10: memref<!tpu.dma_semaphore, #tpu.memory_space<semaphore_mem>>, %arg11: memref<!tpu.dma_semaphore, #tpu.memory_space<semaphore_mem>>) attributes {dimension_semantics = [#tpu.dimension_semantics<core_parallel>, #tpu.dimension_semantics<subcore_parallel>], iteration_bounds = array<i64: 2, 16>, scalar_prefetch = 0 : i64, scratch_operands = 6 : i64, tpu.core_type = #tpu.core_type<sc_vector_subcore>, window_params = [{transform_indices = #map}, {transform_indices = #map1}, {transform_indices = #map}, {transform_indices = #map}]} {
    %mul3A = arith.constant 2 : i32
    %mul3A_0 = arith.muli %arg1, %mul3A : i32
    %add3A = arith.addi %mul3A_0, %arg0 : i32
    %mul3A_1 = arith.constant 6250 : i32
    %mul3A_2 = arith.muli %arg1, %mul3A_1 : i32
    %mul3A_3 = arith.constant 6250 : i32
    %mul3A_4 = arith.muli %arg1, %mul3A_3 : i32
    "tpu.region"() ({
      %run_scoped3A_78 = tpu.sem_alloc : memref<!tpu.dma_semaphore, #tpu.memory_space<semaphore_mem>>
      %dma_start3A = arith.constant 0 : i32
      %dma_start3A_79 = tpu.memref_slice %arg9[%mul3A_4, %dma_start3A] : memref<100000x8xf32, #tpu.memory_space<vmem_shared>> -> memref<6250x8xf32, #tpu.memory_space<vmem_shared>>
      %dma_start3A_80 = arith.constant 0 : i32
      %dma_start3A_81 = tpu.memref_slice %arg4[%mul3A_2, %dma_start3A_80] : memref<100000x8xf32, #tpu.memory_space<hbm>> -> memref<6250x8xf32, #tpu.memory_space<hbm>>
      tpu.enqueue_dma source(%dma_start3A_81 : memref<6250x8xf32, #tpu.memory_space<hbm>>) target(%dma_start3A_79 : memref<6250x8xf32, #tpu.memory_space<vmem_shared>>) target_semaphore(%run_scoped3A_78 : memref<!tpu.dma_semaphore, #tpu.memory_space<semaphore_mem>>)
      %dma_wait3A_82 = arith.constant 0 : i32
      %dma_wait3A_83 = tpu.memref_slice %arg9[%mul3A_4, %dma_wait3A_82] : memref<100000x8xf32, #tpu.memory_space<vmem_shared>> -> memref<6250x8xf32, #tpu.memory_space<vmem_shared>>
      %dma_wait3A_84 = arith.constant 0 : i32
      %dma_wait3A_85 = tpu.memref_slice %arg4[%mul3A_2, %dma_wait3A_84] : memref<100000x8xf32, #tpu.memory_space<hbm>> -> memref<6250x8xf32, #tpu.memory_space<hbm>>
      tpu.wait_dma2 semaphore(%run_scoped3A_78 : memref<!tpu.dma_semaphore, #tpu.memory_space<semaphore_mem>>) src(%dma_wait3A_85 : memref<6250x8xf32, #tpu.memory_space<hbm>>) dst(%dma_wait3A_83 : memref<6250x8xf32, #tpu.memory_space<vmem_shared>>)
      tpu.yield
    }) : () -> ()
    %barrier3A = arith.constant 0 : index
    tpu.barrier barrier_id(%barrier3A)
    %run_scoped3A = arith.constant 0 : i32
    "tpu.region"() ({
      %run_scoped3A_78 = tpu.sem_alloc : memref<!tpu.dma_semaphore, #tpu.memory_space<semaphore_mem>>
      %dma_start3A = arith.constant 0 : i32
      %dma_start3A_79 = arith.constant 0 : i32
      %dma_start3A_80 = tpu.memref_slice %arg3[%run_scoped3A, %add3A, %dma_start3A, %dma_start3A_79] : memref<2x32x150x125xi32, #tpu.memory_space<hbm>> -> memref<1x1x150x125xi32, #tpu.memory_space<hbm>>
      %dma_start3A_81 = tpu.memref_squeeze %dma_start3A_80 : memref<1x1x150x125xi32, #tpu.memory_space<hbm>> -> memref<150x125xi32, #tpu.memory_space<hbm>>
      %dma_start3A_82 = arith.constant 0 : i32
      %dma_start3A_83 = arith.constant 0 : i32
      %dma_start3A_84 = tpu.memref_slice %arg3[%run_scoped3A, %add3A, %dma_start3A_82, %dma_start3A_83] : memref<2x32x150x125xi32, #tpu.memory_space<hbm>> -> memref<1x1x150x125xi32, #tpu.memory_space<hbm>>
      %dma_start3A_85 = tpu.memref_squeeze %dma_start3A_84 : memref<1x1x150x125xi32, #tpu.memory_space<hbm>> -> memref<150x125xi32, #tpu.memory_space<hbm>>
      tpu.enqueue_dma source(%dma_start3A_85 : memref<150x125xi32, #tpu.memory_space<hbm>>) target(%arg6 : memref<150x125xi32, #tpu.memory_space<vmem>>) target_semaphore(%run_scoped3A_78 : memref<!tpu.dma_semaphore, #tpu.memory_space<semaphore_mem>>)
      %dma_wait3A_86 = arith.constant 0 : i32
      %dma_wait3A_87 = arith.constant 0 : i32
      %dma_wait3A_88 = tpu.memref_slice %arg3[%run_scoped3A, %add3A, %dma_wait3A_86, %dma_wait3A_87] : memref<2x32x150x125xi32, #tpu.memory_space<hbm>> -> memref<1x1x150x125xi32, #tpu.memory_space<hbm>>
      %dma_wait3A_89 = tpu.memref_squeeze %dma_wait3A_88 : memref<1x1x150x125xi32, #tpu.memory_space<hbm>> -> memref<150x125xi32, #tpu.memory_space<hbm>>
      %dma_wait3A_90 = arith.constant 0 : i32
      %dma_wait3A_91 = arith.constant 0 : i32
      %dma_wait3A_92 = tpu.memref_slice %arg3[%run_scoped3A, %add3A, %dma_wait3A_90, %dma_wait3A_91] : memref<2x32x150x125xi32, #tpu.memory_space<hbm>> -> memref<1x1x150x125xi32, #tpu.memory_space<hbm>>
      %dma_wait3A_93 = tpu.memref_squeeze %dma_wait3A_92 : memref<1x1x150x125xi32, #tpu.memory_space<hbm>> -> memref<150x125xi32, #tpu.memory_space<hbm>>
      tpu.wait_dma2 semaphore(%run_scoped3A_78 : memref<!tpu.dma_semaphore, #tpu.memory_space<semaphore_mem>>) src(%dma_wait3A_93 : memref<150x125xi32, #tpu.memory_space<hbm>>) dst(%arg6 : memref<150x125xi32, #tpu.memory_space<vmem>>)
      tpu.yield
    }) : () -> ()
    %run_scoped3A_5 = arith.constant 1 : i32
    "tpu.region"() ({
      %run_scoped3A_78 = tpu.sem_alloc : memref<!tpu.dma_semaphore, #tpu.memory_space<semaphore_mem>>
      %dma_start3A = arith.constant 0 : i32
      %dma_start3A_79 = arith.constant 0 : i32
      %dma_start3A_80 = tpu.memref_slice %arg3[%run_scoped3A_5, %add3A, %dma_start3A, %dma_start3A_79] : memref<2x32x150x125xi32, #tpu.memory_space<hbm>> -> memref<1x1x150x125xi32, #tpu.memory_space<hbm>>
      %dma_start3A_81 = tpu.memref_squeeze %dma_start3A_80 : memref<1x1x150x125xi32, #tpu.memory_space<hbm>> -> memref<150x125xi32, #tpu.memory_space<hbm>>
      %dma_start3A_82 = arith.constant 0 : i32
      %dma_start3A_83 = arith.constant 0 : i32
      %dma_start3A_84 = tpu.memref_slice %arg3[%run_scoped3A_5, %add3A, %dma_start3A_82, %dma_start3A_83] : memref<2x32x150x125xi32, #tpu.memory_space<hbm>> -> memref<1x1x150x125xi32, #tpu.memory_space<hbm>>
      %dma_start3A_85 = tpu.memref_squeeze %dma_start3A_84 : memref<1x1x150x125xi32, #tpu.memory_space<hbm>> -> memref<150x125xi32, #tpu.memory_space<hbm>>
      tpu.enqueue_dma source(%dma_start3A_85 : memref<150x125xi32, #tpu.memory_space<hbm>>) target(%arg7 : memref<150x125xi32, #tpu.memory_space<vmem>>) target_semaphore(%run_scoped3A_78 : memref<!tpu.dma_semaphore, #tpu.memory_space<semaphore_mem>>)
      %dma_wait3A_86 = arith.constant 0 : i32
      %dma_wait3A_87 = arith.constant 0 : i32
      %dma_wait3A_88 = tpu.memref_slice %arg3[%run_scoped3A_5, %add3A, %dma_wait3A_86, %dma_wait3A_87] : memref<2x32x150x125xi32, #tpu.memory_space<hbm>> -> memref<1x1x150x125xi32, #tpu.memory_space<hbm>>
      %dma_wait3A_89 = tpu.memref_squeeze %dma_wait3A_88 : memref<1x1x150x125xi32, #tpu.memory_space<hbm>> -> memref<150x125xi32, #tpu.memory_space<hbm>>
      %dma_wait3A_90 = arith.constant 0 : i32
      %dma_wait3A_91 = arith.constant 0 : i32
      %dma_wait3A_92 = tpu.memref_slice %arg3[%run_scoped3A_5, %add3A, %dma_wait3A_90, %dma_wait3A_91] : memref<2x32x150x125xi32, #tpu.memory_space<hbm>> -> memref<1x1x150x125xi32, #tpu.memory_space<hbm>>
      %dma_wait3A_93 = tpu.memref_squeeze %dma_wait3A_92 : memref<1x1x150x125xi32, #tpu.memory_space<hbm>> -> memref<150x125xi32, #tpu.memory_space<hbm>>
      tpu.wait_dma2 semaphore(%run_scoped3A_78 : memref<!tpu.dma_semaphore, #tpu.memory_space<semaphore_mem>>) src(%dma_wait3A_93 : memref<150x125xi32, #tpu.memory_space<hbm>>) dst(%arg7 : memref<150x125xi32, #tpu.memory_space<vmem>>)
      tpu.yield
    }) : () -> ()
    %scan3A = arith.constant 0 : i32
    %scan3A_6 = arith.constant 0 : i32
    %scan3A_7 = arith.constant 30 : i32
    %scan3A_8 = arith.addi %scan3A_6, %scan3A_7 : i32
    %scan3A_9 = arith.constant 1 : i32
    scf.for %scan3A_78 = %scan3A_6 to %scan3A_8 step %scan3A_9  : i32 {
      %mul3A_79 = arith.constant 5 : i32
      %mul3A_80 = arith.muli %scan3A_78, %mul3A_79 : i32
      %gt3A = arith.constant 0 : i32
      %gt3A_81 = arith.cmpi sgt, %scan3A_78, %gt3A : i32
      %convert_element_type3A = arith.extui %gt3A_81 : i1 to i32
      %cond3A = arith.constant 0 : i32
      %cond3A_82 = arith.cmpi ne, %convert_element_type3A, %cond3A : i32
      scf.if %cond3A_82 {
        %add3A_267 = arith.constant 0 : i32
        %add3A_268 = arith.addi %mul3A_80, %add3A_267 : i32
        %dma_wait3A_269 = arith.constant 0 : i32
        %dma_wait3A_270 = arith.constant 0 : i32
        %dma_wait3A_271 = arith.constant 0 : i32
        %dma_wait3A_272 = tpu.memref_slice %arg8[%dma_wait3A_269, %dma_wait3A_270, %dma_wait3A_271] : memref<5x125x8xf32, #tpu.memory_space<vmem>> -> memref<1x125x8xf32, #tpu.memory_space<vmem>>
        %dma_wait3A_273 = tpu.memref_squeeze %dma_wait3A_272 : memref<1x125x8xf32, #tpu.memory_space<vmem>> -> memref<125x8xf32, #tpu.memory_space<vmem>>
        %dma_wait3A_274 = arith.constant 0 : i32
        %dma_wait3A_275 = tpu.memref_slice %arg7[%add3A_268, %dma_wait3A_274] : memref<150x125xi32, #tpu.memory_space<vmem>> -> memref<1x125xi32, #tpu.memory_space<vmem>>
        %dma_wait3A_276 = tpu.memref_squeeze %dma_wait3A_275 : memref<1x125xi32, #tpu.memory_space<vmem>> -> memref<125xi32, #tpu.memory_space<vmem>>
        %dma_wait3A_277 = arith.constant 0 : i32
        %dma_wait3A_278 = arith.constant 0 : i32
        %dma_wait3A_279 = tpu.memref_slice %arg9[%dma_wait3A_277, %dma_wait3A_278] : memref<100000x8xf32, #tpu.memory_space<vmem_shared>> -> memref<100000x8xf32, #tpu.memory_space<vmem_shared>>
        tpu.wait_indirect_dma semaphore(%arg11 : memref<!tpu.dma_semaphore, #tpu.memory_space<semaphore_mem>>) src(%dma_wait3A_273 : memref<125x8xf32, #tpu.memory_space<vmem>>) dst(%dma_wait3A_279 : memref<100000x8xf32, #tpu.memory_space<vmem_shared>>)
        %add3A_280 = arith.constant 1 : i32
        %add3A_281 = arith.addi %mul3A_80, %add3A_280 : i32
        %dma_wait3A_282 = arith.constant 1 : i32
        %dma_wait3A_283 = arith.constant 0 : i32
        %dma_wait3A_284 = arith.constant 0 : i32
        %dma_wait3A_285 = tpu.memref_slice %arg8[%dma_wait3A_282, %dma_wait3A_283, %dma_wait3A_284] : memref<5x125x8xf32, #tpu.memory_space<vmem>> -> memref<1x125x8xf32, #tpu.memory_space<vmem>>
        %dma_wait3A_286 = tpu.memref_squeeze %dma_wait3A_285 : memref<1x125x8xf32, #tpu.memory_space<vmem>> -> memref<125x8xf32, #tpu.memory_space<vmem>>
        %dma_wait3A_287 = arith.constant 0 : i32
        %dma_wait3A_288 = tpu.memref_slice %arg7[%add3A_281, %dma_wait3A_287] : memref<150x125xi32, #tpu.memory_space<vmem>> -> memref<1x125xi32, #tpu.memory_space<vmem>>
        %dma_wait3A_289 = tpu.memref_squeeze %dma_wait3A_288 : memref<1x125xi32, #tpu.memory_space<vmem>> -> memref<125xi32, #tpu.memory_space<vmem>>
        %dma_wait3A_290 = arith.constant 0 : i32
        %dma_wait3A_291 = arith.constant 0 : i32
        %dma_wait3A_292 = tpu.memref_slice %arg9[%dma_wait3A_290, %dma_wait3A_291] : memref<100000x8xf32, #tpu.memory_space<vmem_shared>> -> memref<100000x8xf32, #tpu.memory_space<vmem_shared>>
        tpu.wait_indirect_dma semaphore(%arg11 : memref<!tpu.dma_semaphore, #tpu.memory_space<semaphore_mem>>) src(%dma_wait3A_286 : memref<125x8xf32, #tpu.memory_space<vmem>>) dst(%dma_wait3A_292 : memref<100000x8xf32, #tpu.memory_space<vmem_shared>>)
        %add3A_293 = arith.constant 2 : i32
        %add3A_294 = arith.addi %mul3A_80, %add3A_293 : i32
        %dma_wait3A_295 = arith.constant 2 : i32
        %dma_wait3A_296 = arith.constant 0 : i32
        %dma_wait3A_297 = arith.constant 0 : i32
        %dma_wait3A_298 = tpu.memref_slice %arg8[%dma_wait3A_295, %dma_wait3A_296, %dma_wait3A_297] : memref<5x125x8xf32, #tpu.memory_space<vmem>> -> memref<1x125x8xf32, #tpu.memory_space<vmem>>
        %dma_wait3A_299 = tpu.memref_squeeze %dma_wait3A_298 : memref<1x125x8xf32, #tpu.memory_space<vmem>> -> memref<125x8xf32, #tpu.memory_space<vmem>>
        %dma_wait3A_300 = arith.constant 0 : i32
        %dma_wait3A_301 = tpu.memref_slice %arg7[%add3A_294, %dma_wait3A_300] : memref<150x125xi32, #tpu.memory_space<vmem>> -> memref<1x125xi32, #tpu.memory_space<vmem>>
        %dma_wait3A_302 = tpu.memref_squeeze %dma_wait3A_301 : memref<1x125xi32, #tpu.memory_space<vmem>> -> memref<125xi32, #tpu.memory_space<vmem>>
        %dma_wait3A_303 = arith.constant 0 : i32
        %dma_wait3A_304 = arith.constant 0 : i32
        %dma_wait3A_305 = tpu.memref_slice %arg9[%dma_wait3A_303, %dma_wait3A_304] : memref<100000x8xf32, #tpu.memory_space<vmem_shared>> -> memref<100000x8xf32, #tpu.memory_space<vmem_shared>>
        tpu.wait_indirect_dma semaphore(%arg11 : memref<!tpu.dma_semaphore, #tpu.memory_space<semaphore_mem>>) src(%dma_wait3A_299 : memref<125x8xf32, #tpu.memory_space<vmem>>) dst(%dma_wait3A_305 : memref<100000x8xf32, #tpu.memory_space<vmem_shared>>)
        %add3A_306 = arith.constant 3 : i32
        %add3A_307 = arith.addi %mul3A_80, %add3A_306 : i32
        %dma_wait3A_308 = arith.constant 3 : i32
        %dma_wait3A_309 = arith.constant 0 : i32
        %dma_wait3A_310 = arith.constant 0 : i32
        %dma_wait3A_311 = tpu.memref_slice %arg8[%dma_wait3A_308, %dma_wait3A_309, %dma_wait3A_310] : memref<5x125x8xf32, #tpu.memory_space<vmem>> -> memref<1x125x8xf32, #tpu.memory_space<vmem>>
        %dma_wait3A_312 = tpu.memref_squeeze %dma_wait3A_311 : memref<1x125x8xf32, #tpu.memory_space<vmem>> -> memref<125x8xf32, #tpu.memory_space<vmem>>
        %dma_wait3A_313 = arith.constant 0 : i32
        %dma_wait3A_314 = tpu.memref_slice %arg7[%add3A_307, %dma_wait3A_313] : memref<150x125xi32, #tpu.memory_space<vmem>> -> memref<1x125xi32, #tpu.memory_space<vmem>>
        %dma_wait3A_315 = tpu.memref_squeeze %dma_wait3A_314 : memref<1x125xi32, #tpu.memory_space<vmem>> -> memref<125xi32, #tpu.memory_space<vmem>>
        %dma_wait3A_316 = arith.constant 0 : i32
        %dma_wait3A_317 = arith.constant 0 : i32
        %dma_wait3A_318 = tpu.memref_slice %arg9[%dma_wait3A_316, %dma_wait3A_317] : memref<100000x8xf32, #tpu.memory_space<vmem_shared>> -> memref<100000x8xf32, #tpu.memory_space<vmem_shared>>
        tpu.wait_indirect_dma semaphore(%arg11 : memref<!tpu.dma_semaphore, #tpu.memory_space<semaphore_mem>>) src(%dma_wait3A_312 : memref<125x8xf32, #tpu.memory_space<vmem>>) dst(%dma_wait3A_318 : memref<100000x8xf32, #tpu.memory_space<vmem_shared>>)
        %add3A_319 = arith.constant 4 : i32
        %add3A_320 = arith.addi %mul3A_80, %add3A_319 : i32
        %dma_wait3A_321 = arith.constant 4 : i32
        %dma_wait3A_322 = arith.constant 0 : i32
        %dma_wait3A_323 = arith.constant 0 : i32
        %dma_wait3A_324 = tpu.memref_slice %arg8[%dma_wait3A_321, %dma_wait3A_322, %dma_wait3A_323] : memref<5x125x8xf32, #tpu.memory_space<vmem>> -> memref<1x125x8xf32, #tpu.memory_space<vmem>>
        %dma_wait3A_325 = tpu.memref_squeeze %dma_wait3A_324 : memref<1x125x8xf32, #tpu.memory_space<vmem>> -> memref<125x8xf32, #tpu.memory_space<vmem>>
        %dma_wait3A_326 = arith.constant 0 : i32
        %dma_wait3A_327 = tpu.memref_slice %arg7[%add3A_320, %dma_wait3A_326] : memref<150x125xi32, #tpu.memory_space<vmem>> -> memref<1x125xi32, #tpu.memory_space<vmem>>
        %dma_wait3A_328 = tpu.memref_squeeze %dma_wait3A_327 : memref<1x125xi32, #tpu.memory_space<vmem>> -> memref<125xi32, #tpu.memory_space<vmem>>
        %dma_wait3A_329 = arith.constant 0 : i32
        %dma_wait3A_330 = arith.constant 0 : i32
        %dma_wait3A_331 = tpu.memref_slice %arg9[%dma_wait3A_329, %dma_wait3A_330] : memref<100000x8xf32, #tpu.memory_space<vmem_shared>> -> memref<100000x8xf32, #tpu.memory_space<vmem_shared>>
        tpu.wait_indirect_dma semaphore(%arg11 : memref<!tpu.dma_semaphore, #tpu.memory_space<semaphore_mem>>) src(%dma_wait3A_325 : memref<125x8xf32, #tpu.memory_space<vmem>>) dst(%dma_wait3A_331 : memref<100000x8xf32, #tpu.memory_space<vmem_shared>>)
      } else {
      }
      %add3A_83 = arith.constant 0 : i32
      %add3A_84 = arith.addi %mul3A_80, %add3A_83 : i32
      %dma_start3A = arith.constant 0 : i32
      %dma_start3A_85 = arith.constant 0 : i32
      %dma_start3A_86 = arith.constant 0 : i32
      %dma_start3A_87 = tpu.memref_slice %arg8[%dma_start3A, %dma_start3A_85, %dma_start3A_86] : memref<5x125x8xf32, #tpu.memory_space<vmem>> -> memref<1x125x8xf32, #tpu.memory_space<vmem>>
      %dma_start3A_88 = tpu.memref_squeeze %dma_start3A_87 : memref<1x125x8xf32, #tpu.memory_space<vmem>> -> memref<125x8xf32, #tpu.memory_space<vmem>>
      %dma_start3A_89 = arith.constant 0 : i32
      %dma_start3A_90 = tpu.memref_slice %arg6[%add3A_84, %dma_start3A_89] : memref<150x125xi32, #tpu.memory_space<vmem>> -> memref<1x125xi32, #tpu.memory_space<vmem>>
      %dma_start3A_91 = tpu.memref_squeeze %dma_start3A_90 : memref<1x125xi32, #tpu.memory_space<vmem>> -> memref<125xi32, #tpu.memory_space<vmem>>
      %dma_start3A_92 = arith.constant 0 : i32
      %dma_start3A_93 = arith.constant 0 : i32
      %dma_start3A_94 = tpu.memref_slice %arg2[%dma_start3A_92, %dma_start3A_93] : memref<100000x8xf32, #tpu.memory_space<hbm>> -> memref<100000x8xf32, #tpu.memory_space<hbm>>
      tpu.enqueue_indirect_dma source(%dma_start3A_94 : memref<100000x8xf32, #tpu.memory_space<hbm>>) target(%dma_start3A_88 : memref<125x8xf32, #tpu.memory_space<vmem>>) offsets(%dma_start3A_91 : memref<125xi32, #tpu.memory_space<vmem>>) semaphore(%arg10 : memref<!tpu.dma_semaphore, #tpu.memory_space<semaphore_mem>>)
      %add3A_95 = arith.constant 1 : i32
      %add3A_96 = arith.addi %mul3A_80, %add3A_95 : i32
      %dma_start3A_97 = arith.constant 1 : i32
      %dma_start3A_98 = arith.constant 0 : i32
      %dma_start3A_99 = arith.constant 0 : i32
      %dma_start3A_100 = tpu.memref_slice %arg8[%dma_start3A_97, %dma_start3A_98, %dma_start3A_99] : memref<5x125x8xf32, #tpu.memory_space<vmem>> -> memref<1x125x8xf32, #tpu.memory_space<vmem>>
      %dma_start3A_101 = tpu.memref_squeeze %dma_start3A_100 : memref<1x125x8xf32, #tpu.memory_space<vmem>> -> memref<125x8xf32, #tpu.memory_space<vmem>>
      %dma_start3A_102 = arith.constant 0 : i32
      %dma_start3A_103 = tpu.memref_slice %arg6[%add3A_96, %dma_start3A_102] : memref<150x125xi32, #tpu.memory_space<vmem>> -> memref<1x125xi32, #tpu.memory_space<vmem>>
      %dma_start3A_104 = tpu.memref_squeeze %dma_start3A_103 : memref<1x125xi32, #tpu.memory_space<vmem>> -> memref<125xi32, #tpu.memory_space<vmem>>
      %dma_start3A_105 = arith.constant 0 : i32
      %dma_start3A_106 = arith.constant 0 : i32
      %dma_start3A_107 = tpu.memref_slice %arg2[%dma_start3A_105, %dma_start3A_106] : memref<100000x8xf32, #tpu.memory_space<hbm>> -> memref<100000x8xf32, #tpu.memory_space<hbm>>
      tpu.enqueue_indirect_dma source(%dma_start3A_107 : memref<100000x8xf32, #tpu.memory_space<hbm>>) target(%dma_start3A_101 : memref<125x8xf32, #tpu.memory_space<vmem>>) offsets(%dma_start3A_104 : memref<125xi32, #tpu.memory_space<vmem>>) semaphore(%arg10 : memref<!tpu.dma_semaphore, #tpu.memory_space<semaphore_mem>>)
      %add3A_108 = arith.constant 2 : i32
      %add3A_109 = arith.addi %mul3A_80, %add3A_108 : i32
      %dma_start3A_110 = arith.constant 2 : i32
      %dma_start3A_111 = arith.constant 0 : i32
      %dma_start3A_112 = arith.constant 0 : i32
      %dma_start3A_113 = tpu.memref_slice %arg8[%dma_start3A_110, %dma_start3A_111, %dma_start3A_112] : memref<5x125x8xf32, #tpu.memory_space<vmem>> -> memref<1x125x8xf32, #tpu.memory_space<vmem>>
      %dma_start3A_114 = tpu.memref_squeeze %dma_start3A_113 : memref<1x125x8xf32, #tpu.memory_space<vmem>> -> memref<125x8xf32, #tpu.memory_space<vmem>>
      %dma_start3A_115 = arith.constant 0 : i32
      %dma_start3A_116 = tpu.memref_slice %arg6[%add3A_109, %dma_start3A_115] : memref<150x125xi32, #tpu.memory_space<vmem>> -> memref<1x125xi32, #tpu.memory_space<vmem>>
      %dma_start3A_117 = tpu.memref_squeeze %dma_start3A_116 : memref<1x125xi32, #tpu.memory_space<vmem>> -> memref<125xi32, #tpu.memory_space<vmem>>
      %dma_start3A_118 = arith.constant 0 : i32
      %dma_start3A_119 = arith.constant 0 : i32
      %dma_start3A_120 = tpu.memref_slice %arg2[%dma_start3A_118, %dma_start3A_119] : memref<100000x8xf32, #tpu.memory_space<hbm>> -> memref<100000x8xf32, #tpu.memory_space<hbm>>
      tpu.enqueue_indirect_dma source(%dma_start3A_120 : memref<100000x8xf32, #tpu.memory_space<hbm>>) target(%dma_start3A_114 : memref<125x8xf32, #tpu.memory_space<vmem>>) offsets(%dma_start3A_117 : memref<125xi32, #tpu.memory_space<vmem>>) semaphore(%arg10 : memref<!tpu.dma_semaphore, #tpu.memory_space<semaphore_mem>>)
      %add3A_121 = arith.constant 3 : i32
      %add3A_122 = arith.addi %mul3A_80, %add3A_121 : i32
      %dma_start3A_123 = arith.constant 3 : i32
      %dma_start3A_124 = arith.constant 0 : i32
      %dma_start3A_125 = arith.constant 0 : i32
      %dma_start3A_126 = tpu.memref_slice %arg8[%dma_start3A_123, %dma_start3A_124, %dma_start3A_125] : memref<5x125x8xf32, #tpu.memory_space<vmem>> -> memref<1x125x8xf32, #tpu.memory_space<vmem>>
      %dma_start3A_127 = tpu.memref_squeeze %dma_start3A_126 : memref<1x125x8xf32, #tpu.memory_space<vmem>> -> memref<125x8xf32, #tpu.memory_space<vmem>>
      %dma_start3A_128 = arith.constant 0 : i32
      %dma_start3A_129 = tpu.memref_slice %arg6[%add3A_122, %dma_start3A_128] : memref<150x125xi32, #tpu.memory_space<vmem>> -> memref<1x125xi32, #tpu.memory_space<vmem>>
      %dma_start3A_130 = tpu.memref_squeeze %dma_start3A_129 : memref<1x125xi32, #tpu.memory_space<vmem>> -> memref<125xi32, #tpu.memory_space<vmem>>
      %dma_start3A_131 = arith.constant 0 : i32
      %dma_start3A_132 = arith.constant 0 : i32
      %dma_start3A_133 = tpu.memref_slice %arg2[%dma_start3A_131, %dma_start3A_132] : memref<100000x8xf32, #tpu.memory_space<hbm>> -> memref<100000x8xf32, #tpu.memory_space<hbm>>
      tpu.enqueue_indirect_dma source(%dma_start3A_133 : memref<100000x8xf32, #tpu.memory_space<hbm>>) target(%dma_start3A_127 : memref<125x8xf32, #tpu.memory_space<vmem>>) offsets(%dma_start3A_130 : memref<125xi32, #tpu.memory_space<vmem>>) semaphore(%arg10 : memref<!tpu.dma_semaphore, #tpu.memory_space<semaphore_mem>>)
      %add3A_134 = arith.constant 4 : i32
      %add3A_135 = arith.addi %mul3A_80, %add3A_134 : i32
      %dma_start3A_136 = arith.constant 4 : i32
      %dma_start3A_137 = arith.constant 0 : i32
      %dma_start3A_138 = arith.constant 0 : i32
      %dma_start3A_139 = tpu.memref_slice %arg8[%dma_start3A_136, %dma_start3A_137, %dma_start3A_138] : memref<5x125x8xf32, #tpu.memory_space<vmem>> -> memref<1x125x8xf32, #tpu.memory_space<vmem>>
      %dma_start3A_140 = tpu.memref_squeeze %dma_start3A_139 : memref<1x125x8xf32, #tpu.memory_space<vmem>> -> memref<125x8xf32, #tpu.memory_space<vmem>>
      %dma_start3A_141 = arith.constant 0 : i32
      %dma_start3A_142 = tpu.memref_slice %arg6[%add3A_135, %dma_start3A_141] : memref<150x125xi32, #tpu.memory_space<vmem>> -> memref<1x125xi32, #tpu.memory_space<vmem>>
      %dma_start3A_143 = tpu.memref_squeeze %dma_start3A_142 : memref<1x125xi32, #tpu.memory_space<vmem>> -> memref<125xi32, #tpu.memory_space<vmem>>
      %dma_start3A_144 = arith.constant 0 : i32
      %dma_start3A_145 = arith.constant 0 : i32
      %dma_start3A_146 = tpu.memref_slice %arg2[%dma_start3A_144, %dma_start3A_145] : memref<100000x8xf32, #tpu.memory_space<hbm>> -> memref<100000x8xf32, #tpu.memory_space<hbm>>
      tpu.enqueue_indirect_dma source(%dma_start3A_146 : memref<100000x8xf32, #tpu.memory_space<hbm>>) target(%dma_start3A_140 : memref<125x8xf32, #tpu.memory_space<vmem>>) offsets(%dma_start3A_143 : memref<125xi32, #tpu.memory_space<vmem>>) semaphore(%arg10 : memref<!tpu.dma_semaphore, #tpu.memory_space<semaphore_mem>>)
      %dma_wait3A_147 = arith.constant 0 : i32
      %dma_wait3A_148 = arith.constant 0 : i32
      %dma_wait3A_149 = arith.constant 0 : i32
      %dma_wait3A_150 = tpu.memref_slice %arg8[%dma_wait3A_147, %dma_wait3A_148, %dma_wait3A_149] : memref<5x125x8xf32, #tpu.memory_space<vmem>> -> memref<1x125x8xf32, #tpu.memory_space<vmem>>
      %dma_wait3A_151 = tpu.memref_squeeze %dma_wait3A_150 : memref<1x125x8xf32, #tpu.memory_space<vmem>> -> memref<125x8xf32, #tpu.memory_space<vmem>>
      %dma_wait3A_152 = arith.constant 0 : i32
      %dma_wait3A_153 = tpu.memref_slice %arg6[%add3A_84, %dma_wait3A_152] : memref<150x125xi32, #tpu.memory_space<vmem>> -> memref<1x125xi32, #tpu.memory_space<vmem>>
      %dma_wait3A_154 = tpu.memref_squeeze %dma_wait3A_153 : memref<1x125xi32, #tpu.memory_space<vmem>> -> memref<125xi32, #tpu.memory_space<vmem>>
      %dma_wait3A_155 = arith.constant 0 : i32
      %dma_wait3A_156 = arith.constant 0 : i32
      %dma_wait3A_157 = tpu.memref_slice %arg2[%dma_wait3A_155, %dma_wait3A_156] : memref<100000x8xf32, #tpu.memory_space<hbm>> -> memref<100000x8xf32, #tpu.memory_space<hbm>>
      tpu.wait_indirect_dma semaphore(%arg10 : memref<!tpu.dma_semaphore, #tpu.memory_space<semaphore_mem>>) src(%dma_wait3A_157 : memref<100000x8xf32, #tpu.memory_space<hbm>>) dst(%dma_wait3A_151 : memref<125x8xf32, #tpu.memory_space<vmem>>)
      %add3A_158 = arith.constant 0 : i32
      %add3A_159 = arith.addi %mul3A_80, %add3A_158 : i32
      %dma_start3A_160 = arith.constant 0 : i32
      %dma_start3A_161 = arith.constant 0 : i32
      %dma_start3A_162 = arith.constant 0 : i32
      %dma_start3A_163 = tpu.memref_slice %arg8[%dma_start3A_160, %dma_start3A_161, %dma_start3A_162] : memref<5x125x8xf32, #tpu.memory_space<vmem>> -> memref<1x125x8xf32, #tpu.memory_space<vmem>>
      %dma_start3A_164 = tpu.memref_squeeze %dma_start3A_163 : memref<1x125x8xf32, #tpu.memory_space<vmem>> -> memref<125x8xf32, #tpu.memory_space<vmem>>
      %dma_start3A_165 = arith.constant 0 : i32
      %dma_start3A_166 = tpu.memref_slice %arg7[%add3A_159, %dma_start3A_165] : memref<150x125xi32, #tpu.memory_space<vmem>> -> memref<1x125xi32, #tpu.memory_space<vmem>>
      %dma_start3A_167 = tpu.memref_squeeze %dma_start3A_166 : memref<1x125xi32, #tpu.memory_space<vmem>> -> memref<125xi32, #tpu.memory_space<vmem>>
      %dma_start3A_168 = arith.constant 0 : i32
      %dma_start3A_169 = arith.constant 0 : i32
      %dma_start3A_170 = tpu.memref_slice %arg9[%dma_start3A_168, %dma_start3A_169] : memref<100000x8xf32, #tpu.memory_space<vmem_shared>> -> memref<100000x8xf32, #tpu.memory_space<vmem_shared>>
      tpu.enqueue_indirect_dma source(%dma_start3A_164 : memref<125x8xf32, #tpu.memory_space<vmem>>) target(%dma_start3A_170 : memref<100000x8xf32, #tpu.memory_space<vmem_shared>>) offsets(%dma_start3A_167 : memref<125xi32, #tpu.memory_space<vmem>>) semaphore(%arg11 : memref<!tpu.dma_semaphore, #tpu.memory_space<semaphore_mem>>) {add = true}
      %dma_wait3A_171 = arith.constant 1 : i32
      %dma_wait3A_172 = arith.constant 0 : i32
      %dma_wait3A_173 = arith.constant 0 : i32
      %dma_wait3A_174 = tpu.memref_slice %arg8[%dma_wait3A_171, %dma_wait3A_172, %dma_wait3A_173] : memref<5x125x8xf32, #tpu.memory_space<vmem>> -> memref<1x125x8xf32, #tpu.memory_space<vmem>>
      %dma_wait3A_175 = tpu.memref_squeeze %dma_wait3A_174 : memref<1x125x8xf32, #tpu.memory_space<vmem>> -> memref<125x8xf32, #tpu.memory_space<vmem>>
      %dma_wait3A_176 = arith.constant 0 : i32
      %dma_wait3A_177 = tpu.memref_slice %arg6[%add3A_96, %dma_wait3A_176] : memref<150x125xi32, #tpu.memory_space<vmem>> -> memref<1x125xi32, #tpu.memory_space<vmem>>
      %dma_wait3A_178 = tpu.memref_squeeze %dma_wait3A_177 : memref<1x125xi32, #tpu.memory_space<vmem>> -> memref<125xi32, #tpu.memory_space<vmem>>
      %dma_wait3A_179 = arith.constant 0 : i32
      %dma_wait3A_180 = arith.constant 0 : i32
      %dma_wait3A_181 = tpu.memref_slice %arg2[%dma_wait3A_179, %dma_wait3A_180] : memref<100000x8xf32, #tpu.memory_space<hbm>> -> memref<100000x8xf32, #tpu.memory_space<hbm>>
      tpu.wait_indirect_dma semaphore(%arg10 : memref<!tpu.dma_semaphore, #tpu.memory_space<semaphore_mem>>) src(%dma_wait3A_181 : memref<100000x8xf32, #tpu.memory_space<hbm>>) dst(%dma_wait3A_175 : memref<125x8xf32, #tpu.memory_space<vmem>>)
      %add3A_182 = arith.constant 1 : i32
      %add3A_183 = arith.addi %mul3A_80, %add3A_182 : i32
      %dma_start3A_184 = arith.constant 1 : i32
      %dma_start3A_185 = arith.constant 0 : i32
      %dma_start3A_186 = arith.constant 0 : i32
      %dma_start3A_187 = tpu.memref_slice %arg8[%dma_start3A_184, %dma_start3A_185, %dma_start3A_186] : memref<5x125x8xf32, #tpu.memory_space<vmem>> -> memref<1x125x8xf32, #tpu.memory_space<vmem>>
      %dma_start3A_188 = tpu.memref_squeeze %dma_start3A_187 : memref<1x125x8xf32, #tpu.memory_space<vmem>> -> memref<125x8xf32, #tpu.memory_space<vmem>>
      %dma_start3A_189 = arith.constant 0 : i32
      %dma_start3A_190 = tpu.memref_slice %arg7[%add3A_183, %dma_start3A_189] : memref<150x125xi32, #tpu.memory_space<vmem>> -> memref<1x125xi32, #tpu.memory_space<vmem>>
      %dma_start3A_191 = tpu.memref_squeeze %dma_start3A_190 : memref<1x125xi32, #tpu.memory_space<vmem>> -> memref<125xi32, #tpu.memory_space<vmem>>
      %dma_start3A_192 = arith.constant 0 : i32
      %dma_start3A_193 = arith.constant 0 : i32
      %dma_start3A_194 = tpu.memref_slice %arg9[%dma_start3A_192, %dma_start3A_193] : memref<100000x8xf32, #tpu.memory_space<vmem_shared>> -> memref<100000x8xf32, #tpu.memory_space<vmem_shared>>
      tpu.enqueue_indirect_dma source(%dma_start3A_188 : memref<125x8xf32, #tpu.memory_space<vmem>>) target(%dma_start3A_194 : memref<100000x8xf32, #tpu.memory_space<vmem_shared>>) offsets(%dma_start3A_191 : memref<125xi32, #tpu.memory_space<vmem>>) semaphore(%arg11 : memref<!tpu.dma_semaphore, #tpu.memory_space<semaphore_mem>>) {add = true}
      %dma_wait3A_195 = arith.constant 2 : i32
      %dma_wait3A_196 = arith.constant 0 : i32
      %dma_wait3A_197 = arith.constant 0 : i32
      %dma_wait3A_198 = tpu.memref_slice %arg8[%dma_wait3A_195, %dma_wait3A_196, %dma_wait3A_197] : memref<5x125x8xf32, #tpu.memory_space<vmem>> -> memref<1x125x8xf32, #tpu.memory_space<vmem>>
      %dma_wait3A_199 = tpu.memref_squeeze %dma_wait3A_198 : memref<1x125x8xf32, #tpu.memory_space<vmem>> -> memref<125x8xf32, #tpu.memory_space<vmem>>
      %dma_wait3A_200 = arith.constant 0 : i32
      %dma_wait3A_201 = tpu.memref_slice %arg6[%add3A_109, %dma_wait3A_200] : memref<150x125xi32, #tpu.memory_space<vmem>> -> memref<1x125xi32, #tpu.memory_space<vmem>>
      %dma_wait3A_202 = tpu.memref_squeeze %dma_wait3A_201 : memref<1x125xi32, #tpu.memory_space<vmem>> -> memref<125xi32, #tpu.memory_space<vmem>>
      %dma_wait3A_203 = arith.constant 0 : i32
      %dma_wait3A_204 = arith.constant 0 : i32
      %dma_wait3A_205 = tpu.memref_slice %arg2[%dma_wait3A_203, %dma_wait3A_204] : memref<100000x8xf32, #tpu.memory_space<hbm>> -> memref<100000x8xf32, #tpu.memory_space<hbm>>
      tpu.wait_indirect_dma semaphore(%arg10 : memref<!tpu.dma_semaphore, #tpu.memory_space<semaphore_mem>>) src(%dma_wait3A_205 : memref<100000x8xf32, #tpu.memory_space<hbm>>) dst(%dma_wait3A_199 : memref<125x8xf32, #tpu.memory_space<vmem>>)
      %add3A_206 = arith.constant 2 : i32
      %add3A_207 = arith.addi %mul3A_80, %add3A_206 : i32
      %dma_start3A_208 = arith.constant 2 : i32
      %dma_start3A_209 = arith.constant 0 : i32
      %dma_start3A_210 = arith.constant 0 : i32
      %dma_start3A_211 = tpu.memref_slice %arg8[%dma_start3A_208, %dma_start3A_209, %dma_start3A_210] : memref<5x125x8xf32, #tpu.memory_space<vmem>> -> memref<1x125x8xf32, #tpu.memory_space<vmem>>
      %dma_start3A_212 = tpu.memref_squeeze %dma_start3A_211 : memref<1x125x8xf32, #tpu.memory_space<vmem>> -> memref<125x8xf32, #tpu.memory_space<vmem>>
      %dma_start3A_213 = arith.constant 0 : i32
      %dma_start3A_214 = tpu.memref_slice %arg7[%add3A_207, %dma_start3A_213] : memref<150x125xi32, #tpu.memory_space<vmem>> -> memref<1x125xi32, #tpu.memory_space<vmem>>
      %dma_start3A_215 = tpu.memref_squeeze %dma_start3A_214 : memref<1x125xi32, #tpu.memory_space<vmem>> -> memref<125xi32, #tpu.memory_space<vmem>>
      %dma_start3A_216 = arith.constant 0 : i32
      %dma_start3A_217 = arith.constant 0 : i32
      %dma_start3A_218 = tpu.memref_slice %arg9[%dma_start3A_216, %dma_start3A_217] : memref<100000x8xf32, #tpu.memory_space<vmem_shared>> -> memref<100000x8xf32, #tpu.memory_space<vmem_shared>>
      tpu.enqueue_indirect_dma source(%dma_start3A_212 : memref<125x8xf32, #tpu.memory_space<vmem>>) target(%dma_start3A_218 : memref<100000x8xf32, #tpu.memory_space<vmem_shared>>) offsets(%dma_start3A_215 : memref<125xi32, #tpu.memory_space<vmem>>) semaphore(%arg11 : memref<!tpu.dma_semaphore, #tpu.memory_space<semaphore_mem>>) {add = true}
      %dma_wait3A_219 = arith.constant 3 : i32
      %dma_wait3A_220 = arith.constant 0 : i32
      %dma_wait3A_221 = arith.constant 0 : i32
      %dma_wait3A_222 = tpu.memref_slice %arg8[%dma_wait3A_219, %dma_wait3A_220, %dma_wait3A_221] : memref<5x125x8xf32, #tpu.memory_space<vmem>> -> memref<1x125x8xf32, #tpu.memory_space<vmem>>
      %dma_wait3A_223 = tpu.memref_squeeze %dma_wait3A_222 : memref<1x125x8xf32, #tpu.memory_space<vmem>> -> memref<125x8xf32, #tpu.memory_space<vmem>>
      %dma_wait3A_224 = arith.constant 0 : i32
      %dma_wait3A_225 = tpu.memref_slice %arg6[%add3A_122, %dma_wait3A_224] : memref<150x125xi32, #tpu.memory_space<vmem>> -> memref<1x125xi32, #tpu.memory_space<vmem>>
      %dma_wait3A_226 = tpu.memref_squeeze %dma_wait3A_225 : memref<1x125xi32, #tpu.memory_space<vmem>> -> memref<125xi32, #tpu.memory_space<vmem>>
      %dma_wait3A_227 = arith.constant 0 : i32
      %dma_wait3A_228 = arith.constant 0 : i32
      %dma_wait3A_229 = tpu.memref_slice %arg2[%dma_wait3A_227, %dma_wait3A_228] : memref<100000x8xf32, #tpu.memory_space<hbm>> -> memref<100000x8xf32, #tpu.memory_space<hbm>>
      tpu.wait_indirect_dma semaphore(%arg10 : memref<!tpu.dma_semaphore, #tpu.memory_space<semaphore_mem>>) src(%dma_wait3A_229 : memref<100000x8xf32, #tpu.memory_space<hbm>>) dst(%dma_wait3A_223 : memref<125x8xf32, #tpu.memory_space<vmem>>)
      %add3A_230 = arith.constant 3 : i32
      %add3A_231 = arith.addi %mul3A_80, %add3A_230 : i32
      %dma_start3A_232 = arith.constant 3 : i32
      %dma_start3A_233 = arith.constant 0 : i32
      %dma_start3A_234 = arith.constant 0 : i32
      %dma_start3A_235 = tpu.memref_slice %arg8[%dma_start3A_232, %dma_start3A_233, %dma_start3A_234] : memref<5x125x8xf32, #tpu.memory_space<vmem>> -> memref<1x125x8xf32, #tpu.memory_space<vmem>>
      %dma_start3A_236 = tpu.memref_squeeze %dma_start3A_235 : memref<1x125x8xf32, #tpu.memory_space<vmem>> -> memref<125x8xf32, #tpu.memory_space<vmem>>
      %dma_start3A_237 = arith.constant 0 : i32
      %dma_start3A_238 = tpu.memref_slice %arg7[%add3A_231, %dma_start3A_237] : memref<150x125xi32, #tpu.memory_space<vmem>> -> memref<1x125xi32, #tpu.memory_space<vmem>>
      %dma_start3A_239 = tpu.memref_squeeze %dma_start3A_238 : memref<1x125xi32, #tpu.memory_space<vmem>> -> memref<125xi32, #tpu.memory_space<vmem>>
      %dma_start3A_240 = arith.constant 0 : i32
      %dma_start3A_241 = arith.constant 0 : i32
      %dma_start3A_242 = tpu.memref_slice %arg9[%dma_start3A_240, %dma_start3A_241] : memref<100000x8xf32, #tpu.memory_space<vmem_shared>> -> memref<100000x8xf32, #tpu.memory_space<vmem_shared>>
      tpu.enqueue_indirect_dma source(%dma_start3A_236 : memref<125x8xf32, #tpu.memory_space<vmem>>) target(%dma_start3A_242 : memref<100000x8xf32, #tpu.memory_space<vmem_shared>>) offsets(%dma_start3A_239 : memref<125xi32, #tpu.memory_space<vmem>>) semaphore(%arg11 : memref<!tpu.dma_semaphore, #tpu.memory_space<semaphore_mem>>) {add = true}
      %dma_wait3A_243 = arith.constant 4 : i32
      %dma_wait3A_244 = arith.constant 0 : i32
      %dma_wait3A_245 = arith.constant 0 : i32
      %dma_wait3A_246 = tpu.memref_slice %arg8[%dma_wait3A_243, %dma_wait3A_244, %dma_wait3A_245] : memref<5x125x8xf32, #tpu.memory_space<vmem>> -> memref<1x125x8xf32, #tpu.memory_space<vmem>>
      %dma_wait3A_247 = tpu.memref_squeeze %dma_wait3A_246 : memref<1x125x8xf32, #tpu.memory_space<vmem>> -> memref<125x8xf32, #tpu.memory_space<vmem>>
      %dma_wait3A_248 = arith.constant 0 : i32
      %dma_wait3A_249 = tpu.memref_slice %arg6[%add3A_135, %dma_wait3A_248] : memref<150x125xi32, #tpu.memory_space<vmem>> -> memref<1x125xi32, #tpu.memory_space<vmem>>
      %dma_wait3A_250 = tpu.memref_squeeze %dma_wait3A_249 : memref<1x125xi32, #tpu.memory_space<vmem>> -> memref<125xi32, #tpu.memory_space<vmem>>
      %dma_wait3A_251 = arith.constant 0 : i32
      %dma_wait3A_252 = arith.constant 0 : i32
      %dma_wait3A_253 = tpu.memref_slice %arg2[%dma_wait3A_251, %dma_wait3A_252] : memref<100000x8xf32, #tpu.memory_space<hbm>> -> memref<100000x8xf32, #tpu.memory_space<hbm>>
      tpu.wait_indirect_dma semaphore(%arg10 : memref<!tpu.dma_semaphore, #tpu.memory_space<semaphore_mem>>) src(%dma_wait3A_253 : memref<100000x8xf32, #tpu.memory_space<hbm>>) dst(%dma_wait3A_247 : memref<125x8xf32, #tpu.memory_space<vmem>>)
      %add3A_254 = arith.constant 4 : i32
      %add3A_255 = arith.addi %mul3A_80, %add3A_254 : i32
      %dma_start3A_256 = arith.constant 4 : i32
      %dma_start3A_257 = arith.constant 0 : i32
      %dma_start3A_258 = arith.constant 0 : i32
      %dma_start3A_259 = tpu.memref_slice %arg8[%dma_start3A_256, %dma_start3A_257, %dma_start3A_258] : memref<5x125x8xf32, #tpu.memory_space<vmem>> -> memref<1x125x8xf32, #tpu.memory_space<vmem>>
      %dma_start3A_260 = tpu.memref_squeeze %dma_start3A_259 : memref<1x125x8xf32, #tpu.memory_space<vmem>> -> memref<125x8xf32, #tpu.memory_space<vmem>>
      %dma_start3A_261 = arith.constant 0 : i32
      %dma_start3A_262 = tpu.memref_slice %arg7[%add3A_255, %dma_start3A_261] : memref<150x125xi32, #tpu.memory_space<vmem>> -> memref<1x125xi32, #tpu.memory_space<vmem>>
      %dma_start3A_263 = tpu.memref_squeeze %dma_start3A_262 : memref<1x125xi32, #tpu.memory_space<vmem>> -> memref<125xi32, #tpu.memory_space<vmem>>
      %dma_start3A_264 = arith.constant 0 : i32
      %dma_start3A_265 = arith.constant 0 : i32
      %dma_start3A_266 = tpu.memref_slice %arg9[%dma_start3A_264, %dma_start3A_265] : memref<100000x8xf32, #tpu.memory_space<vmem_shared>> -> memref<100000x8xf32, #tpu.memory_space<vmem_shared>>
      tpu.enqueue_indirect_dma source(%dma_start3A_260 : memref<125x8xf32, #tpu.memory_space<vmem>>) target(%dma_start3A_266 : memref<100000x8xf32, #tpu.memory_space<vmem_shared>>) offsets(%dma_start3A_263 : memref<125xi32, #tpu.memory_space<vmem>>) semaphore(%arg11 : memref<!tpu.dma_semaphore, #tpu.memory_space<semaphore_mem>>) {add = true}
    }
    %scan3A_10 = arith.constant 30 : i32
    %dma_wait3A = arith.constant 0 : i32
    %dma_wait3A_11 = arith.constant 0 : i32
    %dma_wait3A_12 = arith.constant 0 : i32
    %dma_wait3A_13 = arith.constant 0 : i32
    %dma_wait3A_14 = tpu.memref_slice %arg8[%dma_wait3A, %dma_wait3A_12, %dma_wait3A_13] : memref<5x125x8xf32, #tpu.memory_space<vmem>> -> memref<1x125x8xf32, #tpu.memory_space<vmem>>
    %dma_wait3A_15 = tpu.memref_squeeze %dma_wait3A_14 : memref<1x125x8xf32, #tpu.memory_space<vmem>> -> memref<125x8xf32, #tpu.memory_space<vmem>>
    %dma_wait3A_16 = arith.constant 0 : i32
    %dma_wait3A_17 = tpu.memref_slice %arg7[%dma_wait3A_11, %dma_wait3A_16] : memref<150x125xi32, #tpu.memory_space<vmem>> -> memref<1x125xi32, #tpu.memory_space<vmem>>
    %dma_wait3A_18 = tpu.memref_squeeze %dma_wait3A_17 : memref<1x125xi32, #tpu.memory_space<vmem>> -> memref<125xi32, #tpu.memory_space<vmem>>
    %dma_wait3A_19 = arith.constant 0 : i32
    %dma_wait3A_20 = arith.constant 0 : i32
    %dma_wait3A_21 = tpu.memref_slice %arg9[%dma_wait3A_19, %dma_wait3A_20] : memref<100000x8xf32, #tpu.memory_space<vmem_shared>> -> memref<100000x8xf32, #tpu.memory_space<vmem_shared>>
    tpu.wait_indirect_dma semaphore(%arg11 : memref<!tpu.dma_semaphore, #tpu.memory_space<semaphore_mem>>) src(%dma_wait3A_15 : memref<125x8xf32, #tpu.memory_space<vmem>>) dst(%dma_wait3A_21 : memref<100000x8xf32, #tpu.memory_space<vmem_shared>>)
    %dma_wait3A_22 = arith.constant 1 : i32
    %dma_wait3A_23 = arith.constant 1 : i32
    %dma_wait3A_24 = arith.constant 0 : i32
    %dma_wait3A_25 = arith.constant 0 : i32
    %dma_wait3A_26 = tpu.memref_slice %arg8[%dma_wait3A_22, %dma_wait3A_24, %dma_wait3A_25] : memref<5x125x8xf32, #tpu.memory_space<vmem>> -> memref<1x125x8xf32, #tpu.memory_space<vmem>>
    %dma_wait3A_27 = tpu.memref_squeeze %dma_wait3A_26 : memref<1x125x8xf32, #tpu.memory_space<vmem>> -> memref<125x8xf32, #tpu.memory_space<vmem>>
    %dma_wait3A_28 = arith.constant 0 : i32
    %dma_wait3A_29 = tpu.memref_slice %arg7[%dma_wait3A_23, %dma_wait3A_28] : memref<150x125xi32, #tpu.memory_space<vmem>> -> memref<1x125xi32, #tpu.memory_space<vmem>>
    %dma_wait3A_30 = tpu.memref_squeeze %dma_wait3A_29 : memref<1x125xi32, #tpu.memory_space<vmem>> -> memref<125xi32, #tpu.memory_space<vmem>>
    %dma_wait3A_31 = arith.constant 0 : i32
    %dma_wait3A_32 = arith.constant 0 : i32
    %dma_wait3A_33 = tpu.memref_slice %arg9[%dma_wait3A_31, %dma_wait3A_32] : memref<100000x8xf32, #tpu.memory_space<vmem_shared>> -> memref<100000x8xf32, #tpu.memory_space<vmem_shared>>
    tpu.wait_indirect_dma semaphore(%arg11 : memref<!tpu.dma_semaphore, #tpu.memory_space<semaphore_mem>>) src(%dma_wait3A_27 : memref<125x8xf32, #tpu.memory_space<vmem>>) dst(%dma_wait3A_33 : memref<100000x8xf32, #tpu.memory_space<vmem_shared>>)
    %dma_wait3A_34 = arith.constant 2 : i32
    %dma_wait3A_35 = arith.constant 2 : i32
    %dma_wait3A_36 = arith.constant 0 : i32
    %dma_wait3A_37 = arith.constant 0 : i32
    %dma_wait3A_38 = tpu.memref_slice %arg8[%dma_wait3A_34, %dma_wait3A_36, %dma_wait3A_37] : memref<5x125x8xf32, #tpu.memory_space<vmem>> -> memref<1x125x8xf32, #tpu.memory_space<vmem>>
    %dma_wait3A_39 = tpu.memref_squeeze %dma_wait3A_38 : memref<1x125x8xf32, #tpu.memory_space<vmem>> -> memref<125x8xf32, #tpu.memory_space<vmem>>
    %dma_wait3A_40 = arith.constant 0 : i32
    %dma_wait3A_41 = tpu.memref_slice %arg7[%dma_wait3A_35, %dma_wait3A_40] : memref<150x125xi32, #tpu.memory_space<vmem>> -> memref<1x125xi32, #tpu.memory_space<vmem>>
    %dma_wait3A_42 = tpu.memref_squeeze %dma_wait3A_41 : memref<1x125xi32, #tpu.memory_space<vmem>> -> memref<125xi32, #tpu.memory_space<vmem>>
    %dma_wait3A_43 = arith.constant 0 : i32
    %dma_wait3A_44 = arith.constant 0 : i32
    %dma_wait3A_45 = tpu.memref_slice %arg9[%dma_wait3A_43, %dma_wait3A_44] : memref<100000x8xf32, #tpu.memory_space<vmem_shared>> -> memref<100000x8xf32, #tpu.memory_space<vmem_shared>>
    tpu.wait_indirect_dma semaphore(%arg11 : memref<!tpu.dma_semaphore, #tpu.memory_space<semaphore_mem>>) src(%dma_wait3A_39 : memref<125x8xf32, #tpu.memory_space<vmem>>) dst(%dma_wait3A_45 : memref<100000x8xf32, #tpu.memory_space<vmem_shared>>)
    %dma_wait3A_46 = arith.constant 3 : i32
    %dma_wait3A_47 = arith.constant 3 : i32
    %dma_wait3A_48 = arith.constant 0 : i32
    %dma_wait3A_49 = arith.constant 0 : i32
    %dma_wait3A_50 = tpu.memref_slice %arg8[%dma_wait3A_46, %dma_wait3A_48, %dma_wait3A_49] : memref<5x125x8xf32, #tpu.memory_space<vmem>> -> memref<1x125x8xf32, #tpu.memory_space<vmem>>
    %dma_wait3A_51 = tpu.memref_squeeze %dma_wait3A_50 : memref<1x125x8xf32, #tpu.memory_space<vmem>> -> memref<125x8xf32, #tpu.memory_space<vmem>>
    %dma_wait3A_52 = arith.constant 0 : i32
    %dma_wait3A_53 = tpu.memref_slice %arg7[%dma_wait3A_47, %dma_wait3A_52] : memref<150x125xi32, #tpu.memory_space<vmem>> -> memref<1x125xi32, #tpu.memory_space<vmem>>
    %dma_wait3A_54 = tpu.memref_squeeze %dma_wait3A_53 : memref<1x125xi32, #tpu.memory_space<vmem>> -> memref<125xi32, #tpu.memory_space<vmem>>
    %dma_wait3A_55 = arith.constant 0 : i32
    %dma_wait3A_56 = arith.constant 0 : i32
    %dma_wait3A_57 = tpu.memref_slice %arg9[%dma_wait3A_55, %dma_wait3A_56] : memref<100000x8xf32, #tpu.memory_space<vmem_shared>> -> memref<100000x8xf32, #tpu.memory_space<vmem_shared>>
    tpu.wait_indirect_dma semaphore(%arg11 : memref<!tpu.dma_semaphore, #tpu.memory_space<semaphore_mem>>) src(%dma_wait3A_51 : memref<125x8xf32, #tpu.memory_space<vmem>>) dst(%dma_wait3A_57 : memref<100000x8xf32, #tpu.memory_space<vmem_shared>>)
    %dma_wait3A_58 = arith.constant 4 : i32
    %dma_wait3A_59 = arith.constant 4 : i32
    %dma_wait3A_60 = arith.constant 0 : i32
    %dma_wait3A_61 = arith.constant 0 : i32
    %dma_wait3A_62 = tpu.memref_slice %arg8[%dma_wait3A_58, %dma_wait3A_60, %dma_wait3A_61] : memref<5x125x8xf32, #tpu.memory_space<vmem>> -> memref<1x125x8xf32, #tpu.memory_space<vmem>>
    %dma_wait3A_63 = tpu.memref_squeeze %dma_wait3A_62 : memref<1x125x8xf32, #tpu.memory_space<vmem>> -> memref<125x8xf32, #tpu.memory_space<vmem>>
    %dma_wait3A_64 = arith.constant 0 : i32
    %dma_wait3A_65 = tpu.memref_slice %arg7[%dma_wait3A_59, %dma_wait3A_64] : memref<150x125xi32, #tpu.memory_space<vmem>> -> memref<1x125xi32, #tpu.memory_space<vmem>>
    %dma_wait3A_66 = tpu.memref_squeeze %dma_wait3A_65 : memref<1x125xi32, #tpu.memory_space<vmem>> -> memref<125xi32, #tpu.memory_space<vmem>>
    %dma_wait3A_67 = arith.constant 0 : i32
    %dma_wait3A_68 = arith.constant 0 : i32
    %dma_wait3A_69 = tpu.memref_slice %arg9[%dma_wait3A_67, %dma_wait3A_68] : memref<100000x8xf32, #tpu.memory_space<vmem_shared>> -> memref<100000x8xf32, #tpu.memory_space<vmem_shared>>
    tpu.wait_indirect_dma semaphore(%arg11 : memref<!tpu.dma_semaphore, #tpu.memory_space<semaphore_mem>>) src(%dma_wait3A_63 : memref<125x8xf32, #tpu.memory_space<vmem>>) dst(%dma_wait3A_69 : memref<100000x8xf32, #tpu.memory_space<vmem_shared>>)
    %barrier3A_70 = arith.constant 0 : index
    tpu.barrier barrier_id(%barrier3A_70)
    %mul3A_71 = arith.constant 6250 : i32
    %mul3A_72 = arith.muli %arg1, %mul3A_71 : i32
    %mul3A_73 = arith.constant 100000 : i32
    %mul3A_74 = arith.muli %arg0, %mul3A_73 : i32
    %mul3A_75 = arith.constant 6250 : i32
    %mul3A_76 = arith.muli %arg1, %mul3A_75 : i32
    %add3A_77 = arith.addi %mul3A_74, %mul3A_76 : i32
    "tpu.region"() ({
      %run_scoped3A_78 = tpu.sem_alloc : memref<!tpu.dma_semaphore, #tpu.memory_space<semaphore_mem>>
      %dma_start3A = arith.constant 0 : i32
      %dma_start3A_79 = tpu.memref_slice %arg5[%add3A_77, %dma_start3A] : memref<200000x8xf32, #tpu.memory_space<hbm>> -> memref<6250x8xf32, #tpu.memory_space<hbm>>
      %dma_start3A_80 = arith.constant 0 : i32
      %dma_start3A_81 = tpu.memref_slice %arg9[%mul3A_72, %dma_start3A_80] : memref<100000x8xf32, #tpu.memory_space<vmem_shared>> -> memref<6250x8xf32, #tpu.memory_space<vmem_shared>>
      tpu.enqueue_dma source(%dma_start3A_81 : memref<6250x8xf32, #tpu.memory_space<vmem_shared>>) target(%dma_start3A_79 : memref<6250x8xf32, #tpu.memory_space<hbm>>) target_semaphore(%run_scoped3A_78 : memref<!tpu.dma_semaphore, #tpu.memory_space<semaphore_mem>>)
      %dma_wait3A_82 = arith.constant 0 : i32
      %dma_wait3A_83 = tpu.memref_slice %arg5[%add3A_77, %dma_wait3A_82] : memref<200000x8xf32, #tpu.memory_space<hbm>> -> memref<6250x8xf32, #tpu.memory_space<hbm>>
      %dma_wait3A_84 = arith.constant 0 : i32
      %dma_wait3A_85 = tpu.memref_slice %arg9[%mul3A_72, %dma_wait3A_84] : memref<100000x8xf32, #tpu.memory_space<vmem_shared>> -> memref<6250x8xf32, #tpu.memory_space<vmem_shared>>
      tpu.wait_dma2 semaphore(%run_scoped3A_78 : memref<!tpu.dma_semaphore, #tpu.memory_space<semaphore_mem>>) src(%dma_wait3A_85 : memref<6250x8xf32, #tpu.memory_space<vmem_shared>>) dst(%dma_wait3A_83 : memref<6250x8xf32, #tpu.memory_space<hbm>>)
      tpu.yield
    }) : () -> ()
    return
  }
}

#map = affine_map<(d0, d1) -> (0, 0)>
#map1 = affine_map<(d0, d1) -> (0)>
module attributes {stable_mosaic.version = 14 : i64} {
  func.func @tr_kernel(%arg0: i32, %arg1: i32, %arg2: memref<100000x8xf32, #tpu.memory_space<hbm>>, %arg3: memref<800000xf32, #tpu.memory_space<hbm>>, %arg4: memref<3136x8xf32, #tpu.memory_space<vmem>>, %arg5: memref<8x3136xf32, #tpu.memory_space<vmem>>) attributes {dimension_semantics = [#tpu.dimension_semantics<core_parallel>, #tpu.dimension_semantics<subcore_parallel>], iteration_bounds = array<i64: 2, 16>, scalar_prefetch = 0 : i64, scratch_operands = 2 : i64, tpu.core_type = #tpu.core_type<sc_vector_subcore>, window_params = [{transform_indices = #map}, {transform_indices = #map1}]} {
    %mul3A = arith.constant 2 : i32
    %mul3A_0 = arith.muli %arg1, %mul3A : i32
    %add3A = arith.addi %mul3A_0, %arg0 : i32
    %mul3A_1 = arith.constant 3125 : i32
    %mul3A_2 = arith.muli %add3A, %mul3A_1 : i32
    %mul3A_3 = arith.constant 5 : i32
    %mul3A_4 = arith.muli %mul3A_3, %add3A : i32
    %jit3A = arith.constant 8 : i32
    %eq3A = arith.constant 0 : i32
    %eq3A_5 = arith.cmpi eq, %jit3A, %eq3A : i32
    %jit3A_6 = arith.constant 1 : i32
    %select_n3A = arith.select %eq3A_5, %jit3A_6, %jit3A : i32
    %rem3A = arith.remsi %mul3A_4, %select_n3A : i32
    %ne3A = arith.constant 0 : i32
    %ne3A_7 = arith.cmpi ne, %rem3A, %ne3A : i32
    %lt3A = arith.constant 0 : i32
    %lt3A_8 = arith.cmpi slt, %rem3A, %lt3A : i32
    %lt3A_9 = arith.constant 0 : i32
    %lt3A_10 = arith.cmpi slt, %select_n3A, %lt3A_9 : i32
    %ne3A_11 = arith.xori %lt3A_8, %lt3A_10 : i1
    %and3A = arith.andi %ne3A_11, %ne3A_7 : i1
    %add3A_12 = arith.addi %rem3A, %select_n3A : i32
    %select_n3A_13 = arith.select %and3A, %add3A_12, %rem3A : i32
    %sub3A = arith.subi %mul3A_2, %select_n3A_13 : i32
    %min3A = arith.constant 96864 : i32
    %min3A_14 = arith.minsi %sub3A, %min3A : i32
    %multiple_of3A = tpu.assume_multiple %min3A_14, 8 : i32
    %iota3A = tpu.iota {dimensions = array<i32: 0>} : vector<16xi32>
    %and3A_15 = arith.constant 7 : i32
    %and3A_16 = vector.broadcast %and3A_15 : i32 to vector<16xi32>
    %and3A_17 = arith.andi %iota3A, %and3A_16 : vector<16xi32>
    %shift_right_arithmetic3A = arith.constant 3 : i32
    %shift_right_arithmetic3A_18 = vector.broadcast %shift_right_arithmetic3A : i32 to vector<16xi32>
    %shift_right_arithmetic3A_19 = arith.shrsi %iota3A, %shift_right_arithmetic3A_18 : vector<16xi32>
    "tpu.region"() ({
      %run_scoped3A_48 = tpu.sem_alloc : memref<!tpu.dma_semaphore, #tpu.memory_space<semaphore_mem>>
      %dma_start3A = arith.constant 0 : i32
      %dma_start3A_49 = tpu.memref_slice %arg2[%multiple_of3A, %dma_start3A] : memref<100000x8xf32, #tpu.memory_space<hbm>> -> memref<3136x8xf32, #tpu.memory_space<hbm>>
      %dma_start3A_50 = arith.constant 0 : i32
      %dma_start3A_51 = tpu.memref_slice %arg2[%multiple_of3A, %dma_start3A_50] : memref<100000x8xf32, #tpu.memory_space<hbm>> -> memref<3136x8xf32, #tpu.memory_space<hbm>>
      tpu.enqueue_dma source(%dma_start3A_51 : memref<3136x8xf32, #tpu.memory_space<hbm>>) target(%arg4 : memref<3136x8xf32, #tpu.memory_space<vmem>>) target_semaphore(%run_scoped3A_48 : memref<!tpu.dma_semaphore, #tpu.memory_space<semaphore_mem>>)
      %dma_wait3A = arith.constant 0 : i32
      %dma_wait3A_52 = tpu.memref_slice %arg2[%multiple_of3A, %dma_wait3A] : memref<100000x8xf32, #tpu.memory_space<hbm>> -> memref<3136x8xf32, #tpu.memory_space<hbm>>
      %dma_wait3A_53 = arith.constant 0 : i32
      %dma_wait3A_54 = tpu.memref_slice %arg2[%multiple_of3A, %dma_wait3A_53] : memref<100000x8xf32, #tpu.memory_space<hbm>> -> memref<3136x8xf32, #tpu.memory_space<hbm>>
      tpu.wait_dma2 semaphore(%run_scoped3A_48 : memref<!tpu.dma_semaphore, #tpu.memory_space<semaphore_mem>>) src(%dma_wait3A_54 : memref<3136x8xf32, #tpu.memory_space<hbm>>) dst(%arg4 : memref<3136x8xf32, #tpu.memory_space<vmem>>)
      tpu.yield
    }) : () -> ()
    %scan3A = arith.constant 0 : i32
    %scan3A_20 = arith.constant 0 : i32
    %scan3A_21 = arith.constant 1568 : i32
    %scan3A_22 = arith.addi %scan3A_20, %scan3A_21 : i32
    %scan3A_23 = arith.constant 8 : i32
    scf.for %scan3A_48 = %scan3A_20 to %scan3A_22 step %scan3A_23  : i32 {
      %mul3A_49 = arith.constant 2 : i32
      %mul3A_50 = arith.muli %mul3A_49, %scan3A_48 : i32
      %add3A_51 = vector.broadcast %mul3A_50 : i32 to vector<16xi32>
      %add3A_52 = arith.addi %shift_right_arithmetic3A_19, %add3A_51 : vector<16xi32>
      %gather3A = tpu.vector_load_idx %arg4[%add3A_52, %and3A_17] : memref<3136x8xf32, #tpu.memory_space<vmem>>[vector<16xi32>, vector<16xi32>], vector<16xf32>,
      tpu.vector_store_idx %arg5[%and3A_17, %add3A_52], %gather3A : memref<8x3136xf32, #tpu.memory_space<vmem>>[vector<16xi32>, vector<16xi32>], vector<16xf32>,
      %scan3A_53 = arith.constant 1 : i32
      %scan3A_54 = arith.addi %scan3A_48, %scan3A_53 : i32
      %mul3A_55 = arith.constant 2 : i32
      %mul3A_56 = arith.muli %mul3A_55, %scan3A_54 : i32
      %add3A_57 = vector.broadcast %mul3A_56 : i32 to vector<16xi32>
      %add3A_58 = arith.addi %shift_right_arithmetic3A_19, %add3A_57 : vector<16xi32>
      %gather3A_59 = tpu.vector_load_idx %arg4[%add3A_58, %and3A_17] : memref<3136x8xf32, #tpu.memory_space<vmem>>[vector<16xi32>, vector<16xi32>], vector<16xf32>,
      tpu.vector_store_idx %arg5[%and3A_17, %add3A_58], %gather3A_59 : memref<8x3136xf32, #tpu.memory_space<vmem>>[vector<16xi32>, vector<16xi32>], vector<16xf32>,
      %scan3A_60 = arith.constant 2 : i32
      %scan3A_61 = arith.addi %scan3A_48, %scan3A_60 : i32
      %mul3A_62 = arith.constant 2 : i32
      %mul3A_63 = arith.muli %mul3A_62, %scan3A_61 : i32
      %add3A_64 = vector.broadcast %mul3A_63 : i32 to vector<16xi32>
      %add3A_65 = arith.addi %shift_right_arithmetic3A_19, %add3A_64 : vector<16xi32>
      %gather3A_66 = tpu.vector_load_idx %arg4[%add3A_65, %and3A_17] : memref<3136x8xf32, #tpu.memory_space<vmem>>[vector<16xi32>, vector<16xi32>], vector<16xf32>,
      tpu.vector_store_idx %arg5[%and3A_17, %add3A_65], %gather3A_66 : memref<8x3136xf32, #tpu.memory_space<vmem>>[vector<16xi32>, vector<16xi32>], vector<16xf32>,
      %scan3A_67 = arith.constant 3 : i32
      %scan3A_68 = arith.addi %scan3A_48, %scan3A_67 : i32
      %mul3A_69 = arith.constant 2 : i32
      %mul3A_70 = arith.muli %mul3A_69, %scan3A_68 : i32
      %add3A_71 = vector.broadcast %mul3A_70 : i32 to vector<16xi32>
      %add3A_72 = arith.addi %shift_right_arithmetic3A_19, %add3A_71 : vector<16xi32>
      %gather3A_73 = tpu.vector_load_idx %arg4[%add3A_72, %and3A_17] : memref<3136x8xf32, #tpu.memory_space<vmem>>[vector<16xi32>, vector<16xi32>], vector<16xf32>,
      tpu.vector_store_idx %arg5[%and3A_17, %add3A_72], %gather3A_73 : memref<8x3136xf32, #tpu.memory_space<vmem>>[vector<16xi32>, vector<16xi32>], vector<16xf32>,
      %scan3A_74 = arith.constant 4 : i32
      %scan3A_75 = arith.addi %scan3A_48, %scan3A_74 : i32
      %mul3A_76 = arith.constant 2 : i32
      %mul3A_77 = arith.muli %mul3A_76, %scan3A_75 : i32
      %add3A_78 = vector.broadcast %mul3A_77 : i32 to vector<16xi32>
      %add3A_79 = arith.addi %shift_right_arithmetic3A_19, %add3A_78 : vector<16xi32>
      %gather3A_80 = tpu.vector_load_idx %arg4[%add3A_79, %and3A_17] : memref<3136x8xf32, #tpu.memory_space<vmem>>[vector<16xi32>, vector<16xi32>], vector<16xf32>,
      tpu.vector_store_idx %arg5[%and3A_17, %add3A_79], %gather3A_80 : memref<8x3136xf32, #tpu.memory_space<vmem>>[vector<16xi32>, vector<16xi32>], vector<16xf32>,
      %scan3A_81 = arith.constant 5 : i32
      %scan3A_82 = arith.addi %scan3A_48, %scan3A_81 : i32
      %mul3A_83 = arith.constant 2 : i32
      %mul3A_84 = arith.muli %mul3A_83, %scan3A_82 : i32
      %add3A_85 = vector.broadcast %mul3A_84 : i32 to vector<16xi32>
      %add3A_86 = arith.addi %shift_right_arithmetic3A_19, %add3A_85 : vector<16xi32>
      %gather3A_87 = tpu.vector_load_idx %arg4[%add3A_86, %and3A_17] : memref<3136x8xf32, #tpu.memory_space<vmem>>[vector<16xi32>, vector<16xi32>], vector<16xf32>,
      tpu.vector_store_idx %arg5[%and3A_17, %add3A_86], %gather3A_87 : memref<8x3136xf32, #tpu.memory_space<vmem>>[vector<16xi32>, vector<16xi32>], vector<16xf32>,
      %scan3A_88 = arith.constant 6 : i32
      %scan3A_89 = arith.addi %scan3A_48, %scan3A_88 : i32
      %mul3A_90 = arith.constant 2 : i32
      %mul3A_91 = arith.muli %mul3A_90, %scan3A_89 : i32
      %add3A_92 = vector.broadcast %mul3A_91 : i32 to vector<16xi32>
      %add3A_93 = arith.addi %shift_right_arithmetic3A_19, %add3A_92 : vector<16xi32>
      %gather3A_94 = tpu.vector_load_idx %arg4[%add3A_93, %and3A_17] : memref<3136x8xf32, #tpu.memory_space<vmem>>[vector<16xi32>, vector<16xi32>], vector<16xf32>,
      tpu.vector_store_idx %arg5[%and3A_17, %add3A_93], %gather3A_94 : memref<8x3136xf32, #tpu.memory_space<vmem>>[vector<16xi32>, vector<16xi32>], vector<16xf32>,
      %scan3A_95 = arith.constant 7 : i32
      %scan3A_96 = arith.addi %scan3A_48, %scan3A_95 : i32
      %mul3A_97 = arith.constant 2 : i32
      %mul3A_98 = arith.muli %mul3A_97, %scan3A_96 : i32
      %add3A_99 = vector.broadcast %mul3A_98 : i32 to vector<16xi32>
      %add3A_100 = arith.addi %shift_right_arithmetic3A_19, %add3A_99 : vector<16xi32>
      %gather3A_101 = tpu.vector_load_idx %arg4[%add3A_100, %and3A_17] : memref<3136x8xf32, #tpu.memory_space<vmem>>[vector<16xi32>, vector<16xi32>], vector<16xf32>,
      tpu.vector_store_idx %arg5[%and3A_17, %add3A_100], %gather3A_101 : memref<8x3136xf32, #tpu.memory_space<vmem>>[vector<16xi32>, vector<16xi32>], vector<16xf32>,
    }
    %scan3A_24 = arith.constant 1568 : i32
    %add3A_25 = arith.constant 0 : i32
    %add3A_26 = arith.addi %add3A_25, %multiple_of3A : i32
    %run_scoped3A = arith.constant 0 : i32
    "tpu.region"() ({
      %run_scoped3A_48 = tpu.sem_alloc : memref<!tpu.dma_semaphore, #tpu.memory_space<semaphore_mem>>
      %dma_start3A = arith.constant 0 : i32
      %dma_start3A_49 = tpu.memref_slice %arg5[%run_scoped3A, %dma_start3A] : memref<8x3136xf32, #tpu.memory_space<vmem>> -> memref<1x3136xf32, #tpu.memory_space<vmem>>
      %dma_start3A_50 = tpu.memref_squeeze %dma_start3A_49 : memref<1x3136xf32, #tpu.memory_space<vmem>> -> memref<3136xf32, #tpu.memory_space<vmem>>
      %dma_start3A_51 = tpu.memref_slice %arg3[%add3A_26] : memref<800000xf32, #tpu.memory_space<hbm>> -> memref<3136xf32, #tpu.memory_space<hbm>>
      %dma_start3A_52 = tpu.memref_slice %arg3[%add3A_26] : memref<800000xf32, #tpu.memory_space<hbm>> -> memref<3136xf32, #tpu.memory_space<hbm>>
      %dma_start3A_53 = arith.constant 0 : i32
      %dma_start3A_54 = tpu.memref_slice %arg5[%run_scoped3A, %dma_start3A_53] : memref<8x3136xf32, #tpu.memory_space<vmem>> -> memref<1x3136xf32, #tpu.memory_space<vmem>>
      %dma_start3A_55 = tpu.memref_squeeze %dma_start3A_54 : memref<1x3136xf32, #tpu.memory_space<vmem>> -> memref<3136xf32, #tpu.memory_space<vmem>>
      tpu.enqueue_dma source(%dma_start3A_55 : memref<3136xf32, #tpu.memory_space<vmem>>) target(%dma_start3A_52 : memref<3136xf32, #tpu.memory_space<hbm>>) target_semaphore(%run_scoped3A_48 : memref<!tpu.dma_semaphore, #tpu.memory_space<semaphore_mem>>)
      %dma_wait3A = arith.constant 0 : i32
      %dma_wait3A_56 = tpu.memref_slice %arg5[%run_scoped3A, %dma_wait3A] : memref<8x3136xf32, #tpu.memory_space<vmem>> -> memref<1x3136xf32, #tpu.memory_space<vmem>>
      %dma_wait3A_57 = tpu.memref_squeeze %dma_wait3A_56 : memref<1x3136xf32, #tpu.memory_space<vmem>> -> memref<3136xf32, #tpu.memory_space<vmem>>
      %dma_wait3A_58 = tpu.memref_slice %arg3[%add3A_26] : memref<800000xf32, #tpu.memory_space<hbm>> -> memref<3136xf32, #tpu.memory_space<hbm>>
      %dma_wait3A_59 = tpu.memref_slice %arg3[%add3A_26] : memref<800000xf32, #tpu.memory_space<hbm>> -> memref<3136xf32, #tpu.memory_space<hbm>>
      %dma_wait3A_60 = arith.constant 0 : i32
      %dma_wait3A_61 = tpu.memref_slice %arg5[%run_scoped3A, %dma_wait3A_60] : memref<8x3136xf32, #tpu.memory_space<vmem>> -> memref<1x3136xf32, #tpu.memory_space<vmem>>
      %dma_wait3A_62 = tpu.memref_squeeze %dma_wait3A_61 : memref<1x3136xf32, #tpu.memory_space<vmem>> -> memref<3136xf32, #tpu.memory_space<vmem>>
      tpu.wait_dma2 semaphore(%run_scoped3A_48 : memref<!tpu.dma_semaphore, #tpu.memory_space<semaphore_mem>>) src(%dma_wait3A_62 : memref<3136xf32, #tpu.memory_space<vmem>>) dst(%dma_wait3A_59 : memref<3136xf32, #tpu.memory_space<hbm>>)
      tpu.yield
    }) : () -> ()
    %add3A_27 = arith.constant 100000 : i32
    %add3A_28 = arith.addi %add3A_27, %multiple_of3A : i32
    %run_scoped3A_29 = arith.constant 1 : i32
    "tpu.region"() ({
      %run_scoped3A_48 = tpu.sem_alloc : memref<!tpu.dma_semaphore, #tpu.memory_space<semaphore_mem>>
      %dma_start3A = arith.constant 0 : i32
      %dma_start3A_49 = tpu.memref_slice %arg5[%run_scoped3A_29, %dma_start3A] : memref<8x3136xf32, #tpu.memory_space<vmem>> -> memref<1x3136xf32, #tpu.memory_space<vmem>>
      %dma_start3A_50 = tpu.memref_squeeze %dma_start3A_49 : memref<1x3136xf32, #tpu.memory_space<vmem>> -> memref<3136xf32, #tpu.memory_space<vmem>>
      %dma_start3A_51 = tpu.memref_slice %arg3[%add3A_28] : memref<800000xf32, #tpu.memory_space<hbm>> -> memref<3136xf32, #tpu.memory_space<hbm>>
      %dma_start3A_52 = tpu.memref_slice %arg3[%add3A_28] : memref<800000xf32, #tpu.memory_space<hbm>> -> memref<3136xf32, #tpu.memory_space<hbm>>
      %dma_start3A_53 = arith.constant 0 : i32
      %dma_start3A_54 = tpu.memref_slice %arg5[%run_scoped3A_29, %dma_start3A_53] : memref<8x3136xf32, #tpu.memory_space<vmem>> -> memref<1x3136xf32, #tpu.memory_space<vmem>>
      %dma_start3A_55 = tpu.memref_squeeze %dma_start3A_54 : memref<1x3136xf32, #tpu.memory_space<vmem>> -> memref<3136xf32, #tpu.memory_space<vmem>>
      tpu.enqueue_dma source(%dma_start3A_55 : memref<3136xf32, #tpu.memory_space<vmem>>) target(%dma_start3A_52 : memref<3136xf32, #tpu.memory_space<hbm>>) target_semaphore(%run_scoped3A_48 : memref<!tpu.dma_semaphore, #tpu.memory_space<semaphore_mem>>)
      %dma_wait3A = arith.constant 0 : i32
      %dma_wait3A_56 = tpu.memref_slice %arg5[%run_scoped3A_29, %dma_wait3A] : memref<8x3136xf32, #tpu.memory_space<vmem>> -> memref<1x3136xf32, #tpu.memory_space<vmem>>
      %dma_wait3A_57 = tpu.memref_squeeze %dma_wait3A_56 : memref<1x3136xf32, #tpu.memory_space<vmem>> -> memref<3136xf32, #tpu.memory_space<vmem>>
      %dma_wait3A_58 = tpu.memref_slice %arg3[%add3A_28] : memref<800000xf32, #tpu.memory_space<hbm>> -> memref<3136xf32, #tpu.memory_space<hbm>>
      %dma_wait3A_59 = tpu.memref_slice %arg3[%add3A_28] : memref<800000xf32, #tpu.memory_space<hbm>> -> memref<3136xf32, #tpu.memory_space<hbm>>
      %dma_wait3A_60 = arith.constant 0 : i32
      %dma_wait3A_61 = tpu.memref_slice %arg5[%run_scoped3A_29, %dma_wait3A_60] : memref<8x3136xf32, #tpu.memory_space<vmem>> -> memref<1x3136xf32, #tpu.memory_space<vmem>>
      %dma_wait3A_62 = tpu.memref_squeeze %dma_wait3A_61 : memref<1x3136xf32, #tpu.memory_space<vmem>> -> memref<3136xf32, #tpu.memory_space<vmem>>
      tpu.wait_dma2 semaphore(%run_scoped3A_48 : memref<!tpu.dma_semaphore, #tpu.memory_space<semaphore_mem>>) src(%dma_wait3A_62 : memref<3136xf32, #tpu.memory_space<vmem>>) dst(%dma_wait3A_59 : memref<3136xf32, #tpu.memory_space<hbm>>)
      tpu.yield
    }) : () -> ()
    %add3A_30 = arith.constant 200000 : i32
    %add3A_31 = arith.addi %add3A_30, %multiple_of3A : i32
    %run_scoped3A_32 = arith.constant 2 : i32
    "tpu.region"() ({
      %run_scoped3A_48 = tpu.sem_alloc : memref<!tpu.dma_semaphore, #tpu.memory_space<semaphore_mem>>
      %dma_start3A = arith.constant 0 : i32
      %dma_start3A_49 = tpu.memref_slice %arg5[%run_scoped3A_32, %dma_start3A] : memref<8x3136xf32, #tpu.memory_space<vmem>> -> memref<1x3136xf32, #tpu.memory_space<vmem>>
      %dma_start3A_50 = tpu.memref_squeeze %dma_start3A_49 : memref<1x3136xf32, #tpu.memory_space<vmem>> -> memref<3136xf32, #tpu.memory_space<vmem>>
      %dma_start3A_51 = tpu.memref_slice %arg3[%add3A_31] : memref<800000xf32, #tpu.memory_space<hbm>> -> memref<3136xf32, #tpu.memory_space<hbm>>
      %dma_start3A_52 = tpu.memref_slice %arg3[%add3A_31] : memref<800000xf32, #tpu.memory_space<hbm>> -> memref<3136xf32, #tpu.memory_space<hbm>>
      %dma_start3A_53 = arith.constant 0 : i32
      %dma_start3A_54 = tpu.memref_slice %arg5[%run_scoped3A_32, %dma_start3A_53] : memref<8x3136xf32, #tpu.memory_space<vmem>> -> memref<1x3136xf32, #tpu.memory_space<vmem>>
      %dma_start3A_55 = tpu.memref_squeeze %dma_start3A_54 : memref<1x3136xf32, #tpu.memory_space<vmem>> -> memref<3136xf32, #tpu.memory_space<vmem>>
      tpu.enqueue_dma source(%dma_start3A_55 : memref<3136xf32, #tpu.memory_space<vmem>>) target(%dma_start3A_52 : memref<3136xf32, #tpu.memory_space<hbm>>) target_semaphore(%run_scoped3A_48 : memref<!tpu.dma_semaphore, #tpu.memory_space<semaphore_mem>>)
      %dma_wait3A = arith.constant 0 : i32
      %dma_wait3A_56 = tpu.memref_slice %arg5[%run_scoped3A_32, %dma_wait3A] : memref<8x3136xf32, #tpu.memory_space<vmem>> -> memref<1x3136xf32, #tpu.memory_space<vmem>>
      %dma_wait3A_57 = tpu.memref_squeeze %dma_wait3A_56 : memref<1x3136xf32, #tpu.memory_space<vmem>> -> memref<3136xf32, #tpu.memory_space<vmem>>
      %dma_wait3A_58 = tpu.memref_slice %arg3[%add3A_31] : memref<800000xf32, #tpu.memory_space<hbm>> -> memref<3136xf32, #tpu.memory_space<hbm>>
      %dma_wait3A_59 = tpu.memref_slice %arg3[%add3A_31] : memref<800000xf32, #tpu.memory_space<hbm>> -> memref<3136xf32, #tpu.memory_space<hbm>>
      %dma_wait3A_60 = arith.constant 0 : i32
      %dma_wait3A_61 = tpu.memref_slice %arg5[%run_scoped3A_32, %dma_wait3A_60] : memref<8x3136xf32, #tpu.memory_space<vmem>> -> memref<1x3136xf32, #tpu.memory_space<vmem>>
      %dma_wait3A_62 = tpu.memref_squeeze %dma_wait3A_61 : memref<1x3136xf32, #tpu.memory_space<vmem>> -> memref<3136xf32, #tpu.memory_space<vmem>>
      tpu.wait_dma2 semaphore(%run_scoped3A_48 : memref<!tpu.dma_semaphore, #tpu.memory_space<semaphore_mem>>) src(%dma_wait3A_62 : memref<3136xf32, #tpu.memory_space<vmem>>) dst(%dma_wait3A_59 : memref<3136xf32, #tpu.memory_space<hbm>>)
      tpu.yield
    }) : () -> ()
    %add3A_33 = arith.constant 300000 : i32
    %add3A_34 = arith.addi %add3A_33, %multiple_of3A : i32
    %run_scoped3A_35 = arith.constant 3 : i32
    "tpu.region"() ({
      %run_scoped3A_48 = tpu.sem_alloc : memref<!tpu.dma_semaphore, #tpu.memory_space<semaphore_mem>>
      %dma_start3A = arith.constant 0 : i32
      %dma_start3A_49 = tpu.memref_slice %arg5[%run_scoped3A_35, %dma_start3A] : memref<8x3136xf32, #tpu.memory_space<vmem>> -> memref<1x3136xf32, #tpu.memory_space<vmem>>
      %dma_start3A_50 = tpu.memref_squeeze %dma_start3A_49 : memref<1x3136xf32, #tpu.memory_space<vmem>> -> memref<3136xf32, #tpu.memory_space<vmem>>
      %dma_start3A_51 = tpu.memref_slice %arg3[%add3A_34] : memref<800000xf32, #tpu.memory_space<hbm>> -> memref<3136xf32, #tpu.memory_space<hbm>>
      %dma_start3A_52 = tpu.memref_slice %arg3[%add3A_34] : memref<800000xf32, #tpu.memory_space<hbm>> -> memref<3136xf32, #tpu.memory_space<hbm>>
      %dma_start3A_53 = arith.constant 0 : i32
      %dma_start3A_54 = tpu.memref_slice %arg5[%run_scoped3A_35, %dma_start3A_53] : memref<8x3136xf32, #tpu.memory_space<vmem>> -> memref<1x3136xf32, #tpu.memory_space<vmem>>
      %dma_start3A_55 = tpu.memref_squeeze %dma_start3A_54 : memref<1x3136xf32, #tpu.memory_space<vmem>> -> memref<3136xf32, #tpu.memory_space<vmem>>
      tpu.enqueue_dma source(%dma_start3A_55 : memref<3136xf32, #tpu.memory_space<vmem>>) target(%dma_start3A_52 : memref<3136xf32, #tpu.memory_space<hbm>>) target_semaphore(%run_scoped3A_48 : memref<!tpu.dma_semaphore, #tpu.memory_space<semaphore_mem>>)
      %dma_wait3A = arith.constant 0 : i32
      %dma_wait3A_56 = tpu.memref_slice %arg5[%run_scoped3A_35, %dma_wait3A] : memref<8x3136xf32, #tpu.memory_space<vmem>> -> memref<1x3136xf32, #tpu.memory_space<vmem>>
      %dma_wait3A_57 = tpu.memref_squeeze %dma_wait3A_56 : memref<1x3136xf32, #tpu.memory_space<vmem>> -> memref<3136xf32, #tpu.memory_space<vmem>>
      %dma_wait3A_58 = tpu.memref_slice %arg3[%add3A_34] : memref<800000xf32, #tpu.memory_space<hbm>> -> memref<3136xf32, #tpu.memory_space<hbm>>
      %dma_wait3A_59 = tpu.memref_slice %arg3[%add3A_34] : memref<800000xf32, #tpu.memory_space<hbm>> -> memref<3136xf32, #tpu.memory_space<hbm>>
      %dma_wait3A_60 = arith.constant 0 : i32
      %dma_wait3A_61 = tpu.memref_slice %arg5[%run_scoped3A_35, %dma_wait3A_60] : memref<8x3136xf32, #tpu.memory_space<vmem>> -> memref<1x3136xf32, #tpu.memory_space<vmem>>
      %dma_wait3A_62 = tpu.memref_squeeze %dma_wait3A_61 : memref<1x3136xf32, #tpu.memory_space<vmem>> -> memref<3136xf32, #tpu.memory_space<vmem>>
      tpu.wait_dma2 semaphore(%run_scoped3A_48 : memref<!tpu.dma_semaphore, #tpu.memory_space<semaphore_mem>>) src(%dma_wait3A_62 : memref<3136xf32, #tpu.memory_space<vmem>>) dst(%dma_wait3A_59 : memref<3136xf32, #tpu.memory_space<hbm>>)
      tpu.yield
    }) : () -> ()
    %add3A_36 = arith.constant 400000 : i32
    %add3A_37 = arith.addi %add3A_36, %multiple_of3A : i32
    %run_scoped3A_38 = arith.constant 4 : i32
    "tpu.region"() ({
      %run_scoped3A_48 = tpu.sem_alloc : memref<!tpu.dma_semaphore, #tpu.memory_space<semaphore_mem>>
      %dma_start3A = arith.constant 0 : i32
      %dma_start3A_49 = tpu.memref_slice %arg5[%run_scoped3A_38, %dma_start3A] : memref<8x3136xf32, #tpu.memory_space<vmem>> -> memref<1x3136xf32, #tpu.memory_space<vmem>>
      %dma_start3A_50 = tpu.memref_squeeze %dma_start3A_49 : memref<1x3136xf32, #tpu.memory_space<vmem>> -> memref<3136xf32, #tpu.memory_space<vmem>>
      %dma_start3A_51 = tpu.memref_slice %arg3[%add3A_37] : memref<800000xf32, #tpu.memory_space<hbm>> -> memref<3136xf32, #tpu.memory_space<hbm>>
      %dma_start3A_52 = tpu.memref_slice %arg3[%add3A_37] : memref<800000xf32, #tpu.memory_space<hbm>> -> memref<3136xf32, #tpu.memory_space<hbm>>
      %dma_start3A_53 = arith.constant 0 : i32
      %dma_start3A_54 = tpu.memref_slice %arg5[%run_scoped3A_38, %dma_start3A_53] : memref<8x3136xf32, #tpu.memory_space<vmem>> -> memref<1x3136xf32, #tpu.memory_space<vmem>>
      %dma_start3A_55 = tpu.memref_squeeze %dma_start3A_54 : memref<1x3136xf32, #tpu.memory_space<vmem>> -> memref<3136xf32, #tpu.memory_space<vmem>>
      tpu.enqueue_dma source(%dma_start3A_55 : memref<3136xf32, #tpu.memory_space<vmem>>) target(%dma_start3A_52 : memref<3136xf32, #tpu.memory_space<hbm>>) target_semaphore(%run_scoped3A_48 : memref<!tpu.dma_semaphore, #tpu.memory_space<semaphore_mem>>)
      %dma_wait3A = arith.constant 0 : i32
      %dma_wait3A_56 = tpu.memref_slice %arg5[%run_scoped3A_38, %dma_wait3A] : memref<8x3136xf32, #tpu.memory_space<vmem>> -> memref<1x3136xf32, #tpu.memory_space<vmem>>
      %dma_wait3A_57 = tpu.memref_squeeze %dma_wait3A_56 : memref<1x3136xf32, #tpu.memory_space<vmem>> -> memref<3136xf32, #tpu.memory_space<vmem>>
      %dma_wait3A_58 = tpu.memref_slice %arg3[%add3A_37] : memref<800000xf32, #tpu.memory_space<hbm>> -> memref<3136xf32, #tpu.memory_space<hbm>>
      %dma_wait3A_59 = tpu.memref_slice %arg3[%add3A_37] : memref<800000xf32, #tpu.memory_space<hbm>> -> memref<3136xf32, #tpu.memory_space<hbm>>
      %dma_wait3A_60 = arith.constant 0 : i32
      %dma_wait3A_61 = tpu.memref_slice %arg5[%run_scoped3A_38, %dma_wait3A_60] : memref<8x3136xf32, #tpu.memory_space<vmem>> -> memref<1x3136xf32, #tpu.memory_space<vmem>>
      %dma_wait3A_62 = tpu.memref_squeeze %dma_wait3A_61 : memref<1x3136xf32, #tpu.memory_space<vmem>> -> memref<3136xf32, #tpu.memory_space<vmem>>
      tpu.wait_dma2 semaphore(%run_scoped3A_48 : memref<!tpu.dma_semaphore, #tpu.memory_space<semaphore_mem>>) src(%dma_wait3A_62 : memref<3136xf32, #tpu.memory_space<vmem>>) dst(%dma_wait3A_59 : memref<3136xf32, #tpu.memory_space<hbm>>)
      tpu.yield
    }) : () -> ()
    %add3A_39 = arith.constant 500000 : i32
    %add3A_40 = arith.addi %add3A_39, %multiple_of3A : i32
    %run_scoped3A_41 = arith.constant 5 : i32
    "tpu.region"() ({
      %run_scoped3A_48 = tpu.sem_alloc : memref<!tpu.dma_semaphore, #tpu.memory_space<semaphore_mem>>
      %dma_start3A = arith.constant 0 : i32
      %dma_start3A_49 = tpu.memref_slice %arg5[%run_scoped3A_41, %dma_start3A] : memref<8x3136xf32, #tpu.memory_space<vmem>> -> memref<1x3136xf32, #tpu.memory_space<vmem>>
      %dma_start3A_50 = tpu.memref_squeeze %dma_start3A_49 : memref<1x3136xf32, #tpu.memory_space<vmem>> -> memref<3136xf32, #tpu.memory_space<vmem>>
      %dma_start3A_51 = tpu.memref_slice %arg3[%add3A_40] : memref<800000xf32, #tpu.memory_space<hbm>> -> memref<3136xf32, #tpu.memory_space<hbm>>
      %dma_start3A_52 = tpu.memref_slice %arg3[%add3A_40] : memref<800000xf32, #tpu.memory_space<hbm>> -> memref<3136xf32, #tpu.memory_space<hbm>>
      %dma_start3A_53 = arith.constant 0 : i32
      %dma_start3A_54 = tpu.memref_slice %arg5[%run_scoped3A_41, %dma_start3A_53] : memref<8x3136xf32, #tpu.memory_space<vmem>> -> memref<1x3136xf32, #tpu.memory_space<vmem>>
      %dma_start3A_55 = tpu.memref_squeeze %dma_start3A_54 : memref<1x3136xf32, #tpu.memory_space<vmem>> -> memref<3136xf32, #tpu.memory_space<vmem>>
      tpu.enqueue_dma source(%dma_start3A_55 : memref<3136xf32, #tpu.memory_space<vmem>>) target(%dma_start3A_52 : memref<3136xf32, #tpu.memory_space<hbm>>) target_semaphore(%run_scoped3A_48 : memref<!tpu.dma_semaphore, #tpu.memory_space<semaphore_mem>>)
      %dma_wait3A = arith.constant 0 : i32
      %dma_wait3A_56 = tpu.memref_slice %arg5[%run_scoped3A_41, %dma_wait3A] : memref<8x3136xf32, #tpu.memory_space<vmem>> -> memref<1x3136xf32, #tpu.memory_space<vmem>>
      %dma_wait3A_57 = tpu.memref_squeeze %dma_wait3A_56 : memref<1x3136xf32, #tpu.memory_space<vmem>> -> memref<3136xf32, #tpu.memory_space<vmem>>
      %dma_wait3A_58 = tpu.memref_slice %arg3[%add3A_40] : memref<800000xf32, #tpu.memory_space<hbm>> -> memref<3136xf32, #tpu.memory_space<hbm>>
      %dma_wait3A_59 = tpu.memref_slice %arg3[%add3A_40] : memref<800000xf32, #tpu.memory_space<hbm>> -> memref<3136xf32, #tpu.memory_space<hbm>>
      %dma_wait3A_60 = arith.constant 0 : i32
      %dma_wait3A_61 = tpu.memref_slice %arg5[%run_scoped3A_41, %dma_wait3A_60] : memref<8x3136xf32, #tpu.memory_space<vmem>> -> memref<1x3136xf32, #tpu.memory_space<vmem>>
      %dma_wait3A_62 = tpu.memref_squeeze %dma_wait3A_61 : memref<1x3136xf32, #tpu.memory_space<vmem>> -> memref<3136xf32, #tpu.memory_space<vmem>>
      tpu.wait_dma2 semaphore(%run_scoped3A_48 : memref<!tpu.dma_semaphore, #tpu.memory_space<semaphore_mem>>) src(%dma_wait3A_62 : memref<3136xf32, #tpu.memory_space<vmem>>) dst(%dma_wait3A_59 : memref<3136xf32, #tpu.memory_space<hbm>>)
      tpu.yield
    }) : () -> ()
    %add3A_42 = arith.constant 600000 : i32
    %add3A_43 = arith.addi %add3A_42, %multiple_of3A : i32
    %run_scoped3A_44 = arith.constant 6 : i32
    "tpu.region"() ({
      %run_scoped3A_48 = tpu.sem_alloc : memref<!tpu.dma_semaphore, #tpu.memory_space<semaphore_mem>>
      %dma_start3A = arith.constant 0 : i32
      %dma_start3A_49 = tpu.memref_slice %arg5[%run_scoped3A_44, %dma_start3A] : memref<8x3136xf32, #tpu.memory_space<vmem>> -> memref<1x3136xf32, #tpu.memory_space<vmem>>
      %dma_start3A_50 = tpu.memref_squeeze %dma_start3A_49 : memref<1x3136xf32, #tpu.memory_space<vmem>> -> memref<3136xf32, #tpu.memory_space<vmem>>
      %dma_start3A_51 = tpu.memref_slice %arg3[%add3A_43] : memref<800000xf32, #tpu.memory_space<hbm>> -> memref<3136xf32, #tpu.memory_space<hbm>>
      %dma_start3A_52 = tpu.memref_slice %arg3[%add3A_43] : memref<800000xf32, #tpu.memory_space<hbm>> -> memref<3136xf32, #tpu.memory_space<hbm>>
      %dma_start3A_53 = arith.constant 0 : i32
      %dma_start3A_54 = tpu.memref_slice %arg5[%run_scoped3A_44, %dma_start3A_53] : memref<8x3136xf32, #tpu.memory_space<vmem>> -> memref<1x3136xf32, #tpu.memory_space<vmem>>
      %dma_start3A_55 = tpu.memref_squeeze %dma_start3A_54 : memref<1x3136xf32, #tpu.memory_space<vmem>> -> memref<3136xf32, #tpu.memory_space<vmem>>
      tpu.enqueue_dma source(%dma_start3A_55 : memref<3136xf32, #tpu.memory_space<vmem>>) target(%dma_start3A_52 : memref<3136xf32, #tpu.memory_space<hbm>>) target_semaphore(%run_scoped3A_48 : memref<!tpu.dma_semaphore, #tpu.memory_space<semaphore_mem>>)
      %dma_wait3A = arith.constant 0 : i32
      %dma_wait3A_56 = tpu.memref_slice %arg5[%run_scoped3A_44, %dma_wait3A] : memref<8x3136xf32, #tpu.memory_space<vmem>> -> memref<1x3136xf32, #tpu.memory_space<vmem>>
      %dma_wait3A_57 = tpu.memref_squeeze %dma_wait3A_56 : memref<1x3136xf32, #tpu.memory_space<vmem>> -> memref<3136xf32, #tpu.memory_space<vmem>>
      %dma_wait3A_58 = tpu.memref_slice %arg3[%add3A_43] : memref<800000xf32, #tpu.memory_space<hbm>> -> memref<3136xf32, #tpu.memory_space<hbm>>
      %dma_wait3A_59 = tpu.memref_slice %arg3[%add3A_43] : memref<800000xf32, #tpu.memory_space<hbm>> -> memref<3136xf32, #tpu.memory_space<hbm>>
      %dma_wait3A_60 = arith.constant 0 : i32
      %dma_wait3A_61 = tpu.memref_slice %arg5[%run_scoped3A_44, %dma_wait3A_60] : memref<8x3136xf32, #tpu.memory_space<vmem>> -> memref<1x3136xf32, #tpu.memory_space<vmem>>
      %dma_wait3A_62 = tpu.memref_squeeze %dma_wait3A_61 : memref<1x3136xf32, #tpu.memory_space<vmem>> -> memref<3136xf32, #tpu.memory_space<vmem>>
      tpu.wait_dma2 semaphore(%run_scoped3A_48 : memref<!tpu.dma_semaphore, #tpu.memory_space<semaphore_mem>>) src(%dma_wait3A_62 : memref<3136xf32, #tpu.memory_space<vmem>>) dst(%dma_wait3A_59 : memref<3136xf32, #tpu.memory_space<hbm>>)
      tpu.yield
    }) : () -> ()
    %add3A_45 = arith.constant 700000 : i32
    %add3A_46 = arith.addi %add3A_45, %multiple_of3A : i32
    %run_scoped3A_47 = arith.constant 7 : i32
    "tpu.region"() ({
      %run_scoped3A_48 = tpu.sem_alloc : memref<!tpu.dma_semaphore, #tpu.memory_space<semaphore_mem>>
      %dma_start3A = arith.constant 0 : i32
      %dma_start3A_49 = tpu.memref_slice %arg5[%run_scoped3A_47, %dma_start3A] : memref<8x3136xf32, #tpu.memory_space<vmem>> -> memref<1x3136xf32, #tpu.memory_space<vmem>>
      %dma_start3A_50 = tpu.memref_squeeze %dma_start3A_49 : memref<1x3136xf32, #tpu.memory_space<vmem>> -> memref<3136xf32, #tpu.memory_space<vmem>>
      %dma_start3A_51 = tpu.memref_slice %arg3[%add3A_46] : memref<800000xf32, #tpu.memory_space<hbm>> -> memref<3136xf32, #tpu.memory_space<hbm>>
      %dma_start3A_52 = tpu.memref_slice %arg3[%add3A_46] : memref<800000xf32, #tpu.memory_space<hbm>> -> memref<3136xf32, #tpu.memory_space<hbm>>
      %dma_start3A_53 = arith.constant 0 : i32
      %dma_start3A_54 = tpu.memref_slice %arg5[%run_scoped3A_47, %dma_start3A_53] : memref<8x3136xf32, #tpu.memory_space<vmem>> -> memref<1x3136xf32, #tpu.memory_space<vmem>>
      %dma_start3A_55 = tpu.memref_squeeze %dma_start3A_54 : memref<1x3136xf32, #tpu.memory_space<vmem>> -> memref<3136xf32, #tpu.memory_space<vmem>>
      tpu.enqueue_dma source(%dma_start3A_55 : memref<3136xf32, #tpu.memory_space<vmem>>) target(%dma_start3A_52 : memref<3136xf32, #tpu.memory_space<hbm>>) target_semaphore(%run_scoped3A_48 : memref<!tpu.dma_semaphore, #tpu.memory_space<semaphore_mem>>)
      %dma_wait3A = arith.constant 0 : i32
      %dma_wait3A_56 = tpu.memref_slice %arg5[%run_scoped3A_47, %dma_wait3A] : memref<8x3136xf32, #tpu.memory_space<vmem>> -> memref<1x3136xf32, #tpu.memory_space<vmem>>
      %dma_wait3A_57 = tpu.memref_squeeze %dma_wait3A_56 : memref<1x3136xf32, #tpu.memory_space<vmem>> -> memref<3136xf32, #tpu.memory_space<vmem>>
      %dma_wait3A_58 = tpu.memref_slice %arg3[%add3A_46] : memref<800000xf32, #tpu.memory_space<hbm>> -> memref<3136xf32, #tpu.memory_space<hbm>>
      %dma_wait3A_59 = tpu.memref_slice %arg3[%add3A_46] : memref<800000xf32, #tpu.memory_space<hbm>> -> memref<3136xf32, #tpu.memory_space<hbm>>
      %dma_wait3A_60 = arith.constant 0 : i32
      %dma_wait3A_61 = tpu.memref_slice %arg5[%run_scoped3A_47, %dma_wait3A_60] : memref<8x3136xf32, #tpu.memory_space<vmem>> -> memref<1x3136xf32, #tpu.memory_space<vmem>>
      %dma_wait3A_62 = tpu.memref_squeeze %dma_wait3A_61 : memref<1x3136xf32, #tpu.memory_space<vmem>> -> memref<3136xf32, #tpu.memory_space<vmem>>
      tpu.wait_dma2 semaphore(%run_scoped3A_48 : memref<!tpu.dma_semaphore, #tpu.memory_space<semaphore_mem>>) src(%dma_wait3A_62 : memref<3136xf32, #tpu.memory_space<vmem>>) dst(%dma_wait3A_59 : memref<3136xf32, #tpu.memory_space<hbm>>)
      tpu.yield
    }) : () -> ()
    return
  }
}

module attributes {stable_mosaic.version = 14 : i64} {
  func.func @_mlp_block(%arg0: i32, %arg1: memref<6250x128xf32, #tpu.memory_space<vmem>>, %arg2: memref<1x6250x128xf32, #tpu.memory_space<vmem>>, %arg3: memref<1x6250x128xf32, #tpu.memory_space<vmem>>, %arg4: memref<128x256xf32, #tpu.memory_space<vmem>>, %arg5: memref<128x256xf32, #tpu.memory_space<vmem>>, %arg6: memref<1x256xf32, #tpu.memory_space<vmem>>, %arg7: memref<256x128xf32, #tpu.memory_space<vmem>>, %arg8: memref<1x128xf32, #tpu.memory_space<vmem>>, %arg9: memref<6250x128xf32, #tpu.memory_space<vmem>>) attributes {dimension_semantics = [#tpu.dimension_semantics<arbitrary>], iteration_bounds = array<i64: 1>, scalar_prefetch = 0 : i64, scratch_operands = 0 : i64, tpu.core_type = #tpu.core_type<tc>, window_params = [{transform_indices = @transform_0, window_bounds = array<i64: 6250, 128>}, {transform_indices = @transform_1, window_bounds = array<i64: 1, 6250, 128>}, {transform_indices = @transform_2, window_bounds = array<i64: 1, 6250, 128>}, {pipeline_mode = #tpu.pipeline_mode<synchronous>, transform_indices = @transform_3, window_bounds = array<i64: 128, 256>}, {pipeline_mode = #tpu.pipeline_mode<synchronous>, transform_indices = @transform_4, window_bounds = array<i64: 128, 256>}, {pipeline_mode = #tpu.pipeline_mode<synchronous>, transform_indices = @transform_5, window_bounds = array<i64: 1, 256>}, {pipeline_mode = #tpu.pipeline_mode<synchronous>, transform_indices = @transform_6, window_bounds = array<i64: 256, 128>}, {pipeline_mode = #tpu.pipeline_mode<synchronous>, transform_indices = @transform_7, window_bounds = array<i64: 1, 128>}, {transform_indices = @transform_8, window_bounds = array<i64: 6250, 128>}]} {
    %get3A = arith.constant 0 : index
    %get3A_0 = arith.constant 0 : index
    %get3A_1 = arith.constant 0 : index
    %get3A_2 = vector.load %arg2[%get3A, %get3A_0, %get3A_1] : memref<1x6250x128xf32, #tpu.memory_space<vmem>>, vector<1x6250x128xf32>
    %get3A_3 = vector.shape_cast %get3A_2 : vector<1x6250x128xf32> to vector<6250x128xf32>
    %get3A_4 = arith.constant 0 : index
    %get3A_5 = arith.constant 0 : index
    %get3A_6 = arith.constant 0 : index
    %get3A_7 = vector.load %arg3[%get3A_4, %get3A_5, %get3A_6] : memref<1x6250x128xf32, #tpu.memory_space<vmem>>, vector<1x6250x128xf32>
    %get3A_8 = vector.shape_cast %get3A_7 : vector<1x6250x128xf32> to vector<6250x128xf32>
    %add3A = arith.addf %get3A_3, %get3A_8 : vector<6250x128xf32>
    %mul3A = arith.constant 0.166666672 : f32
    %mul3A_9 = vector.broadcast %mul3A : f32 to vector<6250x128xf32>
    %mul3A_10 = arith.mulf %add3A, %mul3A_9 : vector<6250x128xf32>
    %get3A_11 = arith.constant 0 : index
    %get3A_12 = arith.constant 0 : index
    %get3A_13 = vector.load %arg1[%get3A_11, %get3A_12] : memref<6250x128xf32, #tpu.memory_space<vmem>>, vector<6250x128xf32>
    %get3A_14 = arith.constant 0 : index
    %get3A_15 = arith.constant 0 : index
    %get3A_16 = vector.load %arg4[%get3A_14, %get3A_15] : memref<128x256xf32, #tpu.memory_space<vmem>>, vector<128x256xf32>
    %dot_general3A = arith.constant dense<0.000000e+00> : vector<6250x256xf32>
    %dot_general3A_17 = tpu.matmul %get3A_13, %get3A_16, %dot_general3A {dimension_numbers = #tpu.dot_dimension_numbers<[1], [0], [0], [1], [0, 0, 1, 1], [], []>, transpose_lhs_hint = false} : vector<6250x128xf32>, vector<128x256xf32>, vector<6250x256xf32> -> vector<6250x256xf32>
    %get3A_18 = arith.constant 0 : index
    %get3A_19 = arith.constant 0 : index
    %get3A_20 = vector.load %arg5[%get3A_18, %get3A_19] : memref<128x256xf32, #tpu.memory_space<vmem>>, vector<128x256xf32>
    %dot_general3A_21 = arith.constant dense<0.000000e+00> : vector<6250x256xf32>
    %dot_general3A_22 = tpu.matmul %mul3A_10, %get3A_20, %dot_general3A_21 {dimension_numbers = #tpu.dot_dimension_numbers<[1], [0], [0], [1], [0, 0, 1, 1], [], []>, transpose_lhs_hint = false} : vector<6250x128xf32>, vector<128x256xf32>, vector<6250x256xf32> -> vector<6250x256xf32>
    %add3A_23 = arith.addf %dot_general3A_17, %dot_general3A_22 : vector<6250x256xf32>
    %get3A_24 = arith.constant 0 : index
    %get3A_25 = arith.constant 0 : index
    %get3A_26 = vector.load %arg6[%get3A_24, %get3A_25] : memref<1x256xf32, #tpu.memory_space<vmem>>, vector<1x256xf32>
    %add3A_27 = vector.broadcast %get3A_26 : vector<1x256xf32> to vector<6250x256xf32>
    %add3A_28 = arith.addf %add3A_23, %add3A_27 : vector<6250x256xf32>
    %tanh3A = math.tanh %add3A_28 : vector<6250x256xf32>
    %get3A_29 = arith.constant 0 : index
    %get3A_30 = arith.constant 0 : index
    %get3A_31 = vector.load %arg7[%get3A_29, %get3A_30] : memref<256x128xf32, #tpu.memory_space<vmem>>, vector<256x128xf32>
    %dot_general3A_32 = arith.constant dense<0.000000e+00> : vector<6250x128xf32>
    %dot_general3A_33 = tpu.matmul %tanh3A, %get3A_31, %dot_general3A_32 {dimension_numbers = #tpu.dot_dimension_numbers<[1], [0], [0], [1], [0, 0, 1, 1], [], []>, transpose_lhs_hint = false} : vector<6250x256xf32>, vector<256x128xf32>, vector<6250x128xf32> -> vector<6250x128xf32>
    %get3A_34 = arith.constant 0 : index
    %get3A_35 = arith.constant 0 : index
    %get3A_36 = vector.load %arg8[%get3A_34, %get3A_35] : memref<1x128xf32, #tpu.memory_space<vmem>>, vector<1x128xf32>
    %add3A_37 = vector.broadcast %get3A_36 : vector<1x128xf32> to vector<6250x128xf32>
    %add3A_38 = arith.addf %dot_general3A_33, %add3A_37 : vector<6250x128xf32>
    %tanh3A_39 = math.tanh %add3A_38 : vector<6250x128xf32>
    %swap3A = arith.constant 0 : index
    %swap3A_40 = arith.constant 0 : index
    %swap3A_41 = vector.load %arg9[%swap3A, %swap3A_40] : memref<6250x128xf32, #tpu.memory_space<vmem>>, vector<6250x128xf32>
    tpu.vector_store %arg9[%swap3A, %swap3A_40], %tanh3A_39 {strides = array<i32>} : memref<6250x128xf32, #tpu.memory_space<vmem>>, vector<6250x128xf32>,
    return
  }
  func.func @transform_0(%arg0: i32) -> (i32, i32) {
    %c0_i32 = arith.constant 0 : i32
    %c0_i32_0 = arith.constant 0 : i32
    return %arg0, %c0_i32 : i32, i32
  }
  func.func @transform_1(%arg0: i32) -> (i32, i32, i32) {
    %c0_i32 = arith.constant 0 : i32
    %c0_i32_0 = arith.constant 0 : i32
    %c0_i32_1 = arith.constant 0 : i32
    return %c0_i32, %arg0, %c0_i32_0 : i32, i32, i32
  }
  func.func @transform_2(%arg0: i32) -> (i32, i32, i32) {
    %c1_i32 = arith.constant 1 : i32
    %c0_i32 = arith.constant 0 : i32
    %c0_i32_0 = arith.constant 0 : i32
    return %c1_i32, %arg0, %c0_i32 : i32, i32, i32
  }
  func.func @transform_3(%arg0: i32) -> (i32, i32) {
    %c0_i32 = arith.constant 0 : i32
    %c0_i32_0 = arith.constant 0 : i32
    %c0_i32_1 = arith.constant 0 : i32
    return %c0_i32, %c0_i32_0 : i32, i32
  }
  func.func @transform_4(%arg0: i32) -> (i32, i32) {
    %c0_i32 = arith.constant 0 : i32
    %c0_i32_0 = arith.constant 0 : i32
    %c0_i32_1 = arith.constant 0 : i32
    return %c0_i32, %c0_i32_0 : i32, i32
  }
  func.func @transform_5(%arg0: i32) -> (i32, i32) {
    %c0_i32 = arith.constant 0 : i32
    %c0_i32_0 = arith.constant 0 : i32
    %c0_i32_1 = arith.constant 0 : i32
    return %c0_i32, %c0_i32_0 : i32, i32
  }
  func.func @transform_6(%arg0: i32) -> (i32, i32) {
    %c0_i32 = arith.constant 0 : i32
    %c0_i32_0 = arith.constant 0 : i32
    %c0_i32_1 = arith.constant 0 : i32
    return %c0_i32, %c0_i32_0 : i32, i32
  }
  func.func @transform_7(%arg0: i32) -> (i32, i32) {
    %c0_i32 = arith.constant 0 : i32
    %c0_i32_0 = arith.constant 0 : i32
    %c0_i32_1 = arith.constant 0 : i32
    return %c0_i32, %c0_i32_0 : i32, i32
  }
  func.func @transform_8(%arg0: i32) -> (i32, i32) {
    %c0_i32 = arith.constant 0 : i32
    %c0_i32_0 = arith.constant 0 : i32
    return %arg0, %c0_i32 : i32, i32
  }
}

</mosaic_0001>

<sc_bundles>
// kernel: kernel.12.cloned.1.call-start
scs
__scs_entry_jumppad:
0x0: {  	(pc) =	sbr.rel $0x88, $3  }
0x1: {  	(tag) =	ssettag $0x0;
	lr =	simm.s32 $0x1  }
0x2: {  	[smem:$0x3F9B] =	sst lr;
	_ =	strace $0xD0000000  }
0x3: {  	_ = 	snop  }
0x4: {  	_ = 	snop  }
0x5: {  	_ = 	snop  }
0x6: {  	_ = 	snop  }
0x7: {  	_ = 	snop  }
__scs_overlays_trampoline_lowered:
0x8: {  	[smem:$0x3FAA] =	sst s0  }
0x9: {  	[smem:$0x3FAB] =	sst s1  }
0xa: {  	[smem:$0x3FAC] =	sst s2  }
0xb: {  	[smem:$0x3FAD] =	sst s3  }
0xc: {  	[smem:$0x3FAE] =	sst s4  }
0xd: {  	[smem:$0x3FAF] =	sst s5  }
0xe: {  	[smem:$0x3FB0] =	sst s6  }
0xf: {  	[smem:$0x3FB1] =	sst s7  }
0x10: {  	[smem:$0x3FB2] =	sst s8  }
0x11: {  	[smem:$0x3FB3] =	sst s9;
	s0 =	simm.s32 @!p0 $0x0  }
0x12: {  	s1 =	sld [smem:$0x3F99];
	s0 =	simm.s32 @p0 $0x1  }
0x13: {  	[smem:$0x3FB4] =	sst s0;
	s0 =	simm.s32 @!p1 $0x0  }
0x14: {  	s2 =	sld [smem:$0x3F98];
	s0 =	simm.s32 @p1 $0x1  }
0x15: {  	[smem:$0x3FB5] =	sst s0;
	s0 =	simm.s32 @!p2 $0x0  }
0x16: {  	s3 =	sld [smem:$0x3FDB];
	s0 =	simm.s32 @p2 $0x1  }
0x17: {  	s4 =	simm.s32 $0x1BF5;
	[smem:$0x3FB7] =	sst s0  }
0x18: {  	s0 =	sld [smem:$0x3F9A];
	_ =	swait.ge [sflag:s4], $0x0  }
0x19: {  	s7 =	sld [smem:$0x3F9B]  }
0x1a: {  	s8 =	sadd.s32 $0xFFFFE003, lr  }
0x1b: {  	s9 =	sadd.s32 $0xFFFFFEF7, lr;
	s5 =	simm.s32 $0xFFFFFFFF;
	p2 =	slt.u32 s8, $0xFFFFF086  }
0x1c: {  	p1 =	slt.u32 s9, $0xF7A;
	s5 =	simm.s32 @!p2 $0x0  }
0x1d: {  	s5 =	simm.s32 @p1 $0x1;
	p0 =	seq.s32 s7, s2  }
0x1e: {  	s7 =	smul.u32 @!p0 $0xF7A, s2;
	p2 =	seq.s32 @!p0 s5, $0x0  }
0x1f: {  	s9 =	smul.u32 $0xF7A, s1;
	s8 =	simm.s32 @!p0 $0x1BF5;
	p2 =	por !p2, p0  }
0x20: {  	[sflag:s8] =	ssyncset.s32 @!p0 $0xFFFFF086;
	s6 =	sadd.s32 @!p0 s3, s7;
	s7 =	simm.s32 @!p0 $0x108  }
0x21: {  	s3 =	sadd.s32 s3, s9;
	s6 =	sadd.s32 @!p0 $0x88, s6;
	s7 =	simm.s32 @p2 $0x1082  }
0x22: {  	[simem:s7], [sflag:s8] =	dma.local @!p0 [hbm:s6], $0xF7A  }
0x23: {  	s9 =	sor.u32 $0xD0000000, s2;
	s6 =	simm.s32 $0x108;
	_ =	swait.ge @!p0 [sflag:s8], $0x0  }
0x24: {  	s3 =	sadd.s32 $0x88, s3;
	s6 =	simm.s32 @!p1 $0x1082;
	[sflag:s4] =	ssyncset.s32 $0xFFFFF086  }
0x25: {  	[simem:s6], [sflag:s4] =	dma.local [hbm:s3], $0xF7A  }
0x26: {  	[smem:$0x3F9B] =	sst s1;
	(tag) =	ssettag s2;
	_ =	strace s9  }
0x27: {  	s1 =	sld [smem:$0x3FAB]  }
0x28: {  	s2 =	sld [smem:$0x3FAC]  }
0x29: {  	s4 =	sld [smem:$0x3FAE]  }
0x2a: {  	p0 =	seq.s32 s5, $0x0;
	s5 =	sld [smem:$0x3FAF]  }
0x2b: {  	s6 =	sld [smem:$0x3FB0]  }
0x2c: {  	s7 =	sld [smem:$0x3FB1]  }
0x2d: {  	s3 =	simm.s32 $0x108;
	s8 =	sld [smem:$0x3FB2]  }
0x2e: {  	s3 =	simm.s32 @!p0 $0x1082;
	s9 =	sld [smem:$0x3FB3]  }
0x2f: {  	lr =	sadd.s32 s0, s3;
	s0 =	sld [smem:$0x3FAA]  }
0x30: {  	s3 =	sld [smem:$0x3FAD]  }
0x31: {  	[smem:$0x3FB6] =	sst s10  }
0x32: {  	s10 =	sld [smem:$0x3FB4];
	_ =	sdelay $0x3  }
0x33: {  	p0 =	seq.s32 s10, $0x1;
	s10 =	sld [smem:$0x3FB6];
	_ =	sdelay $0x3  }
0x34: {  	[smem:$0x3FB6] =	sst s10  }
0x35: {  	s10 =	sld [smem:$0x3FB5];
	_ =	sdelay $0x3  }
0x36: {  	p1 =	seq.s32 s10, $0x1;
	s10 =	sld [smem:$0x3FB6];
	_ =	sdelay $0x3  }
0x37: {  	[smem:$0x3FB6] =	sst s10  }
0x38: {  	s10 =	sld [smem:$0x3FB7]  }
0x39: {  	_ = 	snop;
	(pc) =	sbr.ind lr, $3  }
0x3a: {  	_ = 	snop  }
0x3b: {  	_ = 	snop  }
0x3c: {  	p2 =	seq.s32 s10, $0x1;
	s10 =	sld [smem:$0x3FB6]  }
0x3d: {  	_ =	shalt  }
0x3e: {  	_ =	shalt  }
0x3f: {  	_ =	shalt  }
0x40: {  	_ =	shalt  }
0x41: {  	_ =	shalt  }
0x42: {  	_ =	shalt  }
0x43: {  	_ =	shalt  }
0x44: {  	_ =	shalt  }
0x45: {  	_ =	shalt  }
0x46: {  	_ =	shalt  }
0x47: {  	_ =	shalt  }
0x48: {  	_ =	shalt  }
0x49: {  	_ =	shalt  }
0x4a: {  	_ =	shalt  }
0x4b: {  	_ =	shalt  }
0x4c: {  	_ =	shalt  }
0x4d: {  	_ =	shalt  }
0x4e: {  	_ =	shalt  }
0x4f: {  	_ =	shalt  }
0x50: {  	_ =	shalt  }
0x51: {  	_ =	shalt  }
0x52: {  	_ =	shalt  }
0x53: {  	_ =	shalt  }
0x54: {  	_ =	shalt  }
0x55: {  	_ =	shalt  }
0x56: {  	_ =	shalt  }
0x57: {  	_ =	shalt  }
0x58: {  	_ =	shalt  }
0x59: {  	_ =	shalt  }
0x5a: {  	_ =	shalt  }
0x5b: {  	_ =	shalt  }
0x5c: {  	_ =	shalt  }
0x5d: {  	_ =	shalt  }
0x5e: {  	_ =	shalt  }
0x5f: {  	_ =	shalt  }
0x60: {  	_ =	shalt  }
0x61: {  	_ =	shalt  }
0x62: {  	_ =	shalt  }
0x63: {  	_ =	shalt  }
0x64: {  	_ =	shalt  }
0x65: {  	_ =	shalt  }
0x66: {  	_ =	shalt  }
0x67: {  	_ =	shalt  }
0x68: {  	_ =	shalt  }
0x69: {  	_ =	shalt  }
0x6a: {  	_ =	shalt  }
0x6b: {  	_ =	shalt  }
0x6c: {  	_ =	shalt  }
0x6d: {  	_ =	shalt  }
0x6e: {  	_ =	shalt  }
0x6f: {  	_ =	shalt  }
0x70: {  	_ =	shalt  }
0x71: {  	_ =	shalt  }
0x72: {  	_ =	shalt  }
0x73: {  	_ =	shalt  }
0x74: {  	_ =	shalt  }
0x75: {  	_ =	shalt  }
0x76: {  	_ =	shalt  }
0x77: {  	_ =	shalt  }
0x78: {  	_ =	shalt  }
0x79: {  	_ =	shalt  }
0x7a: {  	_ =	shalt  }
0x7b: {  	_ =	shalt  }
0x7c: {  	_ =	shalt  }
0x7d: {  	_ =	shalt  }
0x7e: {  	_ =	shalt  }
0x7f: {  	_ =	shalt  }
0x80: {  	_ =	shalt  }
0x81: {  	_ =	shalt  }
0x82: {  	_ =	shalt  }
0x83: {  	_ =	shalt  }
0x84: {  	_ =	shalt  }
0x85: {  	_ =	shalt  }
0x86: {  	_ =	shalt  }
0x87: {  	_ =	shalt  }
.Lfunc_end0:
.L_simem_size_0:
called_computation.2_lowered:
.L_overlay_start_0:
0x88: {  	s2 =	sld [smem:$0x3FD9]  }
0x89: {  	s3 =	sld [smem:$0x3FFE];
	_ =	sdelay $0x1  }
0x8a: {  	s1 =	srdreg.scid  }
0x8b: {  	s0 =	sand.u32 $0x1, s1  }
0x8c: {  	s17 =	sshll.u32 s0, $0xA;
	s2 =	sadd.s32 s3, s2  }
0x8d: {  	s2 =	sadd.s32 s2, s17  }
0x8e: {  	[smem:$0x3FC2] =	sst s2  }
0x8f: {  	_ = 	snop  }
0x90: {  	s2 =	sld [smem:$0x3FD0];
	(tm) =	ssettm $0x1  }
0x91: {  	s18 =	sld [smem:$0x3FFB];
	_ =	sdelay $0x3  }
0x92: {  	_ =	strace s18  }
0x93: {  	s3 =	sld [smem:$0x3FFC];
	_ =	sdelay $0x3  }
0x94: {  	_ =	strace s3  }
0x95: {  	s3 =	sld [smem:$0x3FFD];
	_ =	sdelay $0x3  }
0x96: {  	_ =	strace s3  }
0x97: {  	_ =	strace $0x8FFFFFFF  }
0x98: {  	s19 =	sld [smem:$0x3FDB];
	_ =	sdelay $0x1  }
0x99: {  	s4 =	simm.s32 $_scs_section_size  }
0x9a: {  	s5 =	simm.s32 $_size__tile_overlayer_lowered;
	s6 =	simm.s32 $_tile_overlayer_lowered  }
0x9b: {  	s22 =	simm.s32 $0x1BFF;
	s21 =	sshll.u32 s6, $0x1;
	s3 =	sadd.s32 s4, s19  }
0x9c: {  	s7 =	simm.s32 $0x0;
	s20 =	sshll.u32 s5, $0x1;
	s5 =	sadd.s32 s21, s3  }
0x9d: {  	[timem:s7], [sflag:s22] =	dma.local [hbm:s5], s20  }
0x9e: {  	_ =	swait.ge [sflag:s22], s20  }
0x9f: {  	s4 =	ssub.s32 $0x0, s20;
	[sflag:s22] =	ssyncset.done $0x0  }
0xa0: {  	[sflag:s22] =	ssyncadd.s32 s4;
	_ =	sdelay $0x1  }
0xa1: {  	s23 =	simm.s32 $0x1B8B  }
0xa2: {  	_ =	swait.ge [sflag:s23], $0x1  }
0xa3: {  	[sflag:s23] =	ssyncset.done $0x0  }
0xa4: {  	s25 =	simm.s32 $0x1B8E;
	s24 =	sld [smem:$0x3FFE];
	[sflag:s23] =	ssyncadd.s32 $0xFFFFFFFF  }
0xa5: {  	s26 =	simm.s32 $execute0_lowered;
	[smem:$0x3FD2] =	sst s25  }
0xa6: {  	s5 =	sshll.u32 s26, $0x1;
	_ =	strace $0x8000004C;
	[dreg:$0x1] =	wrdreg $0xFFFFFFFF  }
0xa7: {  	s28 =	simm.s32 $_size_execute0_lowered;
	s3 =	sadd.s32 s3, s5;
	[dreg:$0x0] =	wrdreg $0x0  }
0xa8: {  	s5 =	sshll.u32 s28, $0x1;
	[dreg:$0x2] =	wrdreg s3  }
0xa9: {  	[dreg:$0x3] =	wrdreg s5  }
0xaa: {  	[dreg:$0x4] =	wrdreg $0xC0  }
0xab: {  	_ =	task [dreg:s7], $0x5FFFF  }
0xac: {  	[dreg:$0x1] =	wrdreg $0xFFFFFFFF  }
0xad: {  	[dreg:$0x0] =	wrdreg $0x60  }
0xae: {  	[dreg:$0x2] =	wrdreg s2  }
0xaf: {  	[dreg:$0x3] =	wrdreg s24  }
0xb0: {  	[dreg:$0x4] =	wrdreg $0x9  }
0xb1: {  	_ =	task.clear_ibuf [dreg:s7], $0x5FFFF;
	_ =	strace $0x9000004C  }
0xb2: {  	s29 =	simm.s32 $0x9;
	_ =	strace $0x8000004E  }
0xb3: {  	_ =	swait.ge [sflag:s29], $0x1  }
0xb4: {  	[sflag:s29] =	ssyncadd.s32 $0xFFFFFFFF  }
0xb5: {  	_ =	strace $0x9000004E  }
0xb6: {  	_ =	sfence  }
0xb7: {  	s30 =	sld [smem:$0x0];
	_ =	sdelay $0x2  }
0xb8: {  	s31 =	sshll.u32 s1, $0xD;
	s1 =	sshrl.u32 s1, $0x2  }
0xb9: {  	s3 =	sand.u32 $0x4000, s31;
	s1 =	sadd.s32 s1, s30  }
0xba: {  	s0 =	sor.u32 s3, s0;
	s1 =	sshll.u32 s1, $0x11  }
0xbb: {  	s0 =	sor.u32 s1, s0  }
0xbc: {  	s0 =	sadd.s32 $0x8F2B, s0  }
0xbd: {  	[sflag:s0] =	ssyncadd.remote.s32 $0x1  }
0xbe: {  	_ =	sfence.sel $0xFFFF  }
0xbf: {  	[dreg:$0x0] =	wrdreg $0xFFFFFFFF;
	(pc) =	sbr.abs _section_cstart, $3  }
0xc0: {  	[dreg:$0x1] =	wrdreg $0xFFFFFFFF  }
0xc1: {  	_ =	task.clear_ibuf [dreg:s7], $0x2FFFF;
	_ =	strace $0x9FFFFFFF  }
0xc2: {  	(tm) =	ssettm $0x7FFFFFFF  }
0xc3: {  	_ =	shalt  }
tec
execute0_lowered:
.L_overlay_start_1:
0x0: {  	(tag) =	ssettag $0x1  }
0x1: {  	s1 =	srdreg.scid  }
0x2: {  	s0 =	stileid.u32;
	s4 =	rddreg [dreg:$0x0]  }
0x3: {  	s6 =	rddreg [dreg:$0x1];
	s2 =	simm.s32 $0x0;
	s17 =	simm.s32 $0x7A80  }
0x4: {  	s18 =	simm.s32 $0x86C0;
	s3 =	sand.u32 $0x1, s1;
	s25 =	sshll.u32 s0, $0x1  }
0x5: {  	s19 =	simm.s32 $0x9300;
	s20 =	simm.s32 $0x9F40;
	s1 =	sor.u32 s3, s25  }
0x6: {  	v0 =	vimm.s32 $0x55C1;
	vm0 =	vcmask $0x300;
	s21 =	simm.s32 $0xAB80;
	s22 =	simm.s32 $0xB7C0;
	s5 =	smul.u32 $0x5, s1  }
0x7: {  	vm14 =	vcmask $0x704;
	s23 =	simm.s32 $0x0;
	[smem:$0x7FF] =	sst s2;
	v0 =	vsel vm0, $0x0, v0;
	s7 =	smul.u32 $0xC35, s1  }
0x8: {  	vm15 =	vcmask $0xB08;
	s12 =	sadd.s32 $0x2400, s6;
	s3 =	ssub.s32 $0x2, s3;
	v0 =	vsel vm14, $0xC40, v0;
	s5 =	sand.u32 $0x7, s5  }
0x9: {  	vm4 =	vcmask $0xF0C;
	s1 =	rddreg [dreg:$0x2];
	s26 =	sshrl.u32 s3, $0x1;
	v0 =	vsel vm15, $0x1880, v0;
	s10 =	ssub.s32 s7, s5  }
0xa: {  	vm5 =	vcmask $0x1310;
	_ =	strace $0x8000004D;
	s13 =	ssub.s32 s3, s26;
	v0 =	vsel vm4, $0x24C0, v0;
	p0 =	slt.s32 s10, $0x17A60  }
0xb: {  	vm6 =	vcmask $0x1714;
	v0 =	vsel vm5, $0x3100, v0;
	s13 =	smax.u32 s13, $0x1;
	s5 =	sadd.s32 $0x3FEA, s0;
	s10 =	simm.s32 @!p0 $0x17A60  }
0xc: {  	vm7 =	vcmask $0x1B18;
	v0 =	vsel vm6, $0x3D40, v0;
	s28 =	sand.u32 $0x1FFFFFFF, s10;
	s29 =	sshrl.u32 s10, $0x3;
	s30 =	sadd.s32 $0x186A0, s10  }
0xd: {  	vm8 =	vcmask $0x1F1C;
	v0 =	vsel vm7, $0x4980, v0;
	s16 =	sand.u32 $0x7, s10;
	s31 =	sadd.s32 $0x30D40, s10;
	s8 =	sadd.s32 $0x493E0, s10  }
0xe: {  	vm9 =	vcmask $0x2320;
	v0 =	vsel vm8, $0x55C0, v0;
	s9 =	sadd.s32 $0x61A80, s10;
	s11 =	sadd.s32 $0x7A120, s10;
	s14 =	sadd.s32 $0x927C0, s10  }
0xf: {  	vm10 =	vcmask $0x2724;
	s10 =	sadd.s32 $0xAAE60, s10;
	v0 =	vsel vm9, $0x1, v0;
	s3 =	sadd.s32 s4, s28;
	s4 =	sadd.s32 s12, s29  }
0x10: {  	vm11 =	vcmask $0x2B28;
	s6 =	sshrl.u32 s30, $0x3;
	s7 =	sshrl.u32 s31, $0x3;
	s8 =	sshrl.u32 s8, $0x3;
	v0 =	vsel vm10, $0xC41, v0  }
0x11: {  	vm12 =	vcmask $0x2F2C;
	s9 =	sshrl.u32 s9, $0x3;
	s11 =	sshrl.u32 s11, $0x3;
	s14 =	sshrl.u32 s14, $0x3;
	v0 =	vsel vm11, $0x1881, v0  }
0x12: {  	v1 =	vlaneseq.u32;
	vm13 =	vcmask $0x3330;
	s15 =	sshrl.u32 s10, $0x3;
	p0 =	seq.s32 s16, $0x0;
	s16 =	simm.s32 $0x6E40;
	v2 =	vsel vm12, $0x24C1, v0  }
0x13: {  	vm14 =	vcmask $0x3734;
	vm15 =	vcmask $0x3B38;
	s6 =	sadd.s32 s12, s6;
	s7 =	sadd.s32 s12, s7;
	s8 =	sadd.s32 s12, s8;
	v2 =	vsel vm13, $0x3101, v2  }
0x14: {  	s9 =	sadd.s32 s12, s9;
	s10 =	sadd.s32 s12, s11;
	s11 =	sadd.s32 s12, s14;
	v0 =	vshrl.u32 v1, $0x3;
	v1 =	vand.u32 $0x7, v1;
	v3 =	vsel vm14, $0x3D41, v2  }
0x15: {  	s12 =	sadd.s32 s12, s15;
	s14 =	simm.s32 $0x1;
	s15 =	simm.s32 $0x6200;
	v4 =	vmul.u32 $0xC40, v1;
	v2 =	vmul.u32 $0x8, v0;
	v3 =	vsel vm15, $0x4981, v3  }
.LBB2_1:
0x16: {  	s24 =	simm.s32 $0x0  }
0x17: {  	v5 =	vmov s24  }
0x18: {  	v5 =	vshll.u32 v5, $0x3  }
0x19: {  	v5 =	vor.u32 v2, v5  }
0x1a: {  	v5 =	vor.u32 v1, v5  }
0x1b: {  	[tilespmem:s2], [sflag:$0x1] =	stream.linear.gather [hbm4b:s3+s2], $0x6200, $0x38;
	[tilespmem:$0xC400] =	vst v63  }
0x1c: {  	s25 =	simm.s32 $0x2;
	_ =	swait.ge [sflag:s14], $0x6200  }
0x1d: {  	v6 =	vmov s25;
	[sflag:s14] =	ssyncset.done $0x0  }
0x1e: {  	v7 =	vshll.u32 v6, $0x3;
	[sflag:s14] =	ssyncadd.s32 $0xFFFF9E00  }
0x1f: {  	v8 =	vadd.s32 s24, v3;
	v7 =	vor.u32 v2, v7;
	v5 =	vld.idx.msk [tilespmem:v5+s2+$0x0], $0xffff  }
0x20: {  	v7 =	vor.u32 v1, v7;
	_ =	sdelay $0x1  }
0x21: {  	s25 =	simm.s32 $0x4  }
0x22: {  	v6 =	vand.u32 $0xFF3, v6;
	v9 =	vmov s25  }
0x23: {  	[tilespmem:v8+s15+$0x0] =	vst.idx.msk $0xffff, v5;
	v5 =	vor.u32 v0, v6;
	v6 =	vshll.u32 v9, $0x3  }
0x24: {  	v7 =	vld.idx.msk [tilespmem:v7+s2+$0x0], $0xffff;
	v5 =	vadd.s32 v4, v5;
	v6 =	vor.u32 v2, v6  }
0x25: {  	v6 =	vor.u32 v1, v6;
	_ =	sdelay $0x1  }
0x26: {  	s26 =	simm.s32 $0x6  }
0x27: {  	v8 =	vand.u32 $0xFF5, v9;
	v9 =	vmov s26  }
0x28: {  	[tilespmem:v5+s15+$0x0] =	vst.idx.msk $0xffff, v7;
	v5 =	vor.u32 v0, v8;
	v7 =	vshll.u32 v9, $0x3  }
0x29: {  	v6 =	vld.idx.msk [tilespmem:v6+s2+$0x0], $0xffff;
	v5 =	vadd.s32 v4, v5;
	v7 =	vor.u32 v2, v7  }
0x2a: {  	v7 =	vor.u32 v1, v7;
	_ =	sdelay $0x1  }
0x2b: {  	s28 =	simm.s32 $0x8  }
0x2c: {  	v8 =	vand.u32 $0xFF7, v9;
	v9 =	vmov s28  }
0x2d: {  	[tilespmem:v5+s15+$0x0] =	vst.idx.msk $0xffff, v6;
	v5 =	vor.u32 v0, v8;
	v6 =	vshll.u32 v9, $0x3  }
0x2e: {  	v7 =	vld.idx.msk [tilespmem:v7+s2+$0x0], $0xffff;
	v5 =	vadd.s32 v4, v5;
	v6 =	vor.u32 v2, v6  }
0x2f: {  	v6 =	vor.u32 v1, v6;
	_ =	sdelay $0x1  }
0x30: {  	s29 =	simm.s32 $0xA  }
0x31: {  	v8 =	vmov s29  }
0x32: {  	[tilespmem:v5+s15+$0x0] =	vst.idx.msk $0xffff, v7;
	v5 =	vshll.u32 v8, $0x3  }
0x33: {  	v7 =	vadd.s32 s28, v3;
	v6 =	vld.idx.msk [tilespmem:v6+s2+$0x0], $0xffff;
	v5 =	vor.u32 v2, v5  }
0x34: {  	v5 =	vor.u32 v1, v5;
	_ =	sdelay $0x1  }
0x35: {  	s30 =	simm.s32 $0xC  }
0x36: {  	v9 =	vmov s30;
	v8 =	vand.u32 $0xFFB, v8  }
0x37: {  	[tilespmem:v7+s15+$0x0] =	vst.idx.msk $0xffff, v6;
	v6 =	vor.u32 v0, v8;
	v7 =	vshll.u32 v9, $0x3  }
0x38: {  	v8 =	vld.idx.msk [tilespmem:v5+s2+$0x0], $0xffff;
	v6 =	vadd.s32 v4, v6;
	v5 =	vor.u32 v2, v7  }
0x39: {  	v7 =	vor.u32 v1, v5;
	_ =	sdelay $0x1  }
0x3a: {  	s31 =	simm.s32 $0xE  }
0x3b: {  	v9 =	vand.u32 $0xFFD, v9;
	v5 =	vmov s31  }
0x3c: {  	v10 =	vshll.u32 v5, $0x3;
	[tilespmem:v6+s15+$0x0] =	vst.idx.msk $0xffff, v8;
	v8 =	vor.u32 v0, v9  }
0x3d: {  	v9 =	vor.u32 v2, v10;
	v6 =	vld.idx.msk [tilespmem:v7+s2+$0x0], $0xffff;
	v8 =	vadd.s32 v4, v8  }
0x3e: {  	v7 =	vor.u32 v1, v9;
	_ =	sdelay $0x1  }
0x3f: {  	s24 =	simm.s32 $0x0;
	s25 =	simm.s32 $0x1E  }
.LBB2_2:
0x40: {  	s26 =	sadd.s32 $0xFFFFFFF2, s25;
	s24 =	sadd.s32 $0x8, s24  }
0x41: {  	v5 =	vand.u32 $0xFFF, v5;
	v9 =	vmov s26;
	p1 =	slt.u32 s24, $0x618;
	[tilespmem:v8+s15+$0x0] =	vst.idx.msk $0xffff, v6  }
0x42: {  	v5 =	vor.u32 v0, v5;
	v6 =	vshll.u32 v9, $0x3;
	v7 =	vld.idx.msk [tilespmem:v7+s2+$0x0], $0xffff  }
0x43: {  	v5 =	vadd.s32 v4, v5;
	v6 =	vor.u32 v2, v6  }
0x44: {  	v6 =	vor.u32 v1, v6;
	_ =	sdelay $0x2  }
0x45: {  	s28 =	sadd.s32 $0xFFFFFFF4, s25  }
0x46: {  	v8 =	vmov s28;
	[tilespmem:v5+s15+$0x0] =	vst.idx.msk $0xffff, v7  }
0x47: {  	v5 =	vld.idx.msk [tilespmem:v6+s2+$0x0], $0xffff;
	v6 =	vshll.u32 v8, $0x3  }
0x48: {  	v7 =	vadd.s32 s26, v3;
	v6 =	vor.u32 v2, v6  }
0x49: {  	v6 =	vor.u32 v1, v6;
	_ =	sdelay $0x2  }
0x4a: {  	s26 =	sadd.s32 $0xFFFFFFF6, s25  }
0x4b: {  	[tilespmem:v7+s15+$0x0] =	vst.idx.msk $0xffff, v5;
	v5 =	vand.u32 $0xFF3, v8;
	v7 =	vmov s26  }
0x4c: {  	v6 =	vld.idx.msk [tilespmem:v6+s2+$0x0], $0xffff;
	v5 =	vor.u32 v0, v5;
	v8 =	vshll.u32 v7, $0x3  }
0x4d: {  	v5 =	vadd.s32 v4, v5;
	v8 =	vor.u32 v2, v8  }
0x4e: {  	v8 =	vor.u32 v1, v8;
	_ =	sdelay $0x2  }
0x4f: {  	s26 =	sadd.s32 $0xFFFFFFF8, s25  }
0x50: {  	[tilespmem:v5+s15+$0x0] =	vst.idx.msk $0xffff, v6;
	v5 =	vand.u32 $0xFF5, v7;
	v6 =	vmov s26  }
0x51: {  	v7 =	vld.idx.msk [tilespmem:v8+s2+$0x0], $0xffff;
	v5 =	vor.u32 v0, v5;
	v8 =	vshll.u32 v6, $0x3  }
0x52: {  	v5 =	vadd.s32 v4, v5;
	v8 =	vor.u32 v2, v8  }
0x53: {  	v8 =	vor.u32 v1, v8;
	_ =	sdelay $0x2  }
0x54: {  	s26 =	sadd.s32 $0xFFFFFFFA, s25  }
0x55: {  	[tilespmem:v5+s15+$0x0] =	vst.idx.msk $0xffff, v7;
	v5 =	vand.u32 $0xFF7, v6;
	v6 =	vmov s26  }
0x56: {  	v7 =	vld.idx.msk [tilespmem:v8+s2+$0x0], $0xffff;
	v5 =	vor.u32 v0, v5;
	v6 =	vshll.u32 v6, $0x3  }
0x57: {  	v5 =	vadd.s32 v4, v5;
	v6 =	vor.u32 v2, v6  }
0x58: {  	v6 =	vor.u32 v1, v6;
	_ =	sdelay $0x2  }
0x59: {  	s28 =	sadd.s32 $0xFFFFFFFC, s25  }
0x5a: {  	[tilespmem:v5+s15+$0x0] =	vst.idx.msk $0xffff, v7;
	v5 =	vmov s28  }
0x5b: {  	v6 =	vld.idx.msk [tilespmem:v6+s2+$0x0], $0xffff;
	v7 =	vshll.u32 v5, $0x3  }
0x5c: {  	v8 =	vadd.s32 s26, v3;
	v7 =	vor.u32 v2, v7  }
0x5d: {  	v7 =	vor.u32 v1, v7;
	_ =	sdelay $0x2  }
0x5e: {  	s26 =	sadd.s32 $0xFFFFFFFE, s25  }
0x5f: {  	v5 =	vand.u32 $0xFFB, v5;
	[tilespmem:v8+s15+$0x0] =	vst.idx.msk $0xffff, v6;
	v6 =	vmov s26  }
0x60: {  	v5 =	vor.u32 v0, v5;
	v7 =	vld.idx.msk [tilespmem:v7+s2+$0x0], $0xffff;
	v8 =	vshll.u32 v6, $0x3  }
0x61: {  	v5 =	vadd.s32 v4, v5;
	v8 =	vor.u32 v2, v8  }
0x62: {  	v8 =	vor.u32 v1, v8;
	_ =	sdelay $0x3  }
0x63: {  	[tilespmem:v5+s15+$0x0] =	vst.idx.msk $0xffff, v7;
	v7 =	vand.u32 $0xFFD, v6;
	v5 =	vmov s25  }
.Ltmp0:
0x64: {  	v6 =	vld.idx.msk [tilespmem:v8+s2+$0x0], $0xffff;
	v7 =	vor.u32 v0, v7;
	v9 =	vshll.u32 v5, $0x3;
	(pc) =	sbr.rel @p1 .LBB2_2-.Ltmp0, $3  }
0x65: {  	v8 =	vadd.s32 v4, v7;
	v7 =	vor.u32 v2, v9  }
0x66: {  	v7 =	vor.u32 v1, v7;
	_ =	sdelay $0x1  }
0x67: {  	s25 =	sadd.s32 $0x10, s25  }
0x68: {  	_ =	sdelay $0x2  }
0x69: {  	v5 =	vand.u32 $0xFFF, v5  }
0x6a: {  	[tilespmem:v8+s15+$0x0] =	vst.idx.msk $0xffff, v6;
	v5 =	vor.u32 v0, v5  }
0x6b: {  	v6 =	vld.idx.msk [tilespmem:v7+s2+$0x0], $0xffff;
	v5 =	vadd.s32 v4, v5;
	_ =	sdelay $0x4  }
0x6c: {  	[tilespmem:v5+s15+$0x0] =	vst.idx.msk $0xffff, v6  }
0x6d: {  	[hbm4b:s4+s2] =	stream.linear.scatter [tilespmem:s15], [sflag:$0x1], $0xC40, $0x38;
	[tilespmem:$0xC400] =	vst v63  }
0x6e: {  	_ =	swait.ge [sflag:s14], $0xC40  }
0x6f: {  	s24 =	sld [smem:$0x7FF];
	_ =	sdelay $0x2  }
0x70: {  	p1 =	sne.s32 @!p0 s24, $0x1  }
0x71: {  	[sflag:s14] =	ssyncset.done $0x0;
	p1 =	por !p1, p0  }
0x72: {  	[sflag:s14] =	ssyncadd.s32 $0xFFFFF3C0;
	s24 =	sor.u32 @!p1 $0x100000, s5  }
0x73: {  	[smem:s24], [sflag:$0x0] =	smem.add.s32 @!p1 $0x7A;
	s24 =	simm.s32 @!p1 $0x0  }
0x74: {  	s25 =	simm.s32 @!p1 $0x1;
	_ =	swait.done @!p1 [sflag:s24]  }
0x75: {  	[smem:$0x7FF] =	sst @!p1 s25  }
0x76: {  	_ =	sint @!p1 $0x2  }
0x77: {  	_ =	swait.notdone @!p1 [sflag:s24]  }
0x78: {  	[hbm4b:s6+s2] =	stream.linear.scatter [tilespmem:s16], [sflag:$0x1], $0xC40, $0x38;
	[tilespmem:$0xC400] =	vst v63  }
0x79: {  	_ =	swait.ge [sflag:s14], $0xC40  }
0x7a: {  	s24 =	sld [smem:$0x7FF];
	_ =	sdelay $0x2  }
0x7b: {  	p1 =	sne.s32 @!p0 s24, $0x1  }
0x7c: {  	[sflag:s14] =	ssyncset.done $0x0;
	p1 =	por !p1, p0  }
0x7d: {  	[sflag:s14] =	ssyncadd.s32 $0xFFFFF3C0;
	s24 =	sor.u32 @!p1 $0x100000, s5  }
0x7e: {  	[smem:s24], [sflag:$0x0] =	smem.add.s32 @!p1 $0x7F;
	s24 =	simm.s32 @!p1 $0x0  }
0x7f: {  	s25 =	simm.s32 @!p1 $0x1;
	_ =	swait.done @!p1 [sflag:s24]  }
0x80: {  	[smem:$0x7FF] =	sst @!p1 s25  }
0x81: {  	_ =	sint @!p1 $0x2  }
0x82: {  	_ =	swait.notdone @!p1 [sflag:s24]  }
0x83: {  	[hbm4b:s7+s2] =	stream.linear.scatter [tilespmem:s17], [sflag:$0x1], $0xC40, $0x38;
	[tilespmem:$0xC400] =	vst v63  }
0x84: {  	_ =	swait.ge [sflag:s14], $0xC40  }
0x85: {  	s24 =	sld [smem:$0x7FF];
	_ =	sdelay $0x2  }
0x86: {  	p1 =	sne.s32 @!p0 s24, $0x1  }
0x87: {  	[sflag:s14] =	ssyncset.done $0x0;
	p1 =	por !p1, p0  }
0x88: {  	[sflag:s14] =	ssyncadd.s32 $0xFFFFF3C0;
	s24 =	sor.u32 @!p1 $0x100000, s5  }
0x89: {  	[smem:s24], [sflag:$0x0] =	smem.add.s32 @!p1 $0x84;
	s24 =	simm.s32 @!p1 $0x0  }
0x8a: {  	s25 =	simm.s32 @!p1 $0x1;
	_ =	swait.done @!p1 [sflag:s24]  }
0x8b: {  	[smem:$0x7FF] =	sst @!p1 s25  }
0x8c: {  	_ =	sint @!p1 $0x2  }
0x8d: {  	_ =	swait.notdone @!p1 [sflag:s24]  }
0x8e: {  	[hbm4b:s8+s2] =	stream.linear.scatter [tilespmem:s18], [sflag:$0x1], $0xC40, $0x38;
	[tilespmem:$0xC400] =	vst v63  }
0x8f: {  	_ =	swait.ge [sflag:s14], $0xC40  }
0x90: {  	s24 =	sld [smem:$0x7FF];
	_ =	sdelay $0x2  }
0x91: {  	p1 =	sne.s32 @!p0 s24, $0x1  }
0x92: {  	[sflag:s14] =	ssyncset.done $0x0;
	p1 =	por !p1, p0  }
0x93: {  	[sflag:s14] =	ssyncadd.s32 $0xFFFFF3C0;
	s24 =	sor.u32 @!p1 $0x100000, s5  }
0x94: {  	[smem:s24], [sflag:$0x0] =	smem.add.s32 @!p1 $0x89;
	s24 =	simm.s32 @!p1 $0x0  }
0x95: {  	s25 =	simm.s32 @!p1 $0x1;
	_ =	swait.done @!p1 [sflag:s24]  }
0x96: {  	[smem:$0x7FF] =	sst @!p1 s25  }
0x97: {  	_ =	sint @!p1 $0x2  }
0x98: {  	_ =	swait.notdone @!p1 [sflag:s24]  }
0x99: {  	[hbm4b:s9+s2] =	stream.linear.scatter [tilespmem:s19], [sflag:$0x1], $0xC40, $0x38;
	[tilespmem:$0xC400] =	vst v63  }
0x9a: {  	_ =	swait.ge [sflag:s14], $0xC40  }
0x9b: {  	s24 =	sld [smem:$0x7FF];
	_ =	sdelay $0x2  }
0x9c: {  	p1 =	sne.s32 @!p0 s24, $0x1  }
0x9d: {  	[sflag:s14] =	ssyncset.done $0x0;
	p1 =	por !p1, p0  }
0x9e: {  	[sflag:s14] =	ssyncadd.s32 $0xFFFFF3C0;
	s24 =	sor.u32 @!p1 $0x100000, s5  }
0x9f: {  	[smem:s24], [sflag:$0x0] =	smem.add.s32 @!p1 $0x8E;
	s24 =	simm.s32 @!p1 $0x0  }
0xa0: {  	s25 =	simm.s32 @!p1 $0x1;
	_ =	swait.done @!p1 [sflag:s24]  }
0xa1: {  	[smem:$0x7FF] =	sst @!p1 s25  }
0xa2: {  	_ =	sint @!p1 $0x2  }
0xa3: {  	_ =	swait.notdone @!p1 [sflag:s24]  }
0xa4: {  	[hbm4b:s10+s2] =	stream.linear.scatter [tilespmem:s20], [sflag:$0x1], $0xC40, $0x38;
	[tilespmem:$0xC400] =	vst v63  }
0xa5: {  	_ =	swait.ge [sflag:s14], $0xC40  }
0xa6: {  	s24 =	sld [smem:$0x7FF];
	_ =	sdelay $0x2  }
0xa7: {  	p1 =	sne.s32 @!p0 s24, $0x1  }
0xa8: {  	[sflag:s14] =	ssyncset.done $0x0;
	p1 =	por !p1, p0  }
0xa9: {  	[sflag:s14] =	ssyncadd.s32 $0xFFFFF3C0;
	s24 =	sor.u32 @!p1 $0x100000, s5  }
0xaa: {  	[smem:s24], [sflag:$0x0] =	smem.add.s32 @!p1 $0x93;
	s24 =	simm.s32 @!p1 $0x0  }
0xab: {  	s25 =	simm.s32 @!p1 $0x1;
	_ =	swait.done @!p1 [sflag:s24]  }
0xac: {  	[smem:$0x7FF] =	sst @!p1 s25  }
0xad: {  	_ =	sint @!p1 $0x2  }
0xae: {  	_ =	swait.notdone @!p1 [sflag:s24]  }
0xaf: {  	[hbm4b:s11+s2] =	stream.linear.scatter [tilespmem:s21], [sflag:$0x1], $0xC40, $0x38;
	[tilespmem:$0xC400] =	vst v63  }
0xb0: {  	_ =	swait.ge [sflag:s14], $0xC40  }
0xb1: {  	s24 =	sld [smem:$0x7FF];
	_ =	sdelay $0x2  }
0xb2: {  	p1 =	sne.s32 @!p0 s24, $0x1  }
0xb3: {  	[sflag:s14] =	ssyncset.done $0x0;
	p1 =	por !p1, p0  }
0xb4: {  	[sflag:s14] =	ssyncadd.s32 $0xFFFFF3C0;
	s24 =	sor.u32 @!p1 $0x100000, s5  }
0xb5: {  	[smem:s24], [sflag:$0x0] =	smem.add.s32 @!p1 $0x98;
	s24 =	simm.s32 @!p1 $0x0  }
0xb6: {  	s25 =	simm.s32 @!p1 $0x1;
	_ =	swait.done @!p1 [sflag:s24]  }
0xb7: {  	[smem:$0x7FF] =	sst @!p1 s25  }
0xb8: {  	s23 =	sadd.s32 $0x1, s23;
	_ =	sint @!p1 $0x2  }
0xb9: {  	_ =	swait.notdone @!p1 [sflag:s24];
	p1 =	sne.s32 s23, s13  }
.Ltmp1:
0xba: {  	_ = 	snop;
	(pc) =	sbr.rel @p1 .LBB2_1-.Ltmp1, $4  }
0xbb: {  	[hbm4b:s12+s2] =	stream.linear.scatter [tilespmem:s22], [sflag:$0x1], $0xC40, $0x38;
	[tilespmem:$0xC400] =	vst v63  }
0xbc: {  	_ =	swait.ge [sflag:s14], $0xC40  }
0xbd: {  	[sflag:s14] =	ssyncset.done $0x0  }
0xbe: {  	[sflag:s14] =	ssyncadd.s32 $0xFFFFF3C0  }
0xbf: {  	_ =	sfence.sel $0x180000  }
0xc0: {  	[bflag:$0x0] =	sbarrier.arrive $0xFFFF  }
0xc1: {  	p0 =	sne.s32 s0, $0x0;
	_ =	strace $0x9000004D  }
0xc2: {  	s0 =	sadd.s32 @!p0 $0x100000, s1;
	[bflag:$0x2] =	sbarrier.arrive $0xFFFF  }
0xc3: {  	[sflag:s0] =	ssyncadd.tile.s32 @!p0 $0x1;
	_ =	shalt  }
.Lfunc_end2:
_tile_overlayer_lowered:
.L_overlay_start_2:
0xc4: {  	(tag) =	ssettag $0x2  }
0xc5: {  	s0 =	rddreg [dreg:$0x0];
	s2 =	stileid.u32  }
0xc6: {  	s1 =	rddreg [dreg:$0x1];
	p0 =	sne.s32 s2, $0x0  }
0xc7: {  	s3 =	rddreg [dreg:$0x2];
	[bflag:$0x3] =	sbarrier.arrive $0xFFFF;
	s2 =	simm.s32 @!p0 $0x1C01  }
0xc8: {  	[timem:s3], [sflag:s2] =	dma.local @!p0 [hbm:s0], s1  }
0xc9: {  	s0 =	simm.s32 @!p0 $0x1  }
0xca: {  	_ =	swait.ge @!p0 [sflag:s0], s1  }
0xcb: {  	s1 =	ssub.s32 @!p0 $0x0, s1;
	[sflag:s0] =	ssyncset.done @!p0 $0x0  }
0xcc: {  	[sflag:s0] =	ssyncadd.s32 @!p0 s1  }
0xcd: {  	[bflag:$0x3] =	sbarrier.arrive $0xFFFF  }
0xce: {  	_ =	shalt  }

// kernel: kernel.6.cloned.1.call-start
scs
__scs_entry_jumppad:
0x0: {  	(pc) =	sbr.rel $0x88, $3  }
0x1: {  	(tag) =	ssettag $0x0;
	lr =	simm.s32 $0x1  }
0x2: {  	[smem:$0x3F9B] =	sst lr;
	_ =	strace $0xD0000000  }
0x3: {  	_ = 	snop  }
0x4: {  	_ = 	snop  }
0x5: {  	_ = 	snop  }
0x6: {  	_ = 	snop  }
0x7: {  	_ = 	snop  }
__scs_overlays_trampoline_lowered:
0x8: {  	[smem:$0x3FAA] =	sst s0  }
0x9: {  	[smem:$0x3FAB] =	sst s1  }
0xa: {  	[smem:$0x3FAC] =	sst s2  }
0xb: {  	[smem:$0x3FAD] =	sst s3  }
0xc: {  	[smem:$0x3FAE] =	sst s4  }
0xd: {  	[smem:$0x3FAF] =	sst s5  }
0xe: {  	[smem:$0x3FB0] =	sst s6  }
0xf: {  	[smem:$0x3FB1] =	sst s7  }
0x10: {  	[smem:$0x3FB2] =	sst s8  }
0x11: {  	[smem:$0x3FB3] =	sst s9;
	s0 =	simm.s32 @!p0 $0x0  }
0x12: {  	s1 =	sld [smem:$0x3F99];
	s0 =	simm.s32 @p0 $0x1  }
0x13: {  	[smem:$0x3FB4] =	sst s0;
	s0 =	simm.s32 @!p1 $0x0  }
0x14: {  	s2 =	sld [smem:$0x3F98];
	s0 =	simm.s32 @p1 $0x1  }
0x15: {  	[smem:$0x3FB5] =	sst s0;
	s0 =	simm.s32 @!p2 $0x0  }
0x16: {  	s3 =	sld [smem:$0x3FDB];
	s0 =	simm.s32 @p2 $0x1  }
0x17: {  	s4 =	simm.s32 $0x1BF5;
	[smem:$0x3FB7] =	sst s0  }
0x18: {  	s0 =	sld [smem:$0x3F9A];
	_ =	swait.ge [sflag:s4], $0x0  }
0x19: {  	s7 =	sld [smem:$0x3F9B]  }
0x1a: {  	s8 =	sadd.s32 $0xFFFFE003, lr  }
0x1b: {  	s9 =	sadd.s32 $0xFFFFFEF7, lr;
	s5 =	simm.s32 $0xFFFFFFFF;
	p2 =	slt.u32 s8, $0xFFFFF086  }
0x1c: {  	p1 =	slt.u32 s9, $0xF7A;
	s5 =	simm.s32 @!p2 $0x0  }
0x1d: {  	s5 =	simm.s32 @p1 $0x1;
	p0 =	seq.s32 s7, s2  }
0x1e: {  	s7 =	smul.u32 @!p0 $0xF7A, s2;
	p2 =	seq.s32 @!p0 s5, $0x0  }
0x1f: {  	s9 =	smul.u32 $0xF7A, s1;
	s8 =	simm.s32 @!p0 $0x1BF5;
	p2 =	por !p2, p0  }
0x20: {  	[sflag:s8] =	ssyncset.s32 @!p0 $0xFFFFF086;
	s6 =	sadd.s32 @!p0 s3, s7;
	s7 =	simm.s32 @!p0 $0x108  }
0x21: {  	s3 =	sadd.s32 s3, s9;
	s6 =	sadd.s32 @!p0 $0x88, s6;
	s7 =	simm.s32 @p2 $0x1082  }
0x22: {  	[simem:s7], [sflag:s8] =	dma.local @!p0 [hbm:s6], $0xF7A  }
0x23: {  	s9 =	sor.u32 $0xD0000000, s2;
	s6 =	simm.s32 $0x108;
	_ =	swait.ge @!p0 [sflag:s8], $0x0  }
0x24: {  	s3 =	sadd.s32 $0x88, s3;
	s6 =	simm.s32 @!p1 $0x1082;
	[sflag:s4] =	ssyncset.s32 $0xFFFFF086  }
0x25: {  	[simem:s6], [sflag:s4] =	dma.local [hbm:s3], $0xF7A  }
0x26: {  	[smem:$0x3F9B] =	sst s1;
	(tag) =	ssettag s2;
	_ =	strace s9  }
0x27: {  	s1 =	sld [smem:$0x3FAB]  }
0x28: {  	s2 =	sld [smem:$0x3FAC]  }
0x29: {  	s4 =	sld [smem:$0x3FAE]  }
0x2a: {  	p0 =	seq.s32 s5, $0x0;
	s5 =	sld [smem:$0x3FAF]  }
0x2b: {  	s6 =	sld [smem:$0x3FB0]  }
0x2c: {  	s7 =	sld [smem:$0x3FB1]  }
0x2d: {  	s3 =	simm.s32 $0x108;
	s8 =	sld [smem:$0x3FB2]  }
0x2e: {  	s3 =	simm.s32 @!p0 $0x1082;
	s9 =	sld [smem:$0x3FB3]  }
0x2f: {  	lr =	sadd.s32 s0, s3;
	s0 =	sld [smem:$0x3FAA]  }
0x30: {  	s3 =	sld [smem:$0x3FAD]  }
0x31: {  	[smem:$0x3FB6] =	sst s10  }
0x32: {  	s10 =	sld [smem:$0x3FB4];
	_ =	sdelay $0x3  }
0x33: {  	p0 =	seq.s32 s10, $0x1;
	s10 =	sld [smem:$0x3FB6];
	_ =	sdelay $0x3  }
0x34: {  	[smem:$0x3FB6] =	sst s10  }
0x35: {  	s10 =	sld [smem:$0x3FB5];
	_ =	sdelay $0x3  }
0x36: {  	p1 =	seq.s32 s10, $0x1;
	s10 =	sld [smem:$0x3FB6];
	_ =	sdelay $0x3  }
0x37: {  	[smem:$0x3FB6] =	sst s10  }
0x38: {  	s10 =	sld [smem:$0x3FB7]  }
0x39: {  	_ = 	snop;
	(pc) =	sbr.ind lr, $3  }
0x3a: {  	_ = 	snop  }
0x3b: {  	_ = 	snop  }
0x3c: {  	p2 =	seq.s32 s10, $0x1;
	s10 =	sld [smem:$0x3FB6]  }
0x3d: {  	_ =	shalt  }
0x3e: {  	_ =	shalt  }
0x3f: {  	_ =	shalt  }
0x40: {  	_ =	shalt  }
0x41: {  	_ =	shalt  }
0x42: {  	_ =	shalt  }
0x43: {  	_ =	shalt  }
0x44: {  	_ =	shalt  }
0x45: {  	_ =	shalt  }
0x46: {  	_ =	shalt  }
0x47: {  	_ =	shalt  }
0x48: {  	_ =	shalt  }
0x49: {  	_ =	shalt  }
0x4a: {  	_ =	shalt  }
0x4b: {  	_ =	shalt  }
0x4c: {  	_ =	shalt  }
0x4d: {  	_ =	shalt  }
0x4e: {  	_ =	shalt  }
0x4f: {  	_ =	shalt  }
0x50: {  	_ =	shalt  }
0x51: {  	_ =	shalt  }
0x52: {  	_ =	shalt  }
0x53: {  	_ =	shalt  }
0x54: {  	_ =	shalt  }
0x55: {  	_ =	shalt  }
0x56: {  	_ =	shalt  }
0x57: {  	_ =	shalt  }
0x58: {  	_ =	shalt  }
0x59: {  	_ =	shalt  }
0x5a: {  	_ =	shalt  }
0x5b: {  	_ =	shalt  }
0x5c: {  	_ =	shalt  }
0x5d: {  	_ =	shalt  }
0x5e: {  	_ =	shalt  }
0x5f: {  	_ =	shalt  }
0x60: {  	_ =	shalt  }
0x61: {  	_ =	shalt  }
0x62: {  	_ =	shalt  }
0x63: {  	_ =	shalt  }
0x64: {  	_ =	shalt  }
0x65: {  	_ =	shalt  }
0x66: {  	_ =	shalt  }
0x67: {  	_ =	shalt  }
0x68: {  	_ =	shalt  }
0x69: {  	_ =	shalt  }
0x6a: {  	_ =	shalt  }
0x6b: {  	_ =	shalt  }
0x6c: {  	_ =	shalt  }
0x6d: {  	_ =	shalt  }
0x6e: {  	_ =	shalt  }
0x6f: {  	_ =	shalt  }
0x70: {  	_ =	shalt  }
0x71: {  	_ =	shalt  }
0x72: {  	_ =	shalt  }
0x73: {  	_ =	shalt  }
0x74: {  	_ =	shalt  }
0x75: {  	_ =	shalt  }
0x76: {  	_ =	shalt  }
0x77: {  	_ =	shalt  }
0x78: {  	_ =	shalt  }
0x79: {  	_ =	shalt  }
0x7a: {  	_ =	shalt  }
0x7b: {  	_ =	shalt  }
0x7c: {  	_ =	shalt  }
0x7d: {  	_ =	shalt  }
0x7e: {  	_ =	shalt  }
0x7f: {  	_ =	shalt  }
0x80: {  	_ =	shalt  }
0x81: {  	_ =	shalt  }
0x82: {  	_ =	shalt  }
0x83: {  	_ =	shalt  }
0x84: {  	_ =	shalt  }
0x85: {  	_ =	shalt  }
0x86: {  	_ =	shalt  }
0x87: {  	_ =	shalt  }
.Lfunc_end0:
.L_simem_size_0:
called_computation_lowered:
.L_overlay_start_0:
0x88: {  	s2 =	sld [smem:$0x3FD9]  }
0x89: {  	s3 =	sld [smem:$0x3FFE];
	_ =	sdelay $0x1  }
0x8a: {  	s1 =	srdreg.scid  }
0x8b: {  	s0 =	sand.u32 $0x1, s1  }
0x8c: {  	s17 =	sshll.u32 s0, $0xA;
	s2 =	sadd.s32 s3, s2  }
0x8d: {  	s2 =	sadd.s32 s2, s17  }
0x8e: {  	[smem:$0x3FC2] =	sst s2  }
0x8f: {  	_ = 	snop  }
0x90: {  	s2 =	sld [smem:$0x3FD0];
	(tm) =	ssettm $0x1  }
0x91: {  	s18 =	sld [smem:$0x3FFB];
	_ =	sdelay $0x3  }
0x92: {  	_ =	strace s18  }
0x93: {  	s3 =	sld [smem:$0x3FFC];
	_ =	sdelay $0x3  }
0x94: {  	_ =	strace s3  }
0x95: {  	s3 =	sld [smem:$0x3FFD];
	_ =	sdelay $0x3  }
0x96: {  	_ =	strace s3  }
0x97: {  	_ =	strace $0x8FFFFFFF  }
0x98: {  	s19 =	sld [smem:$0x3FDB];
	_ =	sdelay $0x1  }
0x99: {  	s4 =	simm.s32 $_scs_section_size  }
0x9a: {  	s5 =	simm.s32 $_size__tile_overlayer_lowered;
	s6 =	simm.s32 $_tile_overlayer_lowered  }
0x9b: {  	s22 =	simm.s32 $0x1BFF;
	s21 =	sshll.u32 s6, $0x1;
	s3 =	sadd.s32 s4, s19  }
0x9c: {  	s7 =	simm.s32 $0x0;
	s20 =	sshll.u32 s5, $0x1;
	s5 =	sadd.s32 s21, s3  }
0x9d: {  	[timem:s7], [sflag:s22] =	dma.local [hbm:s5], s20  }
0x9e: {  	_ =	swait.ge [sflag:s22], s20  }
0x9f: {  	s4 =	ssub.s32 $0x0, s20;
	[sflag:s22] =	ssyncset.done $0x0  }
0xa0: {  	[sflag:s22] =	ssyncadd.s32 s4;
	_ =	sdelay $0x1  }
0xa1: {  	s23 =	simm.s32 $0x1B8B  }
0xa2: {  	_ =	swait.ge [sflag:s23], $0x1  }
0xa3: {  	[sflag:s23] =	ssyncset.done $0x0  }
0xa4: {  	s25 =	simm.s32 $0x1B8E;
	s24 =	sld [smem:$0x3FFE];
	[sflag:s23] =	ssyncadd.s32 $0xFFFFFFFF  }
0xa5: {  	s26 =	simm.s32 $execute0_lowered;
	[smem:$0x3FD2] =	sst s25  }
0xa6: {  	s5 =	sshll.u32 s26, $0x1;
	_ =	strace $0x80000046;
	[dreg:$0x1] =	wrdreg $0xFFFFFFFF  }
0xa7: {  	s28 =	simm.s32 $_size_execute0_lowered;
	s3 =	sadd.s32 s3, s5;
	[dreg:$0x0] =	wrdreg $0x0  }
0xa8: {  	s5 =	sshll.u32 s28, $0x1;
	[dreg:$0x2] =	wrdreg s3  }
0xa9: {  	[dreg:$0x3] =	wrdreg s5  }
0xaa: {  	[dreg:$0x4] =	wrdreg $0xC0  }
0xab: {  	_ =	task [dreg:s7], $0x5FFFF  }
0xac: {  	[dreg:$0x1] =	wrdreg $0xFFFFFFFF  }
0xad: {  	[dreg:$0x0] =	wrdreg $0x60  }
0xae: {  	[dreg:$0x2] =	wrdreg s2  }
0xaf: {  	[dreg:$0x3] =	wrdreg s24  }
0xb0: {  	[dreg:$0x4] =	wrdreg $0x9  }
0xb1: {  	_ =	task.clear_ibuf [dreg:s7], $0x5FFFF;
	_ =	strace $0x90000046  }
0xb2: {  	s29 =	simm.s32 $0x9;
	_ =	strace $0x80000048  }
0xb3: {  	_ =	swait.ge [sflag:s29], $0x1  }
0xb4: {  	[sflag:s29] =	ssyncadd.s32 $0xFFFFFFFF  }
0xb5: {  	_ =	strace $0x90000048  }
0xb6: {  	_ =	sfence  }
0xb7: {  	s30 =	sld [smem:$0x0];
	_ =	sdelay $0x2  }
0xb8: {  	s31 =	sshll.u32 s1, $0xD;
	s1 =	sshrl.u32 s1, $0x2  }
0xb9: {  	s3 =	sand.u32 $0x4000, s31;
	s1 =	sadd.s32 s1, s30  }
0xba: {  	s0 =	sor.u32 s3, s0;
	s1 =	sshll.u32 s1, $0x11  }
0xbb: {  	s0 =	sor.u32 s1, s0  }
0xbc: {  	s0 =	sadd.s32 $0x8F2B, s0  }
0xbd: {  	[sflag:s0] =	ssyncadd.remote.s32 $0x1  }
0xbe: {  	_ =	sfence.sel $0xFFFF  }
0xbf: {  	[dreg:$0x0] =	wrdreg $0xFFFFFFFF;
	(pc) =	sbr.abs _section_cstart, $3  }
0xc0: {  	[dreg:$0x1] =	wrdreg $0xFFFFFFFF  }
0xc1: {  	_ =	task.clear_ibuf [dreg:s7], $0x2FFFF;
	_ =	strace $0x9FFFFFFF  }
0xc2: {  	(tm) =	ssettm $0x7FFFFFFF  }
0xc3: {  	_ =	shalt  }
tec
execute0_lowered:
.L_overlay_start_1:
0x0: {  	(tag) =	ssettag $0x1  }
0x1: {  	s1 =	srdreg.scid  }
0x2: {  	s0 =	stileid.u32;
	s11 =	rddreg [dreg:$0x0]  }
0x3: {  	s4 =	rddreg [dreg:$0x1];
	s3 =	sand.u32 $0x1, s1;
	s24 =	sshll.u32 s0, $0x1  }
0x4: {  	s17 =	simm.s32 $0x24C0;
	s18 =	simm.s32 $0x3100;
	s1 =	sor.u32 s3, s24  }
0x5: {  	s19 =	simm.s32 $0x3D40;
	s20 =	simm.s32 $0x4980;
	s2 =	smul.u32 $0x5, s1  }
0x6: {  	v0 =	vimm.s32 $0x55C1;
	vm0 =	vcmask $0x300;
	s21 =	simm.s32 $0x55C0;
	s3 =	ssub.s32 $0x2, s3;
	s1 =	smul.u32 $0xC35, s1  }
0x7: {  	vm14 =	vcmask $0x704;
	s22 =	simm.s32 $0x6200;
	v0 =	vsel vm0, $0x0, v0;
	s25 =	sshrl.u32 s3, $0x1;
	s2 =	sand.u32 $0x7, s2  }
0x8: {  	vm15 =	vcmask $0xB08;
	s23 =	simm.s32 $0x0;
	v0 =	vsel vm14, $0xC40, v0;
	s13 =	ssub.s32 s3, s25;
	s9 =	ssub.s32 s1, s2  }
0x9: {  	vm4 =	vcmask $0xF0C;
	v0 =	vsel vm15, $0x1880, v0;
	s1 =	rddreg [dreg:$0x2];
	s2 =	simm.s32 $0x0;
	p0 =	slt.s32 s9, $0x17A60  }
0xa: {  	vm5 =	vcmask $0x1310;
	v0 =	vsel vm4, $0x24C0, v0;
	s13 =	smax.u32 s13, $0x1;
	[smem:$0x7FF] =	sst s2;
	s9 =	simm.s32 @!p0 $0x17A60  }
0xb: {  	vm6 =	vcmask $0x1714;
	v0 =	vsel vm5, $0x3100, v0;
	_ =	strace $0x80000047;
	s5 =	sand.u32 $0x1FFFFFFF, s9;
	s26 =	sshrl.u32 s9, $0x3  }
0xc: {  	vm7 =	vcmask $0x1B18;
	v0 =	vsel vm6, $0x3D40, v0;
	s28 =	sadd.s32 $0x186A0, s9;
	s14 =	sand.u32 $0x7, s9;
	s6 =	sadd.s32 $0x30D40, s9  }
0xd: {  	vm8 =	vcmask $0x1F1C;
	v0 =	vsel vm7, $0x4980, v0;
	s7 =	sadd.s32 $0x493E0, s9;
	s8 =	sadd.s32 $0x61A80, s9;
	s10 =	sadd.s32 $0x7A120, s9  }
0xe: {  	vm9 =	vcmask $0x2320;
	v0 =	vsel vm8, $0x55C0, v0;
	s15 =	sadd.s32 $0x927C0, s9;
	s16 =	sadd.s32 $0xAAE60, s9;
	s12 =	sadd.s32 s5, s4  }
0xf: {  	vm10 =	vcmask $0x2724;
	v0 =	vsel vm9, $0x1, v0;
	s3 =	sadd.s32 s11, s26;
	s29 =	sshrl.u32 s28, $0x3;
	s4 =	sadd.s32 $0x3FEA, s0  }
0x10: {  	vm11 =	vcmask $0x2B28;
	s6 =	sshrl.u32 s6, $0x3;
	s7 =	sshrl.u32 s7, $0x3;
	s8 =	sshrl.u32 s8, $0x3;
	v0 =	vsel vm10, $0xC41, v0  }
0x11: {  	vm12 =	vcmask $0x2F2C;
	s10 =	sshrl.u32 s10, $0x3;
	s30 =	sshrl.u32 s15, $0x3;
	s31 =	sshrl.u32 s16, $0x3;
	v0 =	vsel vm11, $0x1881, v0  }
0x12: {  	vm13 =	vcmask $0x3330;
	v1 =	vlaneseq.u32;
	p0 =	seq.s32 s14, $0x0;
	s14 =	simm.s32 $0x1;
	s15 =	simm.s32 $0xC40;
	v0 =	vsel vm12, $0x24C1, v0  }
0x13: {  	vm14 =	vcmask $0x3734;
	vm15 =	vcmask $0x3B38;
	s16 =	simm.s32 $0x1880;
	s5 =	sadd.s32 s11, s29;
	s6 =	sadd.s32 s11, s6;
	v0 =	vsel vm13, $0x3101, v0  }
0x14: {  	s7 =	sadd.s32 s11, s7;
	s8 =	sadd.s32 s11, s8;
	s9 =	sadd.s32 s11, s10;
	v2 =	vsel vm14, $0x3D41, v0;
	v0 =	vshrl.u32 v1, $0x3;
	v1 =	vand.u32 $0x7, v1  }
0x15: {  	s10 =	sadd.s32 s11, s30;
	s11 =	sadd.s32 s11, s31;
	s12 =	sadd.s32 $0x2400, s12;
	v2 =	vsel vm15, $0x4981, v2;
	v3 =	vmul.u32 $0x8, v0;
	v4 =	vmul.u32 $0xC40, v1  }
.LBB2_1:
0x16: {  	[tilespmem:s2], [sflag:$0x1] =	stream.linear.gather [hbm4b:s3+s2], $0xC40, $0x38;
	[tilespmem:$0xC400] =	vst v63  }
0x17: {  	_ =	swait.ge [sflag:s14], $0xC40  }
0x18: {  	s24 =	sld [smem:$0x7FF];
	_ =	sdelay $0x2  }
0x19: {  	p1 =	sne.s32 @!p0 s24, $0x1  }
0x1a: {  	[sflag:s14] =	ssyncset.done $0x0;
	p1 =	por !p1, p0  }
0x1b: {  	[sflag:s14] =	ssyncadd.s32 $0xFFFFF3C0;
	s24 =	sor.u32 @!p1 $0x100000, s4  }
0x1c: {  	[smem:s24], [sflag:$0x0] =	smem.add.s32 @!p1 $0x4D;
	s24 =	simm.s32 @!p1 $0x0  }
0x1d: {  	s25 =	simm.s32 @!p1 $0x1;
	_ =	swait.done @!p1 [sflag:s24]  }
0x1e: {  	[smem:$0x7FF] =	sst @!p1 s25  }
0x1f: {  	_ =	sint @!p1 $0x2  }
0x20: {  	_ =	swait.notdone @!p1 [sflag:s24]  }
0x21: {  	[tilespmem:s15], [sflag:$0x1] =	stream.linear.gather [hbm4b:s5+s2], $0xC40, $0x38;
	[tilespmem:$0xC400] =	vst v63  }
0x22: {  	_ =	swait.ge [sflag:s14], $0xC40  }
0x23: {  	s24 =	sld [smem:$0x7FF];
	_ =	sdelay $0x2  }
0x24: {  	p1 =	sne.s32 @!p0 s24, $0x1  }
0x25: {  	[sflag:s14] =	ssyncset.done $0x0;
	p1 =	por !p1, p0  }
0x26: {  	[sflag:s14] =	ssyncadd.s32 $0xFFFFF3C0;
	s24 =	sor.u32 @!p1 $0x100000, s4  }
0x27: {  	[smem:s24], [sflag:$0x0] =	smem.add.s32 @!p1 $0x52;
	s24 =	simm.s32 @!p1 $0x0  }
0x28: {  	s25 =	simm.s32 @!p1 $0x1;
	_ =	swait.done @!p1 [sflag:s24]  }
0x29: {  	[smem:$0x7FF] =	sst @!p1 s25  }
0x2a: {  	_ =	sint @!p1 $0x2  }
0x2b: {  	_ =	swait.notdone @!p1 [sflag:s24]  }
0x2c: {  	[tilespmem:s16], [sflag:$0x1] =	stream.linear.gather [hbm4b:s6+s2], $0xC40, $0x38;
	[tilespmem:$0xC400] =	vst v63  }
0x2d: {  	_ =	swait.ge [sflag:s14], $0xC40  }
0x2e: {  	s24 =	sld [smem:$0x7FF];
	_ =	sdelay $0x2  }
0x2f: {  	p1 =	sne.s32 @!p0 s24, $0x1  }
0x30: {  	[sflag:s14] =	ssyncset.done $0x0;
	p1 =	por !p1, p0  }
0x31: {  	[sflag:s14] =	ssyncadd.s32 $0xFFFFF3C0;
	s24 =	sor.u32 @!p1 $0x100000, s4  }
0x32: {  	[smem:s24], [sflag:$0x0] =	smem.add.s32 @!p1 $0x57;
	s24 =	simm.s32 @!p1 $0x0  }
0x33: {  	s25 =	simm.s32 @!p1 $0x1;
	_ =	swait.done @!p1 [sflag:s24]  }
0x34: {  	[smem:$0x7FF] =	sst @!p1 s25  }
0x35: {  	_ =	sint @!p1 $0x2  }
0x36: {  	_ =	swait.notdone @!p1 [sflag:s24]  }
0x37: {  	[tilespmem:s17], [sflag:$0x1] =	stream.linear.gather [hbm4b:s7+s2], $0xC40, $0x38;
	[tilespmem:$0xC400] =	vst v63  }
0x38: {  	_ =	swait.ge [sflag:s14], $0xC40  }
0x39: {  	s24 =	sld [smem:$0x7FF];
	_ =	sdelay $0x2  }
0x3a: {  	p1 =	sne.s32 @!p0 s24, $0x1  }
0x3b: {  	[sflag:s14] =	ssyncset.done $0x0;
	p1 =	por !p1, p0  }
0x3c: {  	[sflag:s14] =	ssyncadd.s32 $0xFFFFF3C0;
	s24 =	sor.u32 @!p1 $0x100000, s4  }
0x3d: {  	[smem:s24], [sflag:$0x0] =	smem.add.s32 @!p1 $0x5C;
	s24 =	simm.s32 @!p1 $0x0  }
0x3e: {  	s25 =	simm.s32 @!p1 $0x1;
	_ =	swait.done @!p1 [sflag:s24]  }
0x3f: {  	[smem:$0x7FF] =	sst @!p1 s25  }
0x40: {  	_ =	sint @!p1 $0x2  }
0x41: {  	_ =	swait.notdone @!p1 [sflag:s24]  }
0x42: {  	[tilespmem:s18], [sflag:$0x1] =	stream.linear.gather [hbm4b:s8+s2], $0xC40, $0x38;
	[tilespmem:$0xC400] =	vst v63  }
0x43: {  	_ =	swait.ge [sflag:s14], $0xC40  }
0x44: {  	s24 =	sld [smem:$0x7FF];
	_ =	sdelay $0x2  }
0x45: {  	p1 =	sne.s32 @!p0 s24, $0x1  }
0x46: {  	[sflag:s14] =	ssyncset.done $0x0;
	p1 =	por !p1, p0  }
0x47: {  	[sflag:s14] =	ssyncadd.s32 $0xFFFFF3C0;
	s24 =	sor.u32 @!p1 $0x100000, s4  }
0x48: {  	[smem:s24], [sflag:$0x0] =	smem.add.s32 @!p1 $0x61;
	s24 =	simm.s32 @!p1 $0x0  }
0x49: {  	s25 =	simm.s32 @!p1 $0x1;
	_ =	swait.done @!p1 [sflag:s24]  }
0x4a: {  	[smem:$0x7FF] =	sst @!p1 s25  }
0x4b: {  	_ =	sint @!p1 $0x2  }
0x4c: {  	_ =	swait.notdone @!p1 [sflag:s24]  }
0x4d: {  	[tilespmem:s19], [sflag:$0x1] =	stream.linear.gather [hbm4b:s9+s2], $0xC40, $0x38;
	[tilespmem:$0xC400] =	vst v63  }
0x4e: {  	_ =	swait.ge [sflag:s14], $0xC40  }
0x4f: {  	s24 =	sld [smem:$0x7FF];
	_ =	sdelay $0x2  }
0x50: {  	p1 =	sne.s32 @!p0 s24, $0x1  }
0x51: {  	[sflag:s14] =	ssyncset.done $0x0;
	p1 =	por !p1, p0  }
0x52: {  	[sflag:s14] =	ssyncadd.s32 $0xFFFFF3C0;
	s24 =	sor.u32 @!p1 $0x100000, s4  }
0x53: {  	[smem:s24], [sflag:$0x0] =	smem.add.s32 @!p1 $0x66;
	s24 =	simm.s32 @!p1 $0x0  }
0x54: {  	s25 =	simm.s32 @!p1 $0x1;
	_ =	swait.done @!p1 [sflag:s24]  }
0x55: {  	[smem:$0x7FF] =	sst @!p1 s25  }
0x56: {  	_ =	sint @!p1 $0x2  }
0x57: {  	_ =	swait.notdone @!p1 [sflag:s24]  }
0x58: {  	[tilespmem:s20], [sflag:$0x1] =	stream.linear.gather [hbm4b:s10+s2], $0xC40, $0x38;
	[tilespmem:$0xC400] =	vst v63  }
0x59: {  	_ =	swait.ge [sflag:s14], $0xC40  }
0x5a: {  	s24 =	sld [smem:$0x7FF];
	_ =	sdelay $0x2  }
0x5b: {  	p1 =	sne.s32 @!p0 s24, $0x1  }
0x5c: {  	[sflag:s14] =	ssyncset.done $0x0;
	p1 =	por !p1, p0  }
0x5d: {  	[sflag:s14] =	ssyncadd.s32 $0xFFFFF3C0;
	s24 =	sor.u32 @!p1 $0x100000, s4  }
0x5e: {  	[smem:s24], [sflag:$0x0] =	smem.add.s32 @!p1 $0x6B;
	s24 =	simm.s32 @!p1 $0x0  }
0x5f: {  	s25 =	simm.s32 @!p1 $0x1;
	_ =	swait.done @!p1 [sflag:s24]  }
0x60: {  	[smem:$0x7FF] =	sst @!p1 s25  }
0x61: {  	s29 =	simm.s32 $0x0;
	_ =	sint @!p1 $0x2  }
0x62: {  	v5 =	vadd.s32 s29, v2;
	_ =	swait.notdone @!p1 [sflag:s24]  }
0x63: {  	[tilespmem:s21], [sflag:$0x1] =	stream.linear.gather [hbm4b:s11+s2], $0xC40, $0x38;
	[tilespmem:$0xC400] =	vst v63  }
0x64: {  	s30 =	simm.s32 $0x2;
	v6 =	vmov s29;
	_ =	swait.ge [sflag:s14], $0xC40  }
0x65: {  	v7 =	vmov s30;
	v6 =	vshll.u32 v6, $0x3;
	[sflag:s14] =	ssyncset.done $0x0  }
0x66: {  	v7 =	vand.u32 $0xFF3, v7;
	v6 =	vor.u32 v3, v6;
	[sflag:s14] =	ssyncadd.s32 $0xFFFFF3C0  }
0x67: {  	v7 =	vor.u32 v0, v7;
	v6 =	vor.u32 v1, v6;
	v5 =	vld.idx.msk [tilespmem:v5+s2+$0x0], $0xffff  }
0x68: {  	v7 =	vadd.s32 v4, v7;
	_ =	sdelay $0x1  }
0x69: {  	s31 =	simm.s32 $0x4  }
0x6a: {  	v8 =	vor.u32 s30, v0;
	v9 =	vmov s31  }
0x6b: {  	[tilespmem:v6+s22+$0x0] =	vst.idx.msk $0xffff, v5;
	v5 =	vshll.u32 v8, $0x3;
	v6 =	vand.u32 $0xFF5, v9  }
0x6c: {  	v7 =	vld.idx.msk [tilespmem:v7+s2+$0x0], $0xffff;
	v5 =	vor.u32 v1, v5;
	v6 =	vor.u32 v0, v6  }
0x6d: {  	v6 =	vadd.s32 v4, v6;
	_ =	sdelay $0x1  }
0x6e: {  	s26 =	simm.s32 $0x6  }
0x6f: {  	v60 =	vmov s26;
	v8 =	vor.u32 s31, v0  }
0x70: {  	[tilespmem:v5+s22+$0x0] =	vst.idx.msk $0xffff, v7;
	v5 =	vshll.u32 v8, $0x3;
	v7 =	vand.u32 $0xFF7, v60  }
0x71: {  	v6 =	vld.idx.msk [tilespmem:v6+s2+$0x0], $0xffff;
	v5 =	vor.u32 v1, v5;
	v7 =	vor.u32 v0, v7  }
0x72: {  	v7 =	vadd.s32 v4, v7;
	_ =	sdelay $0x2  }
0x73: {  	v8 =	vor.u32 s26, v0  }
0x74: {  	[tilespmem:v5+s22+$0x0] =	vst.idx.msk $0xffff, v6;
	v5 =	vshll.u32 v8, $0x3  }
0x75: {  	s28 =	simm.s32 $0x8;
	v6 =	vld.idx.msk [tilespmem:v7+s2+$0x0], $0xffff;
	v5 =	vor.u32 v1, v5  }
0x76: {  	v7 =	vadd.s32 s28, v2;
	_ =	sdelay $0x1  }
0x77: {  	s29 =	simm.s32 $0xA;
	v8 =	vmov s28  }
0x78: {  	v61 =	vmov s29;
	v8 =	vshll.u32 v8, $0x3  }
0x79: {  	[tilespmem:v5+s22+$0x0] =	vst.idx.msk $0xffff, v6;
	v5 =	vor.u32 v3, v8;
	v6 =	vand.u32 $0xFFB, v61  }
0x7a: {  	v7 =	vld.idx.msk [tilespmem:v7+s2+$0x0], $0xffff;
	v5 =	vor.u32 v1, v5;
	v6 =	vor.u32 v0, v6  }
0x7b: {  	v6 =	vadd.s32 v4, v6;
	_ =	sdelay $0x1  }
0x7c: {  	s30 =	simm.s32 $0xC  }
0x7d: {  	v62 =	vmov s30;
	v8 =	vor.u32 s29, v0  }
0x7e: {  	[tilespmem:v5+s22+$0x0] =	vst.idx.msk $0xffff, v7;
	v5 =	vshll.u32 v8, $0x3;
	v7 =	vand.u32 $0xFFD, v62  }
0x7f: {  	v6 =	vld.idx.msk [tilespmem:v6+s2+$0x0], $0xffff;
	v5 =	vor.u32 v1, v5;
	v7 =	vor.u32 v0, v7  }
0x80: {  	v7 =	vadd.s32 v4, v7;
	_ =	sdelay $0x1  }
0x81: {  	s31 =	simm.s32 $0xE  }
0x82: {  	v63 =	vmov s31;
	v8 =	vor.u32 s30, v0  }
0x83: {  	[tilespmem:v5+s22+$0x0] =	vst.idx.msk $0xffff, v6;
	v5 =	vshll.u32 v8, $0x3;
	v6 =	vand.u32 $0xFFF, v63  }
0x84: {  	v7 =	vld.idx.msk [tilespmem:v7+s2+$0x0], $0xffff;
	v5 =	vor.u32 v1, v5;
	v6 =	vor.u32 v0, v6  }
0x85: {  	v6 =	vadd.s32 v4, v6;
	_ =	sdelay $0x3  }
0x86: {  	[tilespmem:v5+s22+$0x0] =	vst.idx.msk $0xffff, v7;
	v7 =	vor.u32 s31, v0  }
0x87: {  	s25 =	simm.s32 $0x1E;
	s24 =	simm.s32 $0x0;
	v5 =	vld.idx.msk [tilespmem:v6+s2+$0x0], $0xffff;
	v6 =	vshll.u32 v7, $0x3  }
.LBB2_2:
0x88: {  	s26 =	sadd.s32 $0xFFFFFFF2, s25;
	s24 =	sadd.s32 $0x8, s24;
	v6 =	vor.u32 v1, v6  }
0x89: {  	v7 =	vadd.s32 s26, v2;
	p1 =	slt.u32 s24, $0x618;
	_ =	sdelay $0x2  }
0x8a: {  	v8 =	vmov s26;
	s26 =	sadd.s32 $0xFFFFFFF4, s25  }
0x8b: {  	v8 =	vshll.u32 v8, $0x3;
	v9 =	vmov s26;
	[tilespmem:v6+s22+$0x0] =	vst.idx.msk $0xffff, v5  }
0x8c: {  	v6 =	vor.u32 v3, v8;
	v5 =	vld.idx.msk [tilespmem:v7+s2+$0x0], $0xffff;
	v7 =	vand.u32 $0xFF3, v9  }
0x8d: {  	v6 =	vor.u32 v1, v6;
	v7 =	vor.u32 v0, v7  }
0x8e: {  	v7 =	vadd.s32 v4, v7;
	_ =	sdelay $0x2  }
0x8f: {  	s28 =	sadd.s32 $0xFFFFFFF6, s25  }
0x90: {  	[tilespmem:v6+s22+$0x0] =	vst.idx.msk $0xffff, v5;
	v5 =	vor.u32 s26, v0;
	v6 =	vmov s28  }
0x91: {  	v7 =	vld.idx.msk [tilespmem:v7+s2+$0x0], $0xffff;
	v5 =	vshll.u32 v5, $0x3;
	v6 =	vand.u32 $0xFF5, v6  }
0x92: {  	v5 =	vor.u32 v1, v5;
	v6 =	vor.u32 v0, v6  }
0x93: {  	v6 =	vadd.s32 v4, v6;
	_ =	sdelay $0x2  }
0x94: {  	s26 =	sadd.s32 $0xFFFFFFF8, s25  }
0x95: {  	[tilespmem:v5+s22+$0x0] =	vst.idx.msk $0xffff, v7;
	v5 =	vor.u32 s28, v0;
	v7 =	vmov s26  }
0x96: {  	v6 =	vld.idx.msk [tilespmem:v6+s2+$0x0], $0xffff;
	v5 =	vshll.u32 v5, $0x3;
	v7 =	vand.u32 $0xFF7, v7  }
0x97: {  	v5 =	vor.u32 v1, v5;
	v7 =	vor.u32 v0, v7  }
0x98: {  	v7 =	vadd.s32 v4, v7;
	_ =	sdelay $0x3  }
0x99: {  	[tilespmem:v5+s22+$0x0] =	vst.idx.msk $0xffff, v6;
	v5 =	vor.u32 s26, v0  }
0x9a: {  	v6 =	vld.idx.msk [tilespmem:v7+s2+$0x0], $0xffff;
	v5 =	vshll.u32 v5, $0x3  }
0x9b: {  	s26 =	sadd.s32 $0xFFFFFFFA, s25;
	v5 =	vor.u32 v1, v5  }
0x9c: {  	v7 =	vadd.s32 s26, v2;
	_ =	sdelay $0x2  }
0x9d: {  	v8 =	vmov s26;
	s26 =	sadd.s32 $0xFFFFFFFC, s25  }
0x9e: {  	[tilespmem:v5+s22+$0x0] =	vst.idx.msk $0xffff, v6;
	v5 =	vshll.u32 v8, $0x3;
	v6 =	vmov s26  }
0x9f: {  	v7 =	vld.idx.msk [tilespmem:v7+s2+$0x0], $0xffff;
	v5 =	vor.u32 v3, v5;
	v6 =	vand.u32 $0xFFB, v6  }
0xa0: {  	v5 =	vor.u32 v1, v5;
	v6 =	vor.u32 v0, v6  }
0xa1: {  	v6 =	vadd.s32 v4, v6;
	_ =	sdelay $0x2  }
0xa2: {  	s28 =	sadd.s32 $0xFFFFFFFE, s25  }
0xa3: {  	[tilespmem:v5+s22+$0x0] =	vst.idx.msk $0xffff, v7;
	v5 =	vor.u32 s26, v0;
	v7 =	vmov s28  }
0xa4: {  	v6 =	vld.idx.msk [tilespmem:v6+s2+$0x0], $0xffff;
	v5 =	vshll.u32 v5, $0x3;
	v7 =	vand.u32 $0xFFD, v7  }
0xa5: {  	v5 =	vor.u32 v1, v5;
	v7 =	vor.u32 v0, v7  }
0xa6: {  	v7 =	vadd.s32 v4, v7;
	_ =	sdelay $0x3  }
0xa7: {  	[tilespmem:v5+s22+$0x0] =	vst.idx.msk $0xffff, v6;
	v5 =	vor.u32 s28, v0;
	v6 =	vmov s25  }
0xa8: {  	v7 =	vld.idx.msk [tilespmem:v7+s2+$0x0], $0xffff;
	v5 =	vshll.u32 v5, $0x3;
	v6 =	vand.u32 $0xFFF, v6  }
0xa9: {  	v5 =	vor.u32 v1, v5;
	v6 =	vor.u32 v0, v6  }
0xaa: {  	v6 =	vadd.s32 v4, v6  }
.Ltmp0:
0xab: {  	(pc) =	sbr.rel @p1 .LBB2_2-.Ltmp0, $3  }
0xac: {  	_ =	sdelay $0x1  }
0xad: {  	[tilespmem:v5+s22+$0x0] =	vst.idx.msk $0xffff, v7;
	v7 =	vor.u32 s25, v0  }
0xae: {  	s25 =	sadd.s32 $0x10, s25;
	v5 =	vld.idx.msk [tilespmem:v6+s2+$0x0], $0xffff;
	v6 =	vshll.u32 v7, $0x3  }
0xaf: {  	v6 =	vor.u32 v1, v6;
	_ =	sdelay $0x2  }
0xb0: {  	s23 =	sadd.s32 $0x1, s23  }
0xb1: {  	p1 =	sne.s32 s23, s13  }
.Ltmp1:
0xb2: {  	[tilespmem:v6+s22+$0x0] =	vst.idx.msk $0xffff, v5;
	(pc) =	sbr.rel @p1 .LBB2_1-.Ltmp1, $4  }
0xb3: {  	[hbm4b:s12+s2] =	stream.linear.scatter [tilespmem:s22], [sflag:$0x1], $0x6200, $0x38;
	[tilespmem:$0xC400] =	vst v63  }
0xb4: {  	_ =	swait.ge [sflag:s14], $0x6200  }
0xb5: {  	[sflag:s14] =	ssyncset.done $0x0  }
0xb6: {  	[sflag:s14] =	ssyncadd.s32 $0xFFFF9E00  }
0xb7: {  	_ =	sfence.sel $0x180000  }
0xb8: {  	[bflag:$0x0] =	sbarrier.arrive $0xFFFF  }
0xb9: {  	p0 =	sne.s32 s0, $0x0;
	_ =	strace $0x90000047  }
0xba: {  	s0 =	sadd.s32 @!p0 $0x100000, s1;
	[bflag:$0x2] =	sbarrier.arrive $0xFFFF  }
0xbb: {  	[sflag:s0] =	ssyncadd.tile.s32 @!p0 $0x1;
	_ =	shalt  }
.Lfunc_end2:
_tile_overlayer_lowered:
.L_overlay_start_2:
0xbc: {  	(tag) =	ssettag $0x2  }
0xbd: {  	s0 =	rddreg [dreg:$0x0];
	s2 =	stileid.u32  }
0xbe: {  	s1 =	rddreg [dreg:$0x1];
	p0 =	sne.s32 s2, $0x0  }
0xbf: {  	s3 =	rddreg [dreg:$0x2];
	[bflag:$0x3] =	sbarrier.arrive $0xFFFF;
	s2 =	simm.s32 @!p0 $0x1C01  }
0xc0: {  	[timem:s3], [sflag:s2] =	dma.local @!p0 [hbm:s0], s1  }
0xc1: {  	s0 =	simm.s32 @!p0 $0x1  }
0xc2: {  	_ =	swait.ge @!p0 [sflag:s0], s1  }
0xc3: {  	s1 =	ssub.s32 @!p0 $0x0, s1;
	[sflag:s0] =	ssyncset.done @!p0 $0x0  }
0xc4: {  	[sflag:s0] =	ssyncadd.s32 @!p0 s1  }
0xc5: {  	[bflag:$0x3] =	sbarrier.arrive $0xFFFF  }
0xc6: {  	_ =	shalt  }

// kernel: kernel.9.cloned.1.call-start
scs
__scs_entry_jumppad:
0x0: {  	(pc) =	sbr.rel $0x88, $3  }
0x1: {  	(tag) =	ssettag $0x0;
	lr =	simm.s32 $0x1  }
0x2: {  	[smem:$0x3F9B] =	sst lr;
	_ =	strace $0xD0000000  }
0x3: {  	_ = 	snop  }
0x4: {  	_ = 	snop  }
0x5: {  	_ = 	snop  }
0x6: {  	_ = 	snop  }
0x7: {  	_ = 	snop  }
__scs_overlays_trampoline_lowered:
0x8: {  	[smem:$0x3FAA] =	sst s0  }
0x9: {  	[smem:$0x3FAB] =	sst s1  }
0xa: {  	[smem:$0x3FAC] =	sst s2  }
0xb: {  	[smem:$0x3FAD] =	sst s3  }
0xc: {  	[smem:$0x3FAE] =	sst s4  }
0xd: {  	[smem:$0x3FAF] =	sst s5  }
0xe: {  	[smem:$0x3FB0] =	sst s6  }
0xf: {  	[smem:$0x3FB1] =	sst s7  }
0x10: {  	[smem:$0x3FB2] =	sst s8  }
0x11: {  	[smem:$0x3FB3] =	sst s9;
	s0 =	simm.s32 @!p0 $0x0  }
0x12: {  	s1 =	sld [smem:$0x3F99];
	s0 =	simm.s32 @p0 $0x1  }
0x13: {  	[smem:$0x3FB4] =	sst s0;
	s0 =	simm.s32 @!p1 $0x0  }
0x14: {  	s2 =	sld [smem:$0x3F98];
	s0 =	simm.s32 @p1 $0x1  }
0x15: {  	[smem:$0x3FB5] =	sst s0;
	s0 =	simm.s32 @!p2 $0x0  }
0x16: {  	s3 =	sld [smem:$0x3FDB];
	s0 =	simm.s32 @p2 $0x1  }
0x17: {  	s4 =	simm.s32 $0x1BF5;
	[smem:$0x3FB7] =	sst s0  }
0x18: {  	s0 =	sld [smem:$0x3F9A];
	_ =	swait.ge [sflag:s4], $0x0  }
0x19: {  	s7 =	sld [smem:$0x3F9B]  }
0x1a: {  	s8 =	sadd.s32 $0xFFFFE003, lr  }
0x1b: {  	s9 =	sadd.s32 $0xFFFFFEF7, lr;
	s5 =	simm.s32 $0xFFFFFFFF;
	p2 =	slt.u32 s8, $0xFFFFF086  }
0x1c: {  	p1 =	slt.u32 s9, $0xF7A;
	s5 =	simm.s32 @!p2 $0x0  }
0x1d: {  	s5 =	simm.s32 @p1 $0x1;
	p0 =	seq.s32 s7, s2  }
0x1e: {  	s7 =	smul.u32 @!p0 $0xF7A, s2;
	p2 =	seq.s32 @!p0 s5, $0x0  }
0x1f: {  	s9 =	smul.u32 $0xF7A, s1;
	s8 =	simm.s32 @!p0 $0x1BF5;
	p2 =	por !p2, p0  }
0x20: {  	[sflag:s8] =	ssyncset.s32 @!p0 $0xFFFFF086;
	s6 =	sadd.s32 @!p0 s3, s7;
	s7 =	simm.s32 @!p0 $0x108  }
0x21: {  	s3 =	sadd.s32 s3, s9;
	s6 =	sadd.s32 @!p0 $0x88, s6;
	s7 =	simm.s32 @p2 $0x1082  }
0x22: {  	[simem:s7], [sflag:s8] =	dma.local @!p0 [hbm:s6], $0xF7A  }
0x23: {  	s9 =	sor.u32 $0xD0000000, s2;
	s6 =	simm.s32 $0x108;
	_ =	swait.ge @!p0 [sflag:s8], $0x0  }
0x24: {  	s3 =	sadd.s32 $0x88, s3;
	s6 =	simm.s32 @!p1 $0x1082;
	[sflag:s4] =	ssyncset.s32 $0xFFFFF086  }
0x25: {  	[simem:s6], [sflag:s4] =	dma.local [hbm:s3], $0xF7A  }
0x26: {  	[smem:$0x3F9B] =	sst s1;
	(tag) =	ssettag s2;
	_ =	strace s9  }
0x27: {  	s1 =	sld [smem:$0x3FAB]  }
0x28: {  	s2 =	sld [smem:$0x3FAC]  }
0x29: {  	s4 =	sld [smem:$0x3FAE]  }
0x2a: {  	p0 =	seq.s32 s5, $0x0;
	s5 =	sld [smem:$0x3FAF]  }
0x2b: {  	s6 =	sld [smem:$0x3FB0]  }
0x2c: {  	s7 =	sld [smem:$0x3FB1]  }
0x2d: {  	s3 =	simm.s32 $0x108;
	s8 =	sld [smem:$0x3FB2]  }
0x2e: {  	s3 =	simm.s32 @!p0 $0x1082;
	s9 =	sld [smem:$0x3FB3]  }
0x2f: {  	lr =	sadd.s32 s0, s3;
	s0 =	sld [smem:$0x3FAA]  }
0x30: {  	s3 =	sld [smem:$0x3FAD]  }
0x31: {  	[smem:$0x3FB6] =	sst s10  }
0x32: {  	s10 =	sld [smem:$0x3FB4];
	_ =	sdelay $0x3  }
0x33: {  	p0 =	seq.s32 s10, $0x1;
	s10 =	sld [smem:$0x3FB6];
	_ =	sdelay $0x3  }
0x34: {  	[smem:$0x3FB6] =	sst s10  }
0x35: {  	s10 =	sld [smem:$0x3FB5];
	_ =	sdelay $0x3  }
0x36: {  	p1 =	seq.s32 s10, $0x1;
	s10 =	sld [smem:$0x3FB6];
	_ =	sdelay $0x3  }
0x37: {  	[smem:$0x3FB6] =	sst s10  }
0x38: {  	s10 =	sld [smem:$0x3FB7]  }
0x39: {  	_ = 	snop;
	(pc) =	sbr.ind lr, $3  }
0x3a: {  	_ = 	snop  }
0x3b: {  	_ = 	snop  }
0x3c: {  	p2 =	seq.s32 s10, $0x1;
	s10 =	sld [smem:$0x3FB6]  }
0x3d: {  	_ =	shalt  }
0x3e: {  	_ =	shalt  }
0x3f: {  	_ =	shalt  }
0x40: {  	_ =	shalt  }
0x41: {  	_ =	shalt  }
0x42: {  	_ =	shalt  }
0x43: {  	_ =	shalt  }
0x44: {  	_ =	shalt  }
0x45: {  	_ =	shalt  }
0x46: {  	_ =	shalt  }
0x47: {  	_ =	shalt  }
0x48: {  	_ =	shalt  }
0x49: {  	_ =	shalt  }
0x4a: {  	_ =	shalt  }
0x4b: {  	_ =	shalt  }
0x4c: {  	_ =	shalt  }
0x4d: {  	_ =	shalt  }
0x4e: {  	_ =	shalt  }
0x4f: {  	_ =	shalt  }
0x50: {  	_ =	shalt  }
0x51: {  	_ =	shalt  }
0x52: {  	_ =	shalt  }
0x53: {  	_ =	shalt  }
0x54: {  	_ =	shalt  }
0x55: {  	_ =	shalt  }
0x56: {  	_ =	shalt  }
0x57: {  	_ =	shalt  }
0x58: {  	_ =	shalt  }
0x59: {  	_ =	shalt  }
0x5a: {  	_ =	shalt  }
0x5b: {  	_ =	shalt  }
0x5c: {  	_ =	shalt  }
0x5d: {  	_ =	shalt  }
0x5e: {  	_ =	shalt  }
0x5f: {  	_ =	shalt  }
0x60: {  	_ =	shalt  }
0x61: {  	_ =	shalt  }
0x62: {  	_ =	shalt  }
0x63: {  	_ =	shalt  }
0x64: {  	_ =	shalt  }
0x65: {  	_ =	shalt  }
0x66: {  	_ =	shalt  }
0x67: {  	_ =	shalt  }
0x68: {  	_ =	shalt  }
0x69: {  	_ =	shalt  }
0x6a: {  	_ =	shalt  }
0x6b: {  	_ =	shalt  }
0x6c: {  	_ =	shalt  }
0x6d: {  	_ =	shalt  }
0x6e: {  	_ =	shalt  }
0x6f: {  	_ =	shalt  }
0x70: {  	_ =	shalt  }
0x71: {  	_ =	shalt  }
0x72: {  	_ =	shalt  }
0x73: {  	_ =	shalt  }
0x74: {  	_ =	shalt  }
0x75: {  	_ =	shalt  }
0x76: {  	_ =	shalt  }
0x77: {  	_ =	shalt  }
0x78: {  	_ =	shalt  }
0x79: {  	_ =	shalt  }
0x7a: {  	_ =	shalt  }
0x7b: {  	_ =	shalt  }
0x7c: {  	_ =	shalt  }
0x7d: {  	_ =	shalt  }
0x7e: {  	_ =	shalt  }
0x7f: {  	_ =	shalt  }
0x80: {  	_ =	shalt  }
0x81: {  	_ =	shalt  }
0x82: {  	_ =	shalt  }
0x83: {  	_ =	shalt  }
0x84: {  	_ =	shalt  }
0x85: {  	_ =	shalt  }
0x86: {  	_ =	shalt  }
0x87: {  	_ =	shalt  }
.Lfunc_end0:
.L_simem_size_0:
called_computation.1_lowered:
.L_overlay_start_0:
0x88: {  	s2 =	sld [smem:$0x3FD9]  }
0x89: {  	s3 =	sld [smem:$0x3FFE];
	_ =	sdelay $0x1  }
0x8a: {  	s1 =	srdreg.scid  }
0x8b: {  	s0 =	sand.u32 $0x1, s1  }
0x8c: {  	s17 =	sshll.u32 s0, $0xA;
	s2 =	sadd.s32 s3, s2  }
0x8d: {  	s2 =	sadd.s32 s2, s17  }
0x8e: {  	[smem:$0x3FC2] =	sst s2  }
0x8f: {  	_ = 	snop  }
0x90: {  	s2 =	sld [smem:$0x3FD0];
	(tm) =	ssettm $0x1  }
0x91: {  	s18 =	sld [smem:$0x3FFB];
	_ =	sdelay $0x3  }
0x92: {  	_ =	strace s18  }
0x93: {  	s3 =	sld [smem:$0x3FFC];
	_ =	sdelay $0x3  }
0x94: {  	_ =	strace s3  }
0x95: {  	s3 =	sld [smem:$0x3FFD];
	_ =	sdelay $0x3  }
0x96: {  	_ =	strace s3  }
0x97: {  	_ =	strace $0x8FFFFFFF  }
0x98: {  	s19 =	sld [smem:$0x3FDB];
	_ =	sdelay $0x1  }
0x99: {  	s4 =	simm.s32 $_scs_section_size  }
0x9a: {  	s5 =	simm.s32 $_size__tile_overlayer_lowered;
	s6 =	simm.s32 $_tile_overlayer_lowered  }
0x9b: {  	s22 =	simm.s32 $0x1BFF;
	s21 =	sshll.u32 s6, $0x1;
	s3 =	sadd.s32 s4, s19  }
0x9c: {  	s7 =	simm.s32 $0x0;
	s20 =	sshll.u32 s5, $0x1;
	s5 =	sadd.s32 s21, s3  }
0x9d: {  	[timem:s7], [sflag:s22] =	dma.local [hbm:s5], s20  }
0x9e: {  	_ =	swait.ge [sflag:s22], s20  }
0x9f: {  	s4 =	ssub.s32 $0x0, s20;
	[sflag:s22] =	ssyncset.done $0x0  }
0xa0: {  	[sflag:s22] =	ssyncadd.s32 s4;
	_ =	sdelay $0x1  }
0xa1: {  	s23 =	simm.s32 $0x1B8B  }
0xa2: {  	_ =	swait.ge [sflag:s23], $0x1  }
0xa3: {  	[sflag:s23] =	ssyncset.done $0x0  }
0xa4: {  	s25 =	simm.s32 $0x1B8E;
	s24 =	sld [smem:$0x3FFE];
	[sflag:s23] =	ssyncadd.s32 $0xFFFFFFFF  }
0xa5: {  	s26 =	simm.s32 $execute0_lowered;
	[smem:$0x3FD2] =	sst s25  }
0xa6: {  	s5 =	sshll.u32 s26, $0x1;
	_ =	strace $0x80000049;
	[dreg:$0x1] =	wrdreg $0xFFFFFFFF  }
0xa7: {  	s28 =	simm.s32 $_size_execute0_lowered;
	s3 =	sadd.s32 s3, s5;
	[dreg:$0x0] =	wrdreg $0x0  }
0xa8: {  	s5 =	sshll.u32 s28, $0x1;
	[dreg:$0x2] =	wrdreg s3  }
0xa9: {  	[dreg:$0x3] =	wrdreg s5  }
0xaa: {  	[dreg:$0x4] =	wrdreg $0xC0  }
0xab: {  	_ =	task [dreg:s7], $0x5FFFF  }
0xac: {  	[dreg:$0x1] =	wrdreg $0xFFFFFFFF  }
0xad: {  	[dreg:$0x0] =	wrdreg $0x60  }
0xae: {  	[dreg:$0x2] =	wrdreg s24  }
0xaf: {  	[dreg:$0x3] =	wrdreg s2  }
0xb0: {  	[dreg:$0x4] =	wrdreg $0xA9880  }
0xb1: {  	[dreg:$0x5] =	wrdreg $0x9  }
0xb2: {  	_ =	task.clear_ibuf [dreg:s7], $0x6FFFF;
	_ =	strace $0x90000049  }
0xb3: {  	s29 =	simm.s32 $0x9;
	_ =	strace $0x8000004B  }
0xb4: {  	_ =	swait.ge [sflag:s29], $0x1  }
0xb5: {  	[sflag:s29] =	ssyncadd.s32 $0xFFFFFFFF  }
0xb6: {  	_ =	strace $0x9000004B  }
0xb7: {  	_ =	sfence  }
0xb8: {  	s30 =	sld [smem:$0x0];
	_ =	sdelay $0x2  }
0xb9: {  	s31 =	sshll.u32 s1, $0xD;
	s1 =	sshrl.u32 s1, $0x2  }
0xba: {  	s3 =	sand.u32 $0x4000, s31;
	s1 =	sadd.s32 s1, s30  }
0xbb: {  	s0 =	sor.u32 s3, s0;
	s1 =	sshll.u32 s1, $0x11  }
0xbc: {  	s0 =	sor.u32 s1, s0  }
0xbd: {  	s0 =	sadd.s32 $0x8F2B, s0  }
0xbe: {  	[sflag:s0] =	ssyncadd.remote.s32 $0x1  }
0xbf: {  	_ =	sfence.sel $0xFFFF  }
0xc0: {  	[dreg:$0x0] =	wrdreg $0xFFFFFFFF;
	(pc) =	sbr.abs _section_cstart, $3  }
0xc1: {  	[dreg:$0x1] =	wrdreg $0xFFFFFFFF  }
0xc2: {  	_ =	task.clear_ibuf [dreg:s7], $0x2FFFF;
	_ =	strace $0x9FFFFFFF  }
0xc3: {  	(tm) =	ssettm $0x7FFFFFFF  }
tec
execute0_lowered:
.L_overlay_start_1:
0x0: {  	(tag) =	ssettag $0x1  }
0x1: {  	s0 =	rddreg [dreg:$0x0]  }
0x2: {  	s1 =	rddreg [dreg:$0x1];
	s3 =	srdreg.scid  }
0x3: {  	s13 =	stileid.u32;
	s2 =	rddreg [dreg:$0x2];
	s14 =	simm.s32 $0x7D  }
0x4: {  	s15 =	simm.s32 $0x9600;
	s17 =	simm.s32 $0x99E8;
	s18 =	simm.s32 $0x100  }
0x5: {  	s19 =	simm.s32 $0x9DD0;
	s20 =	simm.s32 $0x180;
	s21 =	simm.s32 $0xA1B8  }
0x6: {  	s22 =	simm.s32 $0x200;
	s28 =	simm.s32 $0x4C80;
	s29 =	simm.s32 $0x4D00  }
0x7: {  	s30 =	simm.s32 $0x2;
	s31 =	simm.s32 $0x0;
	s5 =	sand.u32 $0x1, s3  }
0x8: {  	s4 =	sshll.u32 s13, $0x1;
	s3 =	simm.s32 $0x0;
	s7 =	smul.u32 $0x186A, s13  }
0x9: {  	s10 =	smul.u32 $0xC350, s13;
	s26 =	sshll.u32 s13, $0x6;
	s13 =	simm.s32 $0x4B00  }
0xa: {  	s4 =	sor.u32 s5, s4;
	[smem:$0x7FF] =	sst s3;
	s24 =	smul.u32 $0x186A0, s5  }
0xb: {  	s8 =	ssub.s32 $0x2, s5;
	s6 =	smul.u32 $0x4B00, s4;
	_ =	strace $0x8000004A  }
0xc: {  	s4 =	sadd.s32 $0x2400, s0;
	s23 =	sshrl.u32 s8, $0x1;
	s25 =	sshrl.u32 s10, $0x3  }
0xd: {  	s12 =	sadd.s32 s10, s2;
	s11 =	ssub.s32 s8, s23;
	s5 =	sadd.s32 s1, s25  }
0xe: {  	s23 =	simm.s32 $0xA5A0;
	s25 =	simm.s32 $0x4B80;
	s6 =	sshrl.u32 s6, $0x3  }
0xf: {  	s10 =	smax.u32 s11, $0x1;
	s11 =	sshrl.u32 s12, $0x3;
	s12 =	simm.s32 $0x3  }
0x10: {  	s9 =	sadd.s32 s6, s0;
	s0 =	sadd.s32 s7, s0;
	s6 =	sor.u32 $0x1C03, s26  }
0x11: {  	s26 =	simm.s32 $0x4C00;
	s0 =	sadd.s32 s24, s0;
	s7 =	sadd.s32 $0x1AC00, s9  }
0x12: {  	s8 =	sadd.s32 $0x2D800, s9;
	s24 =	simm.s32 $0x1;
	s9 =	sadd.s32 $0x40400, s0  }
.LBB2_1:
0x13: {  	[spmem:s11], [sflag:s6] =	dma.local [hbm:s5], $0x186A  }
0x14: {  	_ =	swait.ge [sflag:s12], $0x186A  }
0x15: {  	[sflag:s12] =	ssyncset.done $0x0  }
0x16: {  	[sflag:s12] =	ssyncadd.s32 $0xFFFFE796  }
0x17: {  	[bflag:$0x0] =	sbarrier.arrive $0xFFFF  }
0x18: {  	[tilespmem:s3], [sflag:$0x3] =	stream.linear.gather [hbm4b:s7+s3], $0x4B00, $0x38;
	[tilespmem:$0x16CD8] =	vst v63  }
0x19: {  	_ =	swait.ge [sflag:s12], $0x4B00  }
0x1a: {  	[sflag:s12] =	ssyncset.done $0x0  }
0x1b: {  	[sflag:s12] =	ssyncadd.s32 $0xFFFFB500  }
0x1c: {  	[tilespmem:s13], [sflag:$0x3] =	stream.linear.gather [hbm4b:s8+s3], $0x4B00, $0x38;
	[tilespmem:$0x16CD8] =	vst v63  }
0x1d: {  	_ =	swait.ge [sflag:s12], $0x4B00  }
0x1e: {  	[sflag:s12] =	ssyncset.done $0x0  }
0x1f: {  	[sflag:s12] =	ssyncadd.s32 $0xFFFFB500  }
0x20: {  	[tilespmem:s15], [sflag:$0x1] =	stream.indirect.gather [hbm4b:s4+s14], $0x8, s3, s14, $0xb8;
	[tilespmem:$0x16CD8] =	vst v63  }
0x21: {  	s0 =	simm.s32 $0x80  }
0x22: {  	[tilespmem:s17], [sflag:$0x1] =	stream.indirect.gather [hbm4b:s4+s14], $0x8, s0, s14, $0xb8;
	[tilespmem:$0x16CD8] =	vst v63  }
0x23: {  	_ = 	snop  }
0x24: {  	[tilespmem:s19], [sflag:$0x1] =	stream.indirect.gather [hbm4b:s4+s14], $0x8, s18, s14, $0xb8;
	[tilespmem:$0x16CD8] =	vst v63  }
0x25: {  	_ = 	snop  }
0x26: {  	[tilespmem:s21], [sflag:$0x1] =	stream.indirect.gather [hbm4b:s4+s14], $0x8, s20, s14, $0xb8;
	[tilespmem:$0x16CD8] =	vst v63  }
0x27: {  	_ = 	snop  }
0x28: {  	[tilespmem:s23], [sflag:$0x1] =	stream.indirect.gather [hbm4b:s4+s14], $0x8, s22, s14, $0xb8;
	[tilespmem:$0x16CD8] =	vst v63  }
0x29: {  	_ =	swait.ge [sflag:s24], $0x3E8  }
0x2a: {  	[sflag:s24] =	ssyncset.done $0x0  }
0x2b: {  	[sflag:s24] =	ssyncadd.s32 $0xFFFFFC18  }
0x2c: {  	[spmem:s2] =	stream.indirect.scatter.add.f32 [tilespmem:s15], [sflag:$0x2], $0x8, s13, s14, $0xb8;
	[tilespmem:$0x16CD8] =	vst v63  }
0x2d: {  	_ =	swait.ge [sflag:s24], $0x3E8  }
0x2e: {  	[sflag:s24] =	ssyncset.done $0x0  }
0x2f: {  	[sflag:s24] =	ssyncadd.s32 $0xFFFFFC18  }
0x30: {  	[spmem:s2] =	stream.indirect.scatter.add.f32 [tilespmem:s17], [sflag:$0x2], $0x8, s25, s14, $0xb8;
	[tilespmem:$0x16CD8] =	vst v63  }
0x31: {  	_ =	swait.ge [sflag:s24], $0x3E8  }
0x32: {  	[sflag:s24] =	ssyncset.done $0x0  }
0x33: {  	[sflag:s24] =	ssyncadd.s32 $0xFFFFFC18  }
0x34: {  	[spmem:s2] =	stream.indirect.scatter.add.f32 [tilespmem:s19], [sflag:$0x2], $0x8, s26, s14, $0xb8;
	[tilespmem:$0x16CD8] =	vst v63  }
0x35: {  	_ =	swait.ge [sflag:s24], $0x3E8  }
0x36: {  	[sflag:s24] =	ssyncset.done $0x0  }
0x37: {  	[sflag:s24] =	ssyncadd.s32 $0xFFFFFC18  }
0x38: {  	[spmem:s2] =	stream.indirect.scatter.add.f32 [tilespmem:s21], [sflag:$0x2], $0x8, s28, s14, $0xb8;
	[tilespmem:$0x16CD8] =	vst v63  }
0x39: {  	_ =	swait.ge [sflag:s24], $0x3E8  }
0x3a: {  	[sflag:s24] =	ssyncset.done $0x0  }
0x3b: {  	[sflag:s24] =	ssyncadd.s32 $0xFFFFFC18  }
0x3c: {  	[spmem:s2] =	stream.indirect.scatter.add.f32 [tilespmem:s23], [sflag:$0x2], $0x8, s29, s14, $0xb8;
	[tilespmem:$0x16CD8] =	vst v63  }
0x3d: {  	_ =	swait.ge [sflag:s30], $0x3E8  }
0x3e: {  	[sflag:s30] =	ssyncset.done $0x0  }
0x3f: {  	[sflag:s30] =	ssyncadd.s32 $0xFFFFFC18  }
0x40: {  	_ =	swait.ge [sflag:s30], $0x3E8  }
0x41: {  	[sflag:s30] =	ssyncset.done $0x0  }
0x42: {  	[sflag:s30] =	ssyncadd.s32 $0xFFFFFC18  }
0x43: {  	_ =	swait.ge [sflag:s30], $0x3E8  }
0x44: {  	[sflag:s30] =	ssyncset.done $0x0  }
0x45: {  	[sflag:s30] =	ssyncadd.s32 $0xFFFFFC18  }
0x46: {  	_ =	swait.ge [sflag:s30], $0x3E8  }
0x47: {  	[sflag:s30] =	ssyncset.done $0x0  }
0x48: {  	[sflag:s30] =	ssyncadd.s32 $0xFFFFFC18  }
0x49: {  	_ =	swait.ge [sflag:s30], $0x3E8  }
0x4a: {  	[sflag:s30] =	ssyncset.done $0x0  }
0x4b: {  	s16 =	simm.s32 $0x280;
	[sflag:s30] =	ssyncadd.s32 $0xFFFFFC18  }
0x4c: {  	[tilespmem:s15], [sflag:$0x1] =	stream.indirect.gather [hbm4b:s4+s14], $0x8, s16, s14, $0xb8;
	[tilespmem:$0x16CD8] =	vst v63  }
0x4d: {  	s1 =	simm.s32 $0x300  }
0x4e: {  	[tilespmem:s17], [sflag:$0x1] =	stream.indirect.gather [hbm4b:s4+s14], $0x8, s1, s14, $0xb8;
	[tilespmem:$0x16CD8] =	vst v63  }
0x4f: {  	s16 =	simm.s32 $0x380  }
0x50: {  	[tilespmem:s19], [sflag:$0x1] =	stream.indirect.gather [hbm4b:s4+s14], $0x8, s16, s14, $0xb8;
	[tilespmem:$0x16CD8] =	vst v63  }
0x51: {  	s1 =	simm.s32 $0x400  }
0x52: {  	[tilespmem:s21], [sflag:$0x1] =	stream.indirect.gather [hbm4b:s4+s14], $0x8, s1, s14, $0xb8;
	[tilespmem:$0x16CD8] =	vst v63  }
0x53: {  	s16 =	simm.s32 $0x480  }
0x54: {  	[tilespmem:s23], [sflag:$0x1] =	stream.indirect.gather [hbm4b:s4+s14], $0x8, s16, s14, $0xb8;
	[tilespmem:$0x16CD8] =	vst v63  }
0x55: {  	_ =	swait.ge [sflag:s24], $0x3E8  }
0x56: {  	[sflag:s24] =	ssyncset.done $0x0  }
0x57: {  	s1 =	simm.s32 $0x4D80;
	[sflag:s24] =	ssyncadd.s32 $0xFFFFFC18  }
0x58: {  	[spmem:s2] =	stream.indirect.scatter.add.f32 [tilespmem:s15], [sflag:$0x2], $0x8, s1, s14, $0xb8;
	[tilespmem:$0x16CD8] =	vst v63  }
0x59: {  	_ =	swait.ge [sflag:s24], $0x3E8  }
0x5a: {  	[sflag:s24] =	ssyncset.done $0x0  }
0x5b: {  	s16 =	simm.s32 $0x4E00;
	[sflag:s24] =	ssyncadd.s32 $0xFFFFFC18  }
0x5c: {  	[spmem:s2] =	stream.indirect.scatter.add.f32 [tilespmem:s17], [sflag:$0x2], $0x8, s16, s14, $0xb8;
	[tilespmem:$0x16CD8] =	vst v63  }
0x5d: {  	_ =	swait.ge [sflag:s24], $0x3E8  }
0x5e: {  	[sflag:s24] =	ssyncset.done $0x0  }
0x5f: {  	s1 =	simm.s32 $0x4E80;
	[sflag:s24] =	ssyncadd.s32 $0xFFFFFC18  }
0x60: {  	[spmem:s2] =	stream.indirect.scatter.add.f32 [tilespmem:s19], [sflag:$0x2], $0x8, s1, s14, $0xb8;
	[tilespmem:$0x16CD8] =	vst v63  }
0x61: {  	_ =	swait.ge [sflag:s24], $0x3E8  }
0x62: {  	[sflag:s24] =	ssyncset.done $0x0  }
0x63: {  	s16 =	simm.s32 $0x4F00;
	[sflag:s24] =	ssyncadd.s32 $0xFFFFFC18  }
0x64: {  	[spmem:s2] =	stream.indirect.scatter.add.f32 [tilespmem:s21], [sflag:$0x2], $0x8, s16, s14, $0xb8;
	[tilespmem:$0x16CD8] =	vst v63  }
0x65: {  	_ =	swait.ge [sflag:s24], $0x3E8  }
0x66: {  	[sflag:s24] =	ssyncset.done $0x0  }
0x67: {  	s0 =	simm.s32 $0x4F80;
	s1 =	simm.s32 $0xA00;
	[sflag:s24] =	ssyncadd.s32 $0xFFFFFC18  }
.LBB2_2:
0x68: {  	[spmem:s2] =	stream.indirect.scatter.add.f32 [tilespmem:s23], [sflag:$0x2], $0x8, s0, s14, $0xb8;
	[tilespmem:$0x16CD8] =	vst v63  }
0x69: {  	s0 =	smov.u32 s1  }
0x6a: {  	p0 =	sne.s32 s1, $0x11800;
	s1 =	sadd.s32 $0xA00, s1;
	_ =	swait.ge [sflag:s30], $0x3E8  }
0x6b: {  	[sflag:s30] =	ssyncset.done $0x0  }
0x6c: {  	[sflag:s30] =	ssyncadd.s32 $0xFFFFFC18  }
0x6d: {  	_ =	swait.ge [sflag:s30], $0x3E8  }
0x6e: {  	[sflag:s30] =	ssyncset.done $0x0  }
0x6f: {  	[sflag:s30] =	ssyncadd.s32 $0xFFFFFC18  }
0x70: {  	_ =	swait.ge [sflag:s30], $0x3E8  }
0x71: {  	[sflag:s30] =	ssyncset.done $0x0  }
0x72: {  	[sflag:s30] =	ssyncadd.s32 $0xFFFFFC18  }
0x73: {  	_ =	swait.ge [sflag:s30], $0x3E8  }
0x74: {  	[sflag:s30] =	ssyncset.done $0x0  }
0x75: {  	[sflag:s30] =	ssyncadd.s32 $0xFFFFFC18  }
0x76: {  	_ =	swait.ge [sflag:s30], $0x3E8  }
0x77: {  	s0 =	sshra.s32 s0, $0x2;
	[sflag:s30] =	ssyncset.done $0x0  }
0x78: {  	s16 =	sadd.s32 $0x280, s0;
	[sflag:s30] =	ssyncadd.s32 $0xFFFFFC18  }
0x79: {  	[tilespmem:s15], [sflag:$0x1] =	stream.indirect.gather [hbm4b:s4+s14], $0x8, s16, s14, $0xb8;
	[tilespmem:$0x16CD8] =	vst v63  }
0x7a: {  	s16 =	sadd.s32 $0x300, s0  }
0x7b: {  	[tilespmem:s17], [sflag:$0x1] =	stream.indirect.gather [hbm4b:s4+s14], $0x8, s16, s14, $0xb8;
	[tilespmem:$0x16CD8] =	vst v63  }
0x7c: {  	s16 =	sadd.s32 $0x380, s0  }
0x7d: {  	[tilespmem:s19], [sflag:$0x1] =	stream.indirect.gather [hbm4b:s4+s14], $0x8, s16, s14, $0xb8;
	[tilespmem:$0x16CD8] =	vst v63  }
0x7e: {  	s16 =	sadd.s32 $0x400, s0  }
0x7f: {  	[tilespmem:s21], [sflag:$0x1] =	stream.indirect.gather [hbm4b:s4+s14], $0x8, s16, s14, $0xb8;
	[tilespmem:$0x16CD8] =	vst v63  }
0x80: {  	s16 =	sadd.s32 $0x480, s0  }
0x81: {  	[tilespmem:s23], [sflag:$0x1] =	stream.indirect.gather [hbm4b:s4+s14], $0x8, s16, s14, $0xb8;
	[tilespmem:$0x16CD8] =	vst v63  }
0x82: {  	_ =	swait.ge [sflag:s24], $0x3E8  }
0x83: {  	[sflag:s24] =	ssyncset.done $0x0  }
0x84: {  	s16 =	sadd.s32 $0x4D80, s0;
	[sflag:s24] =	ssyncadd.s32 $0xFFFFFC18  }
0x85: {  	[spmem:s2] =	stream.indirect.scatter.add.f32 [tilespmem:s15], [sflag:$0x2], $0x8, s16, s14, $0xb8;
	[tilespmem:$0x16CD8] =	vst v63  }
0x86: {  	_ =	swait.ge [sflag:s24], $0x3E8  }
0x87: {  	[sflag:s24] =	ssyncset.done $0x0  }
0x88: {  	s16 =	sadd.s32 $0x4E00, s0;
	[sflag:s24] =	ssyncadd.s32 $0xFFFFFC18  }
0x89: {  	[spmem:s2] =	stream.indirect.scatter.add.f32 [tilespmem:s17], [sflag:$0x2], $0x8, s16, s14, $0xb8;
	[tilespmem:$0x16CD8] =	vst v63  }
0x8a: {  	_ =	swait.ge [sflag:s24], $0x3E8  }
0x8b: {  	[sflag:s24] =	ssyncset.done $0x0  }
0x8c: {  	s16 =	sadd.s32 $0x4E80, s0;
	[sflag:s24] =	ssyncadd.s32 $0xFFFFFC18  }
0x8d: {  	[spmem:s2] =	stream.indirect.scatter.add.f32 [tilespmem:s19], [sflag:$0x2], $0x8, s16, s14, $0xb8;
	[tilespmem:$0x16CD8] =	vst v63  }
0x8e: {  	_ =	swait.ge [sflag:s24], $0x3E8  }
0x8f: {  	[sflag:s24] =	ssyncset.done $0x0  }
.Ltmp0:
0x90: {  	s16 =	sadd.s32 $0x4F00, s0;
	[sflag:s24] =	ssyncadd.s32 $0xFFFFFC18;
	(pc) =	sbr.rel @p0 .LBB2_2-.Ltmp0, $4  }
0x91: {  	[spmem:s2] =	stream.indirect.scatter.add.f32 [tilespmem:s21], [sflag:$0x2], $0x8, s16, s14, $0xb8;
	[tilespmem:$0x16CD8] =	vst v63  }
0x92: {  	_ =	swait.ge [sflag:s24], $0x3E8  }
0x93: {  	[sflag:s24] =	ssyncset.done $0x0  }
0x94: {  	s0 =	sadd.s32 $0x4F80, s0;
	[sflag:s24] =	ssyncadd.s32 $0xFFFFFC18  }
0x95: {  	[spmem:s2] =	stream.indirect.scatter.add.f32 [tilespmem:s23], [sflag:$0x2], $0x8, s0, s14, $0xb8;
	[tilespmem:$0x16CD8] =	vst v63  }
0x96: {  	_ =	swait.ge [sflag:s30], $0x3E8  }
0x97: {  	[sflag:s30] =	ssyncset.done $0x0  }
0x98: {  	[sflag:s30] =	ssyncadd.s32 $0xFFFFFC18  }
0x99: {  	_ =	swait.ge [sflag:s30], $0x3E8  }
0x9a: {  	[sflag:s30] =	ssyncset.done $0x0  }
0x9b: {  	[sflag:s30] =	ssyncadd.s32 $0xFFFFFC18  }
0x9c: {  	_ =	swait.ge [sflag:s30], $0x3E8  }
0x9d: {  	[sflag:s30] =	ssyncset.done $0x0  }
0x9e: {  	[sflag:s30] =	ssyncadd.s32 $0xFFFFFC18  }
0x9f: {  	_ =	swait.ge [sflag:s30], $0x3E8  }
0xa0: {  	[sflag:s30] =	ssyncset.done $0x0  }
0xa1: {  	[sflag:s30] =	ssyncadd.s32 $0xFFFFFC18  }
0xa2: {  	_ =	swait.ge [sflag:s30], $0x3E8  }
0xa3: {  	s31 =	sadd.s32 $0x1, s31;
	[sflag:s30] =	ssyncset.done $0x0  }
0xa4: {  	p0 =	sne.s32 s31, s10;
	[sflag:s30] =	ssyncadd.s32 $0xFFFFFC18  }
.Ltmp1:
0xa5: {  	[bflag:$0x0] =	sbarrier.arrive $0xFFFF;
	(pc) =	sbr.rel @p0 .LBB2_1-.Ltmp1, $4  }
0xa6: {  	[hbm:s9], [sflag:s6] =	dma.local [spmem:s11], $0x186A  }
0xa7: {  	_ =	swait.ge [sflag:s12], $0x186A  }
0xa8: {  	[sflag:s12] =	ssyncset.done $0x0  }
0xa9: {  	[sflag:s12] =	ssyncadd.s32 $0xFFFFE796  }
0xaa: {  	_ =	sfence.sel $0x180000  }
0xab: {  	[bflag:$0x0] =	sbarrier.arrive $0xFFFF  }
0xac: {  	_ =	strace $0x9000004A  }
0xad: {  	s0 =	stileid.u32;
	[bflag:$0x2] =	sbarrier.arrive $0xFFFF  }
0xae: {  	p0 =	sne.s32 s0, $0x0;
	s0 =	rddreg [dreg:$0x3]  }
0xaf: {  	s0 =	sadd.s32 @!p0 $0x100000, s0  }
0xb0: {  	[sflag:s0] =	ssyncadd.tile.s32 @!p0 $0x1;
	_ =	shalt  }
.Lfunc_end2:
_tile_overlayer_lowered:
.L_overlay_start_2:
0xb1: {  	(tag) =	ssettag $0x2  }
0xb2: {  	s0 =	rddreg [dreg:$0x0];
	s2 =	stileid.u32  }
0xb3: {  	s1 =	rddreg [dreg:$0x1];
	p0 =	sne.s32 s2, $0x0  }
0xb4: {  	s3 =	rddreg [dreg:$0x2];
	[bflag:$0x3] =	sbarrier.arrive $0xFFFF;
	s2 =	simm.s32 @!p0 $0x1C03  }
0xb5: {  	[timem:s3], [sflag:s2] =	dma.local @!p0 [hbm:s0], s1  }
0xb6: {  	s0 =	simm.s32 @!p0 $0x3  }
0xb7: {  	_ =	swait.ge @!p0 [sflag:s0], s1  }
0xb8: {  	s1 =	ssub.s32 @!p0 $0x0, s1;
	[sflag:s0] =	ssyncset.done @!p0 $0x0  }
0xb9: {  	[sflag:s0] =	ssyncadd.s32 @!p0 s1  }
0xba: {  	[bflag:$0x3] =	sbarrier.arrive $0xFFFF  }
0xbb: {  	_ =	shalt  }

</sc_bundles>
